<compile_context>
chip_gen: v7x
topology: tpu7x:2x2x1
jax: 0.10.2.dev20260603
libtpu: 0.0.44.dev20260713+nightly
codegen_flags: <defaults>
</compile_context>

<pallas_src>
import functools

import jax
import jax.numpy as jnp
from jax import lax
from jax.experimental import pallas as pl
from jax.experimental.pallas import tpu as pltpu
from jax.experimental.pallas import tpu_sc as plsc

VOCAB = 100000
EMBED = 64
N, T = 4096, 50
L = 16
UNROLL = 32

_INFO = plsc.get_sparse_core_info()
NC, NS = _INFO.num_cores, _INFO.num_subcores
NW = NC * NS
FPW = EMBED // NW

_mesh = plsc.VectorSubcoreMesh(core_axis_name="c", subcore_axis_name="s")


@functools.partial(
    pl.kernel,
    out_type=jax.ShapeDtypeStruct((T, EMBED, N), jnp.float32),
    mesh=_mesh,
    scratch_types=[
        pltpu.VMEM((VOCAB,), jnp.float32),
        pltpu.VMEM((2, N), jnp.int32),
        pltpu.VMEM((2, N), jnp.float32),
        pltpu.VMEM_SHARED((7, 8, N), jnp.int32),
        pltpu.SemaphoreType.DMA,
        pltpu.SemaphoreType.DMA,
        pltpu.SemaphoreType.DMA,
        pltpu.SemaphoreType.DMA,
    ],
    compiler_params=pltpu.CompilerParams(
        use_tc_tiling_on_sc=True, needs_layout_passes=False
    ),
)
def _embed_lookup(xt_hbm, wt_hbm, out_hbm, wrow, xrow, orow, xsh, x0, x1, o0, o1):
    cid = lax.axis_index("c")
    sid = lax.axis_index("s")
    xsem = [x0, x1]
    osem = [o0, o1]

    for k in range(T // 8):
        @pl.when(sid == k)
        def _(k=k):
            pltpu.sync_copy(xt_hbm.at[pl.ds(8 * k, 8)], xsh.at[k])

    @pl.when(sid == T // 8)
    def _():
        pltpu.sync_copy(
            xt_hbm.at[pl.ds(8 * (T // 8), T % 8)],
            xsh.at[T // 8, pl.ds(0, T % 8)],
        )

    plsc.subcore_barrier()

    def xsh_row(tb):
        return xsh.at[lax.div(tb, 8), lax.rem(tb, 8)]

    def gather_row(b):
        @plsc.parallel_loop(0, N, L, unroll=UNROLL)
        def _(i):
            idx16 = xrow[b, pl.ds(i, L)]
            orow[b, pl.ds(i, L)] = plsc.load_gather(wrow, [idx16])

    for f in range(FPW):
        d = cid * NS + NW * f + sid
        pltpu.sync_copy(wt_hbm.at[d], wrow)

        pltpu.async_copy(xsh.at[0, 0], xrow.at[0], xsem[0])
        pltpu.async_copy(xsh.at[0, 1], xrow.at[1], xsem[1])

        def tpair(i, carry):
            t = 2 * i
            for b in range(2):
                tb = t + b

                pltpu.make_async_copy(
                    xsh_row(tb), xrow.at[b], xsem[b]
                ).wait()

                @pl.when(tb >= 2)
                def _():
                    pltpu.make_async_copy(
                        orow.at[b], out_hbm.at[tb - 2, d], osem[b]
                    ).wait()

                gather_row(b)

                pltpu.async_copy(orow.at[b], out_hbm.at[tb, d], osem[b])

                @pl.when(tb + 2 < T)
                def _():
                    pltpu.async_copy(xsh_row(tb + 2), xrow.at[b], xsem[b])

            return carry

        lax.fori_loop(0, T // 2, tpair, 0)

        pltpu.make_async_copy(orow.at[0], out_hbm.at[T - 2, d], osem[0]).wait()
        pltpu.make_async_copy(orow.at[1], out_hbm.at[T - 1, d], osem[1]).wait()


def kernel(x, W_embed):
    out_t = _embed_lookup(x.T, W_embed.T)
    return out_t.transpose(2, 0, 1)

# --- scband reference (transcript-rebuilt; emitter-appended) ---
"""Pipeline reference for scband-word-embedding-3238405341525 (READ-ONLY COPY).

The authoritative reference and input builder live on the scoring server;
editing this copy changes nothing except your own understanding.
"""

import jax, jax.numpy as jnp
import numpy as np
import math

VOCAB = 100000
EMBED = 64
N, T = 4096, 50

def setup_inputs(seed: int = 0) -> dict:
    key = jax.random.key(seed)
    k_idx, k_w = jax.random.split(key)
    x = jax.random.randint(k_idx, (N, T), 0, VOCAB, dtype=jnp.int64 if jax.config.jax_enable_x64 else jnp.int32)
    W_embed = jax.random.normal(k_w, (VOCAB, EMBED), dtype=jnp.float32) / math.sqrt(VOCAB)
    return {"x": x, "W_embed": W_embed}

def reference(x, W_embed):
    # out = self.W_embed[x] -> gather rows of the embedding table
    out = jnp.take(W_embed, x, axis=0)
    return out

if __name__ == "__main__":
    import jax
    _d = setup_inputs()
    print(jax.jit(kernel)(*tuple(_d.values())))

</pallas_src>

<mosaic_0001>
#map = affine_map<(d0, d1) -> (0, 0)>
#map1 = affine_map<(d0, d1) -> (0, 0, 0)>
module attributes {stable_mosaic.version = 14 : i64} {
  func.func @_embed_lookup(%arg0: i32, %arg1: i32, %arg2: memref<50x4096xi32, #tpu.memory_space<hbm>>, %arg3: memref<64x100000xf32, #tpu.memory_space<hbm>>, %arg4: memref<50x64x4096xf32, #tpu.memory_space<hbm>>, %arg5: memref<100000xf32, #tpu.memory_space<vmem>>, %arg6: memref<2x4096xi32, #tpu.memory_space<vmem>>, %arg7: memref<2x4096xf32, #tpu.memory_space<vmem>>, %arg8: memref<7x8x4096xi32, #tpu.memory_space<vmem_shared>>, %arg9: memref<!tpu.dma_semaphore, #tpu.memory_space<semaphore_mem>>, %arg10: memref<!tpu.dma_semaphore, #tpu.memory_space<semaphore_mem>>, %arg11: memref<!tpu.dma_semaphore, #tpu.memory_space<semaphore_mem>>, %arg12: memref<!tpu.dma_semaphore, #tpu.memory_space<semaphore_mem>>) attributes {dimension_semantics = [#tpu.dimension_semantics<core_parallel>, #tpu.dimension_semantics<subcore_parallel>], iteration_bounds = array<i64: 2, 16>, scalar_prefetch = 0 : i64, scratch_operands = 8 : i64, tpu.core_type = #tpu.core_type<sc_vector_subcore>, window_params = [{transform_indices = #map}, {transform_indices = #map}, {transform_indices = #map1}]} {
    %eq3A = arith.constant 0 : i32
    %eq3A_0 = arith.cmpi eq, %arg1, %eq3A : i32
    %convert_element_type3A = arith.extui %eq3A_0 : i1 to i32
    %cond3A = arith.constant 0 : i32
    %cond3A_1 = arith.cmpi ne, %convert_element_type3A, %cond3A : i32
    scf.if %cond3A_1 {
      %run_scoped3A = arith.constant 0 : i32
      "tpu.region"() ({
        %run_scoped3A_165 = tpu.sem_alloc : memref<!tpu.dma_semaphore, #tpu.memory_space<semaphore_mem>>
        %dma_start3A_166 = arith.constant 0 : i32
        %dma_start3A_167 = arith.constant 0 : i32
        %dma_start3A_168 = tpu.memref_slice %arg8[%run_scoped3A, %dma_start3A_166, %dma_start3A_167] : memref<7x8x4096xi32, #tpu.memory_space<vmem_shared>> -> memref<1x8x4096xi32, #tpu.memory_space<vmem_shared>>
        %dma_start3A_169 = tpu.memref_squeeze %dma_start3A_168 : memref<1x8x4096xi32, #tpu.memory_space<vmem_shared>> -> memref<8x4096xi32, #tpu.memory_space<vmem_shared>>
        %dma_start3A_170 = arith.constant 0 : i32
        %dma_start3A_171 = arith.constant 0 : i32
        %dma_start3A_172 = tpu.memref_slice %arg2[%dma_start3A_170, %dma_start3A_171] : memref<50x4096xi32, #tpu.memory_space<hbm>> -> memref<8x4096xi32, #tpu.memory_space<hbm>>
        tpu.enqueue_dma source(%dma_start3A_172 : memref<8x4096xi32, #tpu.memory_space<hbm>>) target(%dma_start3A_169 : memref<8x4096xi32, #tpu.memory_space<vmem_shared>>) target_semaphore(%run_scoped3A_165 : memref<!tpu.dma_semaphore, #tpu.memory_space<semaphore_mem>>)
        %dma_wait3A_173 = arith.constant 0 : i32
        %dma_wait3A_174 = arith.constant 0 : i32
        %dma_wait3A_175 = tpu.memref_slice %arg8[%run_scoped3A, %dma_wait3A_173, %dma_wait3A_174] : memref<7x8x4096xi32, #tpu.memory_space<vmem_shared>> -> memref<1x8x4096xi32, #tpu.memory_space<vmem_shared>>
        %dma_wait3A_176 = tpu.memref_squeeze %dma_wait3A_175 : memref<1x8x4096xi32, #tpu.memory_space<vmem_shared>> -> memref<8x4096xi32, #tpu.memory_space<vmem_shared>>
        %dma_wait3A_177 = arith.constant 0 : i32
        %dma_wait3A_178 = arith.constant 0 : i32
        %dma_wait3A_179 = tpu.memref_slice %arg2[%dma_wait3A_177, %dma_wait3A_178] : memref<50x4096xi32, #tpu.memory_space<hbm>> -> memref<8x4096xi32, #tpu.memory_space<hbm>>
        tpu.wait_dma2 semaphore(%run_scoped3A_165 : memref<!tpu.dma_semaphore, #tpu.memory_space<semaphore_mem>>) src(%dma_wait3A_179 : memref<8x4096xi32, #tpu.memory_space<hbm>>) dst(%dma_wait3A_176 : memref<8x4096xi32, #tpu.memory_space<vmem_shared>>)
        tpu.yield
      }) : () -> ()
    } else {
    }
    %eq3A_2 = arith.constant 1 : i32
    %eq3A_3 = arith.cmpi eq, %arg1, %eq3A_2 : i32
    %convert_element_type3A_4 = arith.extui %eq3A_3 : i1 to i32
    %cond3A_5 = arith.constant 0 : i32
    %cond3A_6 = arith.cmpi ne, %convert_element_type3A_4, %cond3A_5 : i32
    scf.if %cond3A_6 {
      %run_scoped3A = arith.constant 1 : i32
      "tpu.region"() ({
        %run_scoped3A_165 = tpu.sem_alloc : memref<!tpu.dma_semaphore, #tpu.memory_space<semaphore_mem>>
        %dma_start3A_166 = arith.constant 0 : i32
        %dma_start3A_167 = arith.constant 0 : i32
        %dma_start3A_168 = tpu.memref_slice %arg8[%run_scoped3A, %dma_start3A_166, %dma_start3A_167] : memref<7x8x4096xi32, #tpu.memory_space<vmem_shared>> -> memref<1x8x4096xi32, #tpu.memory_space<vmem_shared>>
        %dma_start3A_169 = tpu.memref_squeeze %dma_start3A_168 : memref<1x8x4096xi32, #tpu.memory_space<vmem_shared>> -> memref<8x4096xi32, #tpu.memory_space<vmem_shared>>
        %dma_start3A_170 = arith.constant 8 : i32
        %dma_start3A_171 = arith.constant 0 : i32
        %dma_start3A_172 = tpu.memref_slice %arg2[%dma_start3A_170, %dma_start3A_171] : memref<50x4096xi32, #tpu.memory_space<hbm>> -> memref<8x4096xi32, #tpu.memory_space<hbm>>
        tpu.enqueue_dma source(%dma_start3A_172 : memref<8x4096xi32, #tpu.memory_space<hbm>>) target(%dma_start3A_169 : memref<8x4096xi32, #tpu.memory_space<vmem_shared>>) target_semaphore(%run_scoped3A_165 : memref<!tpu.dma_semaphore, #tpu.memory_space<semaphore_mem>>)
        %dma_wait3A_173 = arith.constant 0 : i32
        %dma_wait3A_174 = arith.constant 0 : i32
        %dma_wait3A_175 = tpu.memref_slice %arg8[%run_scoped3A, %dma_wait3A_173, %dma_wait3A_174] : memref<7x8x4096xi32, #tpu.memory_space<vmem_shared>> -> memref<1x8x4096xi32, #tpu.memory_space<vmem_shared>>
        %dma_wait3A_176 = tpu.memref_squeeze %dma_wait3A_175 : memref<1x8x4096xi32, #tpu.memory_space<vmem_shared>> -> memref<8x4096xi32, #tpu.memory_space<vmem_shared>>
        %dma_wait3A_177 = arith.constant 8 : i32
        %dma_wait3A_178 = arith.constant 0 : i32
        %dma_wait3A_179 = tpu.memref_slice %arg2[%dma_wait3A_177, %dma_wait3A_178] : memref<50x4096xi32, #tpu.memory_space<hbm>> -> memref<8x4096xi32, #tpu.memory_space<hbm>>
        tpu.wait_dma2 semaphore(%run_scoped3A_165 : memref<!tpu.dma_semaphore, #tpu.memory_space<semaphore_mem>>) src(%dma_wait3A_179 : memref<8x4096xi32, #tpu.memory_space<hbm>>) dst(%dma_wait3A_176 : memref<8x4096xi32, #tpu.memory_space<vmem_shared>>)
        tpu.yield
      }) : () -> ()
    } else {
    }
    %eq3A_7 = arith.constant 2 : i32
    %eq3A_8 = arith.cmpi eq, %arg1, %eq3A_7 : i32
    %convert_element_type3A_9 = arith.extui %eq3A_8 : i1 to i32
    %cond3A_10 = arith.constant 0 : i32
    %cond3A_11 = arith.cmpi ne, %convert_element_type3A_9, %cond3A_10 : i32
    scf.if %cond3A_11 {
      %run_scoped3A = arith.constant 2 : i32
      "tpu.region"() ({
        %run_scoped3A_165 = tpu.sem_alloc : memref<!tpu.dma_semaphore, #tpu.memory_space<semaphore_mem>>
        %dma_start3A_166 = arith.constant 0 : i32
        %dma_start3A_167 = arith.constant 0 : i32
        %dma_start3A_168 = tpu.memref_slice %arg8[%run_scoped3A, %dma_start3A_166, %dma_start3A_167] : memref<7x8x4096xi32, #tpu.memory_space<vmem_shared>> -> memref<1x8x4096xi32, #tpu.memory_space<vmem_shared>>
        %dma_start3A_169 = tpu.memref_squeeze %dma_start3A_168 : memref<1x8x4096xi32, #tpu.memory_space<vmem_shared>> -> memref<8x4096xi32, #tpu.memory_space<vmem_shared>>
        %dma_start3A_170 = arith.constant 16 : i32
        %dma_start3A_171 = arith.constant 0 : i32
        %dma_start3A_172 = tpu.memref_slice %arg2[%dma_start3A_170, %dma_start3A_171] : memref<50x4096xi32, #tpu.memory_space<hbm>> -> memref<8x4096xi32, #tpu.memory_space<hbm>>
        tpu.enqueue_dma source(%dma_start3A_172 : memref<8x4096xi32, #tpu.memory_space<hbm>>) target(%dma_start3A_169 : memref<8x4096xi32, #tpu.memory_space<vmem_shared>>) target_semaphore(%run_scoped3A_165 : memref<!tpu.dma_semaphore, #tpu.memory_space<semaphore_mem>>)
        %dma_wait3A_173 = arith.constant 0 : i32
        %dma_wait3A_174 = arith.constant 0 : i32
        %dma_wait3A_175 = tpu.memref_slice %arg8[%run_scoped3A, %dma_wait3A_173, %dma_wait3A_174] : memref<7x8x4096xi32, #tpu.memory_space<vmem_shared>> -> memref<1x8x4096xi32, #tpu.memory_space<vmem_shared>>
        %dma_wait3A_176 = tpu.memref_squeeze %dma_wait3A_175 : memref<1x8x4096xi32, #tpu.memory_space<vmem_shared>> -> memref<8x4096xi32, #tpu.memory_space<vmem_shared>>
        %dma_wait3A_177 = arith.constant 16 : i32
        %dma_wait3A_178 = arith.constant 0 : i32
        %dma_wait3A_179 = tpu.memref_slice %arg2[%dma_wait3A_177, %dma_wait3A_178] : memref<50x4096xi32, #tpu.memory_space<hbm>> -> memref<8x4096xi32, #tpu.memory_space<hbm>>
        tpu.wait_dma2 semaphore(%run_scoped3A_165 : memref<!tpu.dma_semaphore, #tpu.memory_space<semaphore_mem>>) src(%dma_wait3A_179 : memref<8x4096xi32, #tpu.memory_space<hbm>>) dst(%dma_wait3A_176 : memref<8x4096xi32, #tpu.memory_space<vmem_shared>>)
        tpu.yield
      }) : () -> ()
    } else {
    }
    %eq3A_12 = arith.constant 3 : i32
    %eq3A_13 = arith.cmpi eq, %arg1, %eq3A_12 : i32
    %convert_element_type3A_14 = arith.extui %eq3A_13 : i1 to i32
    %cond3A_15 = arith.constant 0 : i32
    %cond3A_16 = arith.cmpi ne, %convert_element_type3A_14, %cond3A_15 : i32
    scf.if %cond3A_16 {
      %run_scoped3A = arith.constant 3 : i32
      "tpu.region"() ({
        %run_scoped3A_165 = tpu.sem_alloc : memref<!tpu.dma_semaphore, #tpu.memory_space<semaphore_mem>>
        %dma_start3A_166 = arith.constant 0 : i32
        %dma_start3A_167 = arith.constant 0 : i32
        %dma_start3A_168 = tpu.memref_slice %arg8[%run_scoped3A, %dma_start3A_166, %dma_start3A_167] : memref<7x8x4096xi32, #tpu.memory_space<vmem_shared>> -> memref<1x8x4096xi32, #tpu.memory_space<vmem_shared>>
        %dma_start3A_169 = tpu.memref_squeeze %dma_start3A_168 : memref<1x8x4096xi32, #tpu.memory_space<vmem_shared>> -> memref<8x4096xi32, #tpu.memory_space<vmem_shared>>
        %dma_start3A_170 = arith.constant 24 : i32
        %dma_start3A_171 = arith.constant 0 : i32
        %dma_start3A_172 = tpu.memref_slice %arg2[%dma_start3A_170, %dma_start3A_171] : memref<50x4096xi32, #tpu.memory_space<hbm>> -> memref<8x4096xi32, #tpu.memory_space<hbm>>
        tpu.enqueue_dma source(%dma_start3A_172 : memref<8x4096xi32, #tpu.memory_space<hbm>>) target(%dma_start3A_169 : memref<8x4096xi32, #tpu.memory_space<vmem_shared>>) target_semaphore(%run_scoped3A_165 : memref<!tpu.dma_semaphore, #tpu.memory_space<semaphore_mem>>)
        %dma_wait3A_173 = arith.constant 0 : i32
        %dma_wait3A_174 = arith.constant 0 : i32
        %dma_wait3A_175 = tpu.memref_slice %arg8[%run_scoped3A, %dma_wait3A_173, %dma_wait3A_174] : memref<7x8x4096xi32, #tpu.memory_space<vmem_shared>> -> memref<1x8x4096xi32, #tpu.memory_space<vmem_shared>>
        %dma_wait3A_176 = tpu.memref_squeeze %dma_wait3A_175 : memref<1x8x4096xi32, #tpu.memory_space<vmem_shared>> -> memref<8x4096xi32, #tpu.memory_space<vmem_shared>>
        %dma_wait3A_177 = arith.constant 24 : i32
        %dma_wait3A_178 = arith.constant 0 : i32
        %dma_wait3A_179 = tpu.memref_slice %arg2[%dma_wait3A_177, %dma_wait3A_178] : memref<50x4096xi32, #tpu.memory_space<hbm>> -> memref<8x4096xi32, #tpu.memory_space<hbm>>
        tpu.wait_dma2 semaphore(%run_scoped3A_165 : memref<!tpu.dma_semaphore, #tpu.memory_space<semaphore_mem>>) src(%dma_wait3A_179 : memref<8x4096xi32, #tpu.memory_space<hbm>>) dst(%dma_wait3A_176 : memref<8x4096xi32, #tpu.memory_space<vmem_shared>>)
        tpu.yield
      }) : () -> ()
    } else {
    }
    %eq3A_17 = arith.constant 4 : i32
    %eq3A_18 = arith.cmpi eq, %arg1, %eq3A_17 : i32
    %convert_element_type3A_19 = arith.extui %eq3A_18 : i1 to i32
    %cond3A_20 = arith.constant 0 : i32
    %cond3A_21 = arith.cmpi ne, %convert_element_type3A_19, %cond3A_20 : i32
    scf.if %cond3A_21 {
      %run_scoped3A = arith.constant 4 : i32
      "tpu.region"() ({
        %run_scoped3A_165 = tpu.sem_alloc : memref<!tpu.dma_semaphore, #tpu.memory_space<semaphore_mem>>
        %dma_start3A_166 = arith.constant 0 : i32
        %dma_start3A_167 = arith.constant 0 : i32
        %dma_start3A_168 = tpu.memref_slice %arg8[%run_scoped3A, %dma_start3A_166, %dma_start3A_167] : memref<7x8x4096xi32, #tpu.memory_space<vmem_shared>> -> memref<1x8x4096xi32, #tpu.memory_space<vmem_shared>>
        %dma_start3A_169 = tpu.memref_squeeze %dma_start3A_168 : memref<1x8x4096xi32, #tpu.memory_space<vmem_shared>> -> memref<8x4096xi32, #tpu.memory_space<vmem_shared>>
        %dma_start3A_170 = arith.constant 32 : i32
        %dma_start3A_171 = arith.constant 0 : i32
        %dma_start3A_172 = tpu.memref_slice %arg2[%dma_start3A_170, %dma_start3A_171] : memref<50x4096xi32, #tpu.memory_space<hbm>> -> memref<8x4096xi32, #tpu.memory_space<hbm>>
        tpu.enqueue_dma source(%dma_start3A_172 : memref<8x4096xi32, #tpu.memory_space<hbm>>) target(%dma_start3A_169 : memref<8x4096xi32, #tpu.memory_space<vmem_shared>>) target_semaphore(%run_scoped3A_165 : memref<!tpu.dma_semaphore, #tpu.memory_space<semaphore_mem>>)
        %dma_wait3A_173 = arith.constant 0 : i32
        %dma_wait3A_174 = arith.constant 0 : i32
        %dma_wait3A_175 = tpu.memref_slice %arg8[%run_scoped3A, %dma_wait3A_173, %dma_wait3A_174] : memref<7x8x4096xi32, #tpu.memory_space<vmem_shared>> -> memref<1x8x4096xi32, #tpu.memory_space<vmem_shared>>
        %dma_wait3A_176 = tpu.memref_squeeze %dma_wait3A_175 : memref<1x8x4096xi32, #tpu.memory_space<vmem_shared>> -> memref<8x4096xi32, #tpu.memory_space<vmem_shared>>
        %dma_wait3A_177 = arith.constant 32 : i32
        %dma_wait3A_178 = arith.constant 0 : i32
        %dma_wait3A_179 = tpu.memref_slice %arg2[%dma_wait3A_177, %dma_wait3A_178] : memref<50x4096xi32, #tpu.memory_space<hbm>> -> memref<8x4096xi32, #tpu.memory_space<hbm>>
        tpu.wait_dma2 semaphore(%run_scoped3A_165 : memref<!tpu.dma_semaphore, #tpu.memory_space<semaphore_mem>>) src(%dma_wait3A_179 : memref<8x4096xi32, #tpu.memory_space<hbm>>) dst(%dma_wait3A_176 : memref<8x4096xi32, #tpu.memory_space<vmem_shared>>)
        tpu.yield
      }) : () -> ()
    } else {
    }
    %eq3A_22 = arith.constant 5 : i32
    %eq3A_23 = arith.cmpi eq, %arg1, %eq3A_22 : i32
    %convert_element_type3A_24 = arith.extui %eq3A_23 : i1 to i32
    %cond3A_25 = arith.constant 0 : i32
    %cond3A_26 = arith.cmpi ne, %convert_element_type3A_24, %cond3A_25 : i32
    scf.if %cond3A_26 {
      %run_scoped3A = arith.constant 5 : i32
      "tpu.region"() ({
        %run_scoped3A_165 = tpu.sem_alloc : memref<!tpu.dma_semaphore, #tpu.memory_space<semaphore_mem>>
        %dma_start3A_166 = arith.constant 0 : i32
        %dma_start3A_167 = arith.constant 0 : i32
        %dma_start3A_168 = tpu.memref_slice %arg8[%run_scoped3A, %dma_start3A_166, %dma_start3A_167] : memref<7x8x4096xi32, #tpu.memory_space<vmem_shared>> -> memref<1x8x4096xi32, #tpu.memory_space<vmem_shared>>
        %dma_start3A_169 = tpu.memref_squeeze %dma_start3A_168 : memref<1x8x4096xi32, #tpu.memory_space<vmem_shared>> -> memref<8x4096xi32, #tpu.memory_space<vmem_shared>>
        %dma_start3A_170 = arith.constant 40 : i32
        %dma_start3A_171 = arith.constant 0 : i32
        %dma_start3A_172 = tpu.memref_slice %arg2[%dma_start3A_170, %dma_start3A_171] : memref<50x4096xi32, #tpu.memory_space<hbm>> -> memref<8x4096xi32, #tpu.memory_space<hbm>>
        tpu.enqueue_dma source(%dma_start3A_172 : memref<8x4096xi32, #tpu.memory_space<hbm>>) target(%dma_start3A_169 : memref<8x4096xi32, #tpu.memory_space<vmem_shared>>) target_semaphore(%run_scoped3A_165 : memref<!tpu.dma_semaphore, #tpu.memory_space<semaphore_mem>>)
        %dma_wait3A_173 = arith.constant 0 : i32
        %dma_wait3A_174 = arith.constant 0 : i32
        %dma_wait3A_175 = tpu.memref_slice %arg8[%run_scoped3A, %dma_wait3A_173, %dma_wait3A_174] : memref<7x8x4096xi32, #tpu.memory_space<vmem_shared>> -> memref<1x8x4096xi32, #tpu.memory_space<vmem_shared>>
        %dma_wait3A_176 = tpu.memref_squeeze %dma_wait3A_175 : memref<1x8x4096xi32, #tpu.memory_space<vmem_shared>> -> memref<8x4096xi32, #tpu.memory_space<vmem_shared>>
        %dma_wait3A_177 = arith.constant 40 : i32
        %dma_wait3A_178 = arith.constant 0 : i32
        %dma_wait3A_179 = tpu.memref_slice %arg2[%dma_wait3A_177, %dma_wait3A_178] : memref<50x4096xi32, #tpu.memory_space<hbm>> -> memref<8x4096xi32, #tpu.memory_space<hbm>>
        tpu.wait_dma2 semaphore(%run_scoped3A_165 : memref<!tpu.dma_semaphore, #tpu.memory_space<semaphore_mem>>) src(%dma_wait3A_179 : memref<8x4096xi32, #tpu.memory_space<hbm>>) dst(%dma_wait3A_176 : memref<8x4096xi32, #tpu.memory_space<vmem_shared>>)
        tpu.yield
      }) : () -> ()
    } else {
    }
    %eq3A_27 = arith.constant 6 : i32
    %eq3A_28 = arith.cmpi eq, %arg1, %eq3A_27 : i32
    %convert_element_type3A_29 = arith.extui %eq3A_28 : i1 to i32
    %cond3A_30 = arith.constant 0 : i32
    %cond3A_31 = arith.cmpi ne, %convert_element_type3A_29, %cond3A_30 : i32
    scf.if %cond3A_31 {
      %run_scoped3A = arith.constant 6 : i32
      "tpu.region"() ({
        %run_scoped3A_165 = tpu.sem_alloc : memref<!tpu.dma_semaphore, #tpu.memory_space<semaphore_mem>>
        %dma_start3A_166 = arith.constant 0 : i32
        %dma_start3A_167 = arith.constant 0 : i32
        %dma_start3A_168 = tpu.memref_slice %arg8[%run_scoped3A, %dma_start3A_166, %dma_start3A_167] : memref<7x8x4096xi32, #tpu.memory_space<vmem_shared>> -> memref<1x2x4096xi32, #tpu.memory_space<vmem_shared>>
        %dma_start3A_169 = tpu.memref_squeeze %dma_start3A_168 : memref<1x2x4096xi32, #tpu.memory_space<vmem_shared>> -> memref<2x4096xi32, #tpu.memory_space<vmem_shared>>
        %dma_start3A_170 = arith.constant 48 : i32
        %dma_start3A_171 = arith.constant 0 : i32
        %dma_start3A_172 = tpu.memref_slice %arg2[%dma_start3A_170, %dma_start3A_171] : memref<50x4096xi32, #tpu.memory_space<hbm>> -> memref<2x4096xi32, #tpu.memory_space<hbm>>
        tpu.enqueue_dma source(%dma_start3A_172 : memref<2x4096xi32, #tpu.memory_space<hbm>>) target(%dma_start3A_169 : memref<2x4096xi32, #tpu.memory_space<vmem_shared>>) target_semaphore(%run_scoped3A_165 : memref<!tpu.dma_semaphore, #tpu.memory_space<semaphore_mem>>)
        %dma_wait3A_173 = arith.constant 0 : i32
        %dma_wait3A_174 = arith.constant 0 : i32
        %dma_wait3A_175 = tpu.memref_slice %arg8[%run_scoped3A, %dma_wait3A_173, %dma_wait3A_174] : memref<7x8x4096xi32, #tpu.memory_space<vmem_shared>> -> memref<1x2x4096xi32, #tpu.memory_space<vmem_shared>>
        %dma_wait3A_176 = tpu.memref_squeeze %dma_wait3A_175 : memref<1x2x4096xi32, #tpu.memory_space<vmem_shared>> -> memref<2x4096xi32, #tpu.memory_space<vmem_shared>>
        %dma_wait3A_177 = arith.constant 48 : i32
        %dma_wait3A_178 = arith.constant 0 : i32
        %dma_wait3A_179 = tpu.memref_slice %arg2[%dma_wait3A_177, %dma_wait3A_178] : memref<50x4096xi32, #tpu.memory_space<hbm>> -> memref<2x4096xi32, #tpu.memory_space<hbm>>
        tpu.wait_dma2 semaphore(%run_scoped3A_165 : memref<!tpu.dma_semaphore, #tpu.memory_space<semaphore_mem>>) src(%dma_wait3A_179 : memref<2x4096xi32, #tpu.memory_space<hbm>>) dst(%dma_wait3A_176 : memref<2x4096xi32, #tpu.memory_space<vmem_shared>>)
        tpu.yield
      }) : () -> ()
    } else {
    }
    %barrier3A = arith.constant 0 : index
    tpu.barrier barrier_id(%barrier3A)
    %mul3A = arith.constant 16 : i32
    %mul3A_32 = arith.muli %arg0, %mul3A : i32
    %add3A = arith.constant 0 : i32
    %add3A_33 = arith.addi %mul3A_32, %add3A : i32
    %add3A_34 = arith.addi %add3A_33, %arg1 : i32
    "tpu.region"() ({
      %run_scoped3A = tpu.sem_alloc : memref<!tpu.dma_semaphore, #tpu.memory_space<semaphore_mem>>
      %dma_start3A_165 = arith.constant 0 : i32
      %dma_start3A_166 = tpu.memref_slice %arg3[%add3A_34, %dma_start3A_165] : memref<64x100000xf32, #tpu.memory_space<hbm>> -> memref<1x100000xf32, #tpu.memory_space<hbm>>
      %dma_start3A_167 = tpu.memref_squeeze %dma_start3A_166 : memref<1x100000xf32, #tpu.memory_space<hbm>> -> memref<100000xf32, #tpu.memory_space<hbm>>
      %dma_start3A_168 = arith.constant 0 : i32
      %dma_start3A_169 = tpu.memref_slice %arg3[%add3A_34, %dma_start3A_168] : memref<64x100000xf32, #tpu.memory_space<hbm>> -> memref<1x100000xf32, #tpu.memory_space<hbm>>
      %dma_start3A_170 = tpu.memref_squeeze %dma_start3A_169 : memref<1x100000xf32, #tpu.memory_space<hbm>> -> memref<100000xf32, #tpu.memory_space<hbm>>
      tpu.enqueue_dma source(%dma_start3A_170 : memref<100000xf32, #tpu.memory_space<hbm>>) target(%arg5 : memref<100000xf32, #tpu.memory_space<vmem>>) target_semaphore(%run_scoped3A : memref<!tpu.dma_semaphore, #tpu.memory_space<semaphore_mem>>)
      %dma_wait3A_171 = arith.constant 0 : i32
      %dma_wait3A_172 = tpu.memref_slice %arg3[%add3A_34, %dma_wait3A_171] : memref<64x100000xf32, #tpu.memory_space<hbm>> -> memref<1x100000xf32, #tpu.memory_space<hbm>>
      %dma_wait3A_173 = tpu.memref_squeeze %dma_wait3A_172 : memref<1x100000xf32, #tpu.memory_space<hbm>> -> memref<100000xf32, #tpu.memory_space<hbm>>
      %dma_wait3A_174 = arith.constant 0 : i32
      %dma_wait3A_175 = tpu.memref_slice %arg3[%add3A_34, %dma_wait3A_174] : memref<64x100000xf32, #tpu.memory_space<hbm>> -> memref<1x100000xf32, #tpu.memory_space<hbm>>
      %dma_wait3A_176 = tpu.memref_squeeze %dma_wait3A_175 : memref<1x100000xf32, #tpu.memory_space<hbm>> -> memref<100000xf32, #tpu.memory_space<hbm>>
      tpu.wait_dma2 semaphore(%run_scoped3A : memref<!tpu.dma_semaphore, #tpu.memory_space<semaphore_mem>>) src(%dma_wait3A_176 : memref<100000xf32, #tpu.memory_space<hbm>>) dst(%arg5 : memref<100000xf32, #tpu.memory_space<vmem>>)
      tpu.yield
    }) : () -> ()
    %dma_start3A = arith.constant 0 : i32
    %dma_start3A_35 = arith.constant 0 : i32
    %dma_start3A_36 = arith.constant 0 : i32
    %dma_start3A_37 = arith.constant 0 : i32
    %dma_start3A_38 = tpu.memref_slice %arg6[%dma_start3A_36, %dma_start3A_37] : memref<2x4096xi32, #tpu.memory_space<vmem>> -> memref<1x4096xi32, #tpu.memory_space<vmem>>
    %dma_start3A_39 = tpu.memref_squeeze %dma_start3A_38 : memref<1x4096xi32, #tpu.memory_space<vmem>> -> memref<4096xi32, #tpu.memory_space<vmem>>
    %dma_start3A_40 = arith.constant 0 : i32
    %dma_start3A_41 = tpu.memref_slice %arg8[%dma_start3A, %dma_start3A_35, %dma_start3A_40] : memref<7x8x4096xi32, #tpu.memory_space<vmem_shared>> -> memref<1x1x4096xi32, #tpu.memory_space<vmem_shared>>
    %dma_start3A_42 = tpu.memref_squeeze %dma_start3A_41 : memref<1x1x4096xi32, #tpu.memory_space<vmem_shared>> -> memref<4096xi32, #tpu.memory_space<vmem_shared>>
    %dma_start3A_43 = arith.constant 0 : i32
    %dma_start3A_44 = tpu.memref_slice %arg6[%dma_start3A_36, %dma_start3A_43] : memref<2x4096xi32, #tpu.memory_space<vmem>> -> memref<1x4096xi32, #tpu.memory_space<vmem>>
    %dma_start3A_45 = tpu.memref_squeeze %dma_start3A_44 : memref<1x4096xi32, #tpu.memory_space<vmem>> -> memref<4096xi32, #tpu.memory_space<vmem>>
    %dma_start3A_46 = arith.constant 0 : i32
    %dma_start3A_47 = tpu.memref_slice %arg8[%dma_start3A, %dma_start3A_35, %dma_start3A_46] : memref<7x8x4096xi32, #tpu.memory_space<vmem_shared>> -> memref<1x1x4096xi32, #tpu.memory_space<vmem_shared>>
    %dma_start3A_48 = tpu.memref_squeeze %dma_start3A_47 : memref<1x1x4096xi32, #tpu.memory_space<vmem_shared>> -> memref<4096xi32, #tpu.memory_space<vmem_shared>>
    tpu.enqueue_dma source(%dma_start3A_48 : memref<4096xi32, #tpu.memory_space<vmem_shared>>) target(%dma_start3A_45 : memref<4096xi32, #tpu.memory_space<vmem>>) target_semaphore(%arg9 : memref<!tpu.dma_semaphore, #tpu.memory_space<semaphore_mem>>)
    %dma_start3A_49 = arith.constant 0 : i32
    %dma_start3A_50 = arith.constant 1 : i32
    %dma_start3A_51 = arith.constant 1 : i32
    %dma_start3A_52 = arith.constant 0 : i32
    %dma_start3A_53 = tpu.memref_slice %arg6[%dma_start3A_51, %dma_start3A_52] : memref<2x4096xi32, #tpu.memory_space<vmem>> -> memref<1x4096xi32, #tpu.memory_space<vmem>>
    %dma_start3A_54 = tpu.memref_squeeze %dma_start3A_53 : memref<1x4096xi32, #tpu.memory_space<vmem>> -> memref<4096xi32, #tpu.memory_space<vmem>>
    %dma_start3A_55 = arith.constant 0 : i32
    %dma_start3A_56 = tpu.memref_slice %arg8[%dma_start3A_49, %dma_start3A_50, %dma_start3A_55] : memref<7x8x4096xi32, #tpu.memory_space<vmem_shared>> -> memref<1x1x4096xi32, #tpu.memory_space<vmem_shared>>
    %dma_start3A_57 = tpu.memref_squeeze %dma_start3A_56 : memref<1x1x4096xi32, #tpu.memory_space<vmem_shared>> -> memref<4096xi32, #tpu.memory_space<vmem_shared>>
    %dma_start3A_58 = arith.constant 0 : i32
    %dma_start3A_59 = tpu.memref_slice %arg6[%dma_start3A_51, %dma_start3A_58] : memref<2x4096xi32, #tpu.memory_space<vmem>> -> memref<1x4096xi32, #tpu.memory_space<vmem>>
    %dma_start3A_60 = tpu.memref_squeeze %dma_start3A_59 : memref<1x4096xi32, #tpu.memory_space<vmem>> -> memref<4096xi32, #tpu.memory_space<vmem>>
    %dma_start3A_61 = arith.constant 0 : i32
    %dma_start3A_62 = tpu.memref_slice %arg8[%dma_start3A_49, %dma_start3A_50, %dma_start3A_61] : memref<7x8x4096xi32, #tpu.memory_space<vmem_shared>> -> memref<1x1x4096xi32, #tpu.memory_space<vmem_shared>>
    %dma_start3A_63 = tpu.memref_squeeze %dma_start3A_62 : memref<1x1x4096xi32, #tpu.memory_space<vmem_shared>> -> memref<4096xi32, #tpu.memory_space<vmem_shared>>
    tpu.enqueue_dma source(%dma_start3A_63 : memref<4096xi32, #tpu.memory_space<vmem_shared>>) target(%dma_start3A_60 : memref<4096xi32, #tpu.memory_space<vmem>>) target_semaphore(%arg10 : memref<!tpu.dma_semaphore, #tpu.memory_space<semaphore_mem>>)
    %scan3A = arith.constant 0 : i32
    %scan3A_64 = arith.constant 0 : i32
    %scan3A_65 = arith.constant 25 : i32
    %scan3A_66 = arith.addi %scan3A_64, %scan3A_65 : i32
    %scan3A_67 = arith.constant 1 : i32
    scf.for %scan3A_165 = %scan3A_64 to %scan3A_66 step %scan3A_67  : i32 {
      %mul3A_166 = arith.constant 2 : i32
      %mul3A_167 = arith.muli %mul3A_166, %scan3A_165 : i32
      %add3A_168 = arith.constant 0 : i32
      %add3A_169 = arith.addi %mul3A_167, %add3A_168 : i32
      %div3A = arith.constant 8 : i32
      %div3A_170 = arith.divsi %add3A_169, %div3A : i32
      %rem3A = arith.constant 8 : i32
      %rem3A_171 = arith.remsi %add3A_169, %rem3A : i32
      %dma_wait3A_172 = arith.constant 0 : i32
      %dma_wait3A_173 = arith.constant 0 : i32
      %dma_wait3A_174 = tpu.memref_slice %arg6[%dma_wait3A_172, %dma_wait3A_173] : memref<2x4096xi32, #tpu.memory_space<vmem>> -> memref<1x4096xi32, #tpu.memory_space<vmem>>
      %dma_wait3A_175 = tpu.memref_squeeze %dma_wait3A_174 : memref<1x4096xi32, #tpu.memory_space<vmem>> -> memref<4096xi32, #tpu.memory_space<vmem>>
      %dma_wait3A_176 = arith.constant 0 : i32
      %dma_wait3A_177 = tpu.memref_slice %arg8[%div3A_170, %rem3A_171, %dma_wait3A_176] : memref<7x8x4096xi32, #tpu.memory_space<vmem_shared>> -> memref<1x1x4096xi32, #tpu.memory_space<vmem_shared>>
      %dma_wait3A_178 = tpu.memref_squeeze %dma_wait3A_177 : memref<1x1x4096xi32, #tpu.memory_space<vmem_shared>> -> memref<4096xi32, #tpu.memory_space<vmem_shared>>
      %dma_wait3A_179 = arith.constant 0 : i32
      %dma_wait3A_180 = tpu.memref_slice %arg6[%dma_wait3A_172, %dma_wait3A_179] : memref<2x4096xi32, #tpu.memory_space<vmem>> -> memref<1x4096xi32, #tpu.memory_space<vmem>>
      %dma_wait3A_181 = tpu.memref_squeeze %dma_wait3A_180 : memref<1x4096xi32, #tpu.memory_space<vmem>> -> memref<4096xi32, #tpu.memory_space<vmem>>
      %dma_wait3A_182 = arith.constant 0 : i32
      %dma_wait3A_183 = tpu.memref_slice %arg8[%div3A_170, %rem3A_171, %dma_wait3A_182] : memref<7x8x4096xi32, #tpu.memory_space<vmem_shared>> -> memref<1x1x4096xi32, #tpu.memory_space<vmem_shared>>
      %dma_wait3A_184 = tpu.memref_squeeze %dma_wait3A_183 : memref<1x1x4096xi32, #tpu.memory_space<vmem_shared>> -> memref<4096xi32, #tpu.memory_space<vmem_shared>>
      tpu.wait_dma2 semaphore(%arg9 : memref<!tpu.dma_semaphore, #tpu.memory_space<semaphore_mem>>) src(%dma_wait3A_184 : memref<4096xi32, #tpu.memory_space<vmem_shared>>) dst(%dma_wait3A_181 : memref<4096xi32, #tpu.memory_space<vmem>>)
      %ge3A = arith.constant 2 : i32
      %ge3A_185 = arith.cmpi sge, %add3A_169, %ge3A : i32
      %convert_element_type3A_186 = arith.extui %ge3A_185 : i1 to i32
      %cond3A_187 = arith.constant 0 : i32
      %cond3A_188 = arith.cmpi ne, %convert_element_type3A_186, %cond3A_187 : i32
      scf.if %cond3A_188 {
        %sub3A = arith.constant 2 : i32
        %sub3A_257 = arith.subi %add3A_169, %sub3A : i32
        %dma_wait3A_258 = arith.constant 0 : i32
        %dma_wait3A_259 = arith.constant 0 : i32
        %dma_wait3A_260 = tpu.memref_slice %arg7[%dma_wait3A_258, %dma_wait3A_259] : memref<2x4096xf32, #tpu.memory_space<vmem>> -> memref<1x4096xf32, #tpu.memory_space<vmem>>
        %dma_wait3A_261 = tpu.memref_squeeze %dma_wait3A_260 : memref<1x4096xf32, #tpu.memory_space<vmem>> -> memref<4096xf32, #tpu.memory_space<vmem>>
        %dma_wait3A_262 = arith.constant 0 : i32
        %dma_wait3A_263 = tpu.memref_slice %arg4[%sub3A_257, %add3A_34, %dma_wait3A_262] : memref<50x64x4096xf32, #tpu.memory_space<hbm>> -> memref<1x1x4096xf32, #tpu.memory_space<hbm>>
        %dma_wait3A_264 = tpu.memref_squeeze %dma_wait3A_263 : memref<1x1x4096xf32, #tpu.memory_space<hbm>> -> memref<4096xf32, #tpu.memory_space<hbm>>
        %dma_wait3A_265 = arith.constant 0 : i32
        %dma_wait3A_266 = tpu.memref_slice %arg4[%sub3A_257, %add3A_34, %dma_wait3A_265] : memref<50x64x4096xf32, #tpu.memory_space<hbm>> -> memref<1x1x4096xf32, #tpu.memory_space<hbm>>
        %dma_wait3A_267 = tpu.memref_squeeze %dma_wait3A_266 : memref<1x1x4096xf32, #tpu.memory_space<hbm>> -> memref<4096xf32, #tpu.memory_space<hbm>>
        %dma_wait3A_268 = arith.constant 0 : i32
        %dma_wait3A_269 = tpu.memref_slice %arg7[%dma_wait3A_258, %dma_wait3A_268] : memref<2x4096xf32, #tpu.memory_space<vmem>> -> memref<1x4096xf32, #tpu.memory_space<vmem>>
        %dma_wait3A_270 = tpu.memref_squeeze %dma_wait3A_269 : memref<1x4096xf32, #tpu.memory_space<vmem>> -> memref<4096xf32, #tpu.memory_space<vmem>>
        tpu.wait_dma2 semaphore(%arg11 : memref<!tpu.dma_semaphore, #tpu.memory_space<semaphore_mem>>) src(%dma_wait3A_270 : memref<4096xf32, #tpu.memory_space<vmem>>) dst(%dma_wait3A_267 : memref<4096xf32, #tpu.memory_space<hbm>>)
      } else {
      }
      %parallel_loop3A = arith.constant 0 : i32
      %parallel_loop3A_189 = arith.constant 4096 : i32
      %parallel_loop3A_190 = arith.constant 16 : i32
      scf.for %parallel_loop3A_257 = %parallel_loop3A to %parallel_loop3A_189 step %parallel_loop3A_190  : i32 {
        %parallel_loop3A_258 = arith.constant 0 : i32
        %parallel_loop3A_259 = arith.index_cast %parallel_loop3A_258 : i32 to index
        %parallel_loop3A_260 = arith.index_cast %parallel_loop3A_257 : i32 to index
        %parallel_loop3A_261 = tpu.vector_load %arg6[%parallel_loop3A_259, %parallel_loop3A_260] {strides = array<i32>} : memref<2x4096xi32, #tpu.memory_space<vmem>>, vector<16xi32>,
        %parallel_loop3A_262 = tpu.vector_load_idx %arg5[%parallel_loop3A_261] : memref<100000xf32, #tpu.memory_space<vmem>>[vector<16xi32>], vector<16xf32>,
        %parallel_loop3A_263 = arith.constant 0 : i32
        %parallel_loop3A_264 = arith.index_cast %parallel_loop3A_263 : i32 to index
        %parallel_loop3A_265 = arith.index_cast %parallel_loop3A_257 : i32 to index
        %parallel_loop3A_266 = tpu.vector_load %arg7[%parallel_loop3A_264, %parallel_loop3A_265] {strides = array<i32>} : memref<2x4096xf32, #tpu.memory_space<vmem>>, vector<16xf32>,
        tpu.vector_store %arg7[%parallel_loop3A_264, %parallel_loop3A_265], %parallel_loop3A_262 {strides = array<i32>} : memref<2x4096xf32, #tpu.memory_space<vmem>>, vector<16xf32>,
      } {sc.loop_unroll_factor = 32 : i64, sc.parallel_access}
      %dma_start3A_191 = arith.constant 0 : i32
      %dma_start3A_192 = arith.constant 0 : i32
      %dma_start3A_193 = tpu.memref_slice %arg7[%dma_start3A_191, %dma_start3A_192] : memref<2x4096xf32, #tpu.memory_space<vmem>> -> memref<1x4096xf32, #tpu.memory_space<vmem>>
      %dma_start3A_194 = tpu.memref_squeeze %dma_start3A_193 : memref<1x4096xf32, #tpu.memory_space<vmem>> -> memref<4096xf32, #tpu.memory_space<vmem>>
      %dma_start3A_195 = arith.constant 0 : i32
      %dma_start3A_196 = tpu.memref_slice %arg4[%add3A_169, %add3A_34, %dma_start3A_195] : memref<50x64x4096xf32, #tpu.memory_space<hbm>> -> memref<1x1x4096xf32, #tpu.memory_space<hbm>>
      %dma_start3A_197 = tpu.memref_squeeze %dma_start3A_196 : memref<1x1x4096xf32, #tpu.memory_space<hbm>> -> memref<4096xf32, #tpu.memory_space<hbm>>
      %dma_start3A_198 = arith.constant 0 : i32
      %dma_start3A_199 = tpu.memref_slice %arg4[%add3A_169, %add3A_34, %dma_start3A_198] : memref<50x64x4096xf32, #tpu.memory_space<hbm>> -> memref<1x1x4096xf32, #tpu.memory_space<hbm>>
      %dma_start3A_200 = tpu.memref_squeeze %dma_start3A_199 : memref<1x1x4096xf32, #tpu.memory_space<hbm>> -> memref<4096xf32, #tpu.memory_space<hbm>>
      %dma_start3A_201 = arith.constant 0 : i32
      %dma_start3A_202 = tpu.memref_slice %arg7[%dma_start3A_191, %dma_start3A_201] : memref<2x4096xf32, #tpu.memory_space<vmem>> -> memref<1x4096xf32, #tpu.memory_space<vmem>>
      %dma_start3A_203 = tpu.memref_squeeze %dma_start3A_202 : memref<1x4096xf32, #tpu.memory_space<vmem>> -> memref<4096xf32, #tpu.memory_space<vmem>>
      tpu.enqueue_dma source(%dma_start3A_203 : memref<4096xf32, #tpu.memory_space<vmem>>) target(%dma_start3A_200 : memref<4096xf32, #tpu.memory_space<hbm>>) target_semaphore(%arg11 : memref<!tpu.dma_semaphore, #tpu.memory_space<semaphore_mem>>)
      %add3A_204 = arith.constant 2 : i32
      %add3A_205 = arith.addi %add3A_169, %add3A_204 : i32
      %lt3A = arith.constant 50 : i32
      %lt3A_206 = arith.cmpi slt, %add3A_205, %lt3A : i32
      %convert_element_type3A_207 = arith.extui %lt3A_206 : i1 to i32
      %cond3A_208 = arith.constant 0 : i32
      %cond3A_209 = arith.cmpi ne, %convert_element_type3A_207, %cond3A_208 : i32
      scf.if %cond3A_209 {
        %add3A_257 = arith.constant 2 : i32
        %add3A_258 = arith.addi %add3A_169, %add3A_257 : i32
        %div3A_259 = arith.constant 8 : i32
        %div3A_260 = arith.divsi %add3A_258, %div3A_259 : i32
        %rem3A_261 = arith.constant 8 : i32
        %rem3A_262 = arith.remsi %add3A_258, %rem3A_261 : i32
        %dma_start3A_263 = arith.constant 0 : i32
        %dma_start3A_264 = arith.constant 0 : i32
        %dma_start3A_265 = tpu.memref_slice %arg6[%dma_start3A_263, %dma_start3A_264] : memref<2x4096xi32, #tpu.memory_space<vmem>> -> memref<1x4096xi32, #tpu.memory_space<vmem>>
        %dma_start3A_266 = tpu.memref_squeeze %dma_start3A_265 : memref<1x4096xi32, #tpu.memory_space<vmem>> -> memref<4096xi32, #tpu.memory_space<vmem>>
        %dma_start3A_267 = arith.constant 0 : i32
        %dma_start3A_268 = tpu.memref_slice %arg8[%div3A_260, %rem3A_262, %dma_start3A_267] : memref<7x8x4096xi32, #tpu.memory_space<vmem_shared>> -> memref<1x1x4096xi32, #tpu.memory_space<vmem_shared>>
        %dma_start3A_269 = tpu.memref_squeeze %dma_start3A_268 : memref<1x1x4096xi32, #tpu.memory_space<vmem_shared>> -> memref<4096xi32, #tpu.memory_space<vmem_shared>>
        %dma_start3A_270 = arith.constant 0 : i32
        %dma_start3A_271 = tpu.memref_slice %arg6[%dma_start3A_263, %dma_start3A_270] : memref<2x4096xi32, #tpu.memory_space<vmem>> -> memref<1x4096xi32, #tpu.memory_space<vmem>>
        %dma_start3A_272 = tpu.memref_squeeze %dma_start3A_271 : memref<1x4096xi32, #tpu.memory_space<vmem>> -> memref<4096xi32, #tpu.memory_space<vmem>>
        %dma_start3A_273 = arith.constant 0 : i32
        %dma_start3A_274 = tpu.memref_slice %arg8[%div3A_260, %rem3A_262, %dma_start3A_273] : memref<7x8x4096xi32, #tpu.memory_space<vmem_shared>> -> memref<1x1x4096xi32, #tpu.memory_space<vmem_shared>>
        %dma_start3A_275 = tpu.memref_squeeze %dma_start3A_274 : memref<1x1x4096xi32, #tpu.memory_space<vmem_shared>> -> memref<4096xi32, #tpu.memory_space<vmem_shared>>
        tpu.enqueue_dma source(%dma_start3A_275 : memref<4096xi32, #tpu.memory_space<vmem_shared>>) target(%dma_start3A_272 : memref<4096xi32, #tpu.memory_space<vmem>>) target_semaphore(%arg9 : memref<!tpu.dma_semaphore, #tpu.memory_space<semaphore_mem>>)
      } else {
      }
      %add3A_210 = arith.constant 1 : i32
      %add3A_211 = arith.addi %mul3A_167, %add3A_210 : i32
      %div3A_212 = arith.constant 8 : i32
      %div3A_213 = arith.divsi %add3A_211, %div3A_212 : i32
      %rem3A_214 = arith.constant 8 : i32
      %rem3A_215 = arith.remsi %add3A_211, %rem3A_214 : i32
      %dma_wait3A_216 = arith.constant 1 : i32
      %dma_wait3A_217 = arith.constant 0 : i32
      %dma_wait3A_218 = tpu.memref_slice %arg6[%dma_wait3A_216, %dma_wait3A_217] : memref<2x4096xi32, #tpu.memory_space<vmem>> -> memref<1x4096xi32, #tpu.memory_space<vmem>>
      %dma_wait3A_219 = tpu.memref_squeeze %dma_wait3A_218 : memref<1x4096xi32, #tpu.memory_space<vmem>> -> memref<4096xi32, #tpu.memory_space<vmem>>
      %dma_wait3A_220 = arith.constant 0 : i32
      %dma_wait3A_221 = tpu.memref_slice %arg8[%div3A_213, %rem3A_215, %dma_wait3A_220] : memref<7x8x4096xi32, #tpu.memory_space<vmem_shared>> -> memref<1x1x4096xi32, #tpu.memory_space<vmem_shared>>
      %dma_wait3A_222 = tpu.memref_squeeze %dma_wait3A_221 : memref<1x1x4096xi32, #tpu.memory_space<vmem_shared>> -> memref<4096xi32, #tpu.memory_space<vmem_shared>>
      %dma_wait3A_223 = arith.constant 0 : i32
      %dma_wait3A_224 = tpu.memref_slice %arg6[%dma_wait3A_216, %dma_wait3A_223] : memref<2x4096xi32, #tpu.memory_space<vmem>> -> memref<1x4096xi32, #tpu.memory_space<vmem>>
      %dma_wait3A_225 = tpu.memref_squeeze %dma_wait3A_224 : memref<1x4096xi32, #tpu.memory_space<vmem>> -> memref<4096xi32, #tpu.memory_space<vmem>>
      %dma_wait3A_226 = arith.constant 0 : i32
      %dma_wait3A_227 = tpu.memref_slice %arg8[%div3A_213, %rem3A_215, %dma_wait3A_226] : memref<7x8x4096xi32, #tpu.memory_space<vmem_shared>> -> memref<1x1x4096xi32, #tpu.memory_space<vmem_shared>>
      %dma_wait3A_228 = tpu.memref_squeeze %dma_wait3A_227 : memref<1x1x4096xi32, #tpu.memory_space<vmem_shared>> -> memref<4096xi32, #tpu.memory_space<vmem_shared>>
      tpu.wait_dma2 semaphore(%arg10 : memref<!tpu.dma_semaphore, #tpu.memory_space<semaphore_mem>>) src(%dma_wait3A_228 : memref<4096xi32, #tpu.memory_space<vmem_shared>>) dst(%dma_wait3A_225 : memref<4096xi32, #tpu.memory_space<vmem>>)
      %ge3A_229 = arith.constant 2 : i32
      %ge3A_230 = arith.cmpi sge, %add3A_211, %ge3A_229 : i32
      %convert_element_type3A_231 = arith.extui %ge3A_230 : i1 to i32
      %cond3A_232 = arith.constant 0 : i32
      %cond3A_233 = arith.cmpi ne, %convert_element_type3A_231, %cond3A_232 : i32
      scf.if %cond3A_233 {
        %sub3A = arith.constant 2 : i32
        %sub3A_257 = arith.subi %add3A_211, %sub3A : i32
        %dma_wait3A_258 = arith.constant 1 : i32
        %dma_wait3A_259 = arith.constant 0 : i32
        %dma_wait3A_260 = tpu.memref_slice %arg7[%dma_wait3A_258, %dma_wait3A_259] : memref<2x4096xf32, #tpu.memory_space<vmem>> -> memref<1x4096xf32, #tpu.memory_space<vmem>>
        %dma_wait3A_261 = tpu.memref_squeeze %dma_wait3A_260 : memref<1x4096xf32, #tpu.memory_space<vmem>> -> memref<4096xf32, #tpu.memory_space<vmem>>
        %dma_wait3A_262 = arith.constant 0 : i32
        %dma_wait3A_263 = tpu.memref_slice %arg4[%sub3A_257, %add3A_34, %dma_wait3A_262] : memref<50x64x4096xf32, #tpu.memory_space<hbm>> -> memref<1x1x4096xf32, #tpu.memory_space<hbm>>
        %dma_wait3A_264 = tpu.memref_squeeze %dma_wait3A_263 : memref<1x1x4096xf32, #tpu.memory_space<hbm>> -> memref<4096xf32, #tpu.memory_space<hbm>>
        %dma_wait3A_265 = arith.constant 0 : i32
        %dma_wait3A_266 = tpu.memref_slice %arg4[%sub3A_257, %add3A_34, %dma_wait3A_265] : memref<50x64x4096xf32, #tpu.memory_space<hbm>> -> memref<1x1x4096xf32, #tpu.memory_space<hbm>>
        %dma_wait3A_267 = tpu.memref_squeeze %dma_wait3A_266 : memref<1x1x4096xf32, #tpu.memory_space<hbm>> -> memref<4096xf32, #tpu.memory_space<hbm>>
        %dma_wait3A_268 = arith.constant 0 : i32
        %dma_wait3A_269 = tpu.memref_slice %arg7[%dma_wait3A_258, %dma_wait3A_268] : memref<2x4096xf32, #tpu.memory_space<vmem>> -> memref<1x4096xf32, #tpu.memory_space<vmem>>
        %dma_wait3A_270 = tpu.memref_squeeze %dma_wait3A_269 : memref<1x4096xf32, #tpu.memory_space<vmem>> -> memref<4096xf32, #tpu.memory_space<vmem>>
        tpu.wait_dma2 semaphore(%arg12 : memref<!tpu.dma_semaphore, #tpu.memory_space<semaphore_mem>>) src(%dma_wait3A_270 : memref<4096xf32, #tpu.memory_space<vmem>>) dst(%dma_wait3A_267 : memref<4096xf32, #tpu.memory_space<hbm>>)
      } else {
      }
      %parallel_loop3A_234 = arith.constant 0 : i32
      %parallel_loop3A_235 = arith.constant 4096 : i32
      %parallel_loop3A_236 = arith.constant 16 : i32
      scf.for %parallel_loop3A_257 = %parallel_loop3A_234 to %parallel_loop3A_235 step %parallel_loop3A_236  : i32 {
        %parallel_loop3A_258 = arith.constant 1 : i32
        %parallel_loop3A_259 = arith.index_cast %parallel_loop3A_258 : i32 to index
        %parallel_loop3A_260 = arith.index_cast %parallel_loop3A_257 : i32 to index
        %parallel_loop3A_261 = tpu.vector_load %arg6[%parallel_loop3A_259, %parallel_loop3A_260] {strides = array<i32>} : memref<2x4096xi32, #tpu.memory_space<vmem>>, vector<16xi32>,
        %parallel_loop3A_262 = tpu.vector_load_idx %arg5[%parallel_loop3A_261] : memref<100000xf32, #tpu.memory_space<vmem>>[vector<16xi32>], vector<16xf32>,
        %parallel_loop3A_263 = arith.constant 1 : i32
        %parallel_loop3A_264 = arith.index_cast %parallel_loop3A_263 : i32 to index
        %parallel_loop3A_265 = arith.index_cast %parallel_loop3A_257 : i32 to index
        %parallel_loop3A_266 = tpu.vector_load %arg7[%parallel_loop3A_264, %parallel_loop3A_265] {strides = array<i32>} : memref<2x4096xf32, #tpu.memory_space<vmem>>, vector<16xf32>,
        tpu.vector_store %arg7[%parallel_loop3A_264, %parallel_loop3A_265], %parallel_loop3A_262 {strides = array<i32>} : memref<2x4096xf32, #tpu.memory_space<vmem>>, vector<16xf32>,
      } {sc.loop_unroll_factor = 32 : i64, sc.parallel_access}
      %dma_start3A_237 = arith.constant 1 : i32
      %dma_start3A_238 = arith.constant 0 : i32
      %dma_start3A_239 = tpu.memref_slice %arg7[%dma_start3A_237, %dma_start3A_238] : memref<2x4096xf32, #tpu.memory_space<vmem>> -> memref<1x4096xf32, #tpu.memory_space<vmem>>
      %dma_start3A_240 = tpu.memref_squeeze %dma_start3A_239 : memref<1x4096xf32, #tpu.memory_space<vmem>> -> memref<4096xf32, #tpu.memory_space<vmem>>
      %dma_start3A_241 = arith.constant 0 : i32
      %dma_start3A_242 = tpu.memref_slice %arg4[%add3A_211, %add3A_34, %dma_start3A_241] : memref<50x64x4096xf32, #tpu.memory_space<hbm>> -> memref<1x1x4096xf32, #tpu.memory_space<hbm>>
      %dma_start3A_243 = tpu.memref_squeeze %dma_start3A_242 : memref<1x1x4096xf32, #tpu.memory_space<hbm>> -> memref<4096xf32, #tpu.memory_space<hbm>>
      %dma_start3A_244 = arith.constant 0 : i32
      %dma_start3A_245 = tpu.memref_slice %arg4[%add3A_211, %add3A_34, %dma_start3A_244] : memref<50x64x4096xf32, #tpu.memory_space<hbm>> -> memref<1x1x4096xf32, #tpu.memory_space<hbm>>
      %dma_start3A_246 = tpu.memref_squeeze %dma_start3A_245 : memref<1x1x4096xf32, #tpu.memory_space<hbm>> -> memref<4096xf32, #tpu.memory_space<hbm>>
      %dma_start3A_247 = arith.constant 0 : i32
      %dma_start3A_248 = tpu.memref_slice %arg7[%dma_start3A_237, %dma_start3A_247] : memref<2x4096xf32, #tpu.memory_space<vmem>> -> memref<1x4096xf32, #tpu.memory_space<vmem>>
      %dma_start3A_249 = tpu.memref_squeeze %dma_start3A_248 : memref<1x4096xf32, #tpu.memory_space<vmem>> -> memref<4096xf32, #tpu.memory_space<vmem>>
      tpu.enqueue_dma source(%dma_start3A_249 : memref<4096xf32, #tpu.memory_space<vmem>>) target(%dma_start3A_246 : memref<4096xf32, #tpu.memory_space<hbm>>) target_semaphore(%arg12 : memref<!tpu.dma_semaphore, #tpu.memory_space<semaphore_mem>>)
      %add3A_250 = arith.constant 2 : i32
      %add3A_251 = arith.addi %add3A_211, %add3A_250 : i32
      %lt3A_252 = arith.constant 50 : i32
      %lt3A_253 = arith.cmpi slt, %add3A_251, %lt3A_252 : i32
      %convert_element_type3A_254 = arith.extui %lt3A_253 : i1 to i32
      %cond3A_255 = arith.constant 0 : i32
      %cond3A_256 = arith.cmpi ne, %convert_element_type3A_254, %cond3A_255 : i32
      scf.if %cond3A_256 {
        %add3A_257 = arith.constant 2 : i32
        %add3A_258 = arith.addi %add3A_211, %add3A_257 : i32
        %div3A_259 = arith.constant 8 : i32
        %div3A_260 = arith.divsi %add3A_258, %div3A_259 : i32
        %rem3A_261 = arith.constant 8 : i32
        %rem3A_262 = arith.remsi %add3A_258, %rem3A_261 : i32
        %dma_start3A_263 = arith.constant 1 : i32
        %dma_start3A_264 = arith.constant 0 : i32
        %dma_start3A_265 = tpu.memref_slice %arg6[%dma_start3A_263, %dma_start3A_264] : memref<2x4096xi32, #tpu.memory_space<vmem>> -> memref<1x4096xi32, #tpu.memory_space<vmem>>
        %dma_start3A_266 = tpu.memref_squeeze %dma_start3A_265 : memref<1x4096xi32, #tpu.memory_space<vmem>> -> memref<4096xi32, #tpu.memory_space<vmem>>
        %dma_start3A_267 = arith.constant 0 : i32
        %dma_start3A_268 = tpu.memref_slice %arg8[%div3A_260, %rem3A_262, %dma_start3A_267] : memref<7x8x4096xi32, #tpu.memory_space<vmem_shared>> -> memref<1x1x4096xi32, #tpu.memory_space<vmem_shared>>
        %dma_start3A_269 = tpu.memref_squeeze %dma_start3A_268 : memref<1x1x4096xi32, #tpu.memory_space<vmem_shared>> -> memref<4096xi32, #tpu.memory_space<vmem_shared>>
        %dma_start3A_270 = arith.constant 0 : i32
        %dma_start3A_271 = tpu.memref_slice %arg6[%dma_start3A_263, %dma_start3A_270] : memref<2x4096xi32, #tpu.memory_space<vmem>> -> memref<1x4096xi32, #tpu.memory_space<vmem>>
        %dma_start3A_272 = tpu.memref_squeeze %dma_start3A_271 : memref<1x4096xi32, #tpu.memory_space<vmem>> -> memref<4096xi32, #tpu.memory_space<vmem>>
        %dma_start3A_273 = arith.constant 0 : i32
        %dma_start3A_274 = tpu.memref_slice %arg8[%div3A_260, %rem3A_262, %dma_start3A_273] : memref<7x8x4096xi32, #tpu.memory_space<vmem_shared>> -> memref<1x1x4096xi32, #tpu.memory_space<vmem_shared>>
        %dma_start3A_275 = tpu.memref_squeeze %dma_start3A_274 : memref<1x1x4096xi32, #tpu.memory_space<vmem_shared>> -> memref<4096xi32, #tpu.memory_space<vmem_shared>>
        tpu.enqueue_dma source(%dma_start3A_275 : memref<4096xi32, #tpu.memory_space<vmem_shared>>) target(%dma_start3A_272 : memref<4096xi32, #tpu.memory_space<vmem>>) target_semaphore(%arg10 : memref<!tpu.dma_semaphore, #tpu.memory_space<semaphore_mem>>)
      } else {
      }
    }
    %scan3A_68 = arith.constant 25 : i32
    %dma_wait3A = arith.constant 0 : i32
    %dma_wait3A_69 = arith.constant 48 : i32
    %dma_wait3A_70 = arith.constant 0 : i32
    %dma_wait3A_71 = tpu.memref_slice %arg7[%dma_wait3A, %dma_wait3A_70] : memref<2x4096xf32, #tpu.memory_space<vmem>> -> memref<1x4096xf32, #tpu.memory_space<vmem>>
    %dma_wait3A_72 = tpu.memref_squeeze %dma_wait3A_71 : memref<1x4096xf32, #tpu.memory_space<vmem>> -> memref<4096xf32, #tpu.memory_space<vmem>>
    %dma_wait3A_73 = arith.constant 0 : i32
    %dma_wait3A_74 = tpu.memref_slice %arg4[%dma_wait3A_69, %add3A_34, %dma_wait3A_73] : memref<50x64x4096xf32, #tpu.memory_space<hbm>> -> memref<1x1x4096xf32, #tpu.memory_space<hbm>>
    %dma_wait3A_75 = tpu.memref_squeeze %dma_wait3A_74 : memref<1x1x4096xf32, #tpu.memory_space<hbm>> -> memref<4096xf32, #tpu.memory_space<hbm>>
    %dma_wait3A_76 = arith.constant 0 : i32
    %dma_wait3A_77 = tpu.memref_slice %arg4[%dma_wait3A_69, %add3A_34, %dma_wait3A_76] : memref<50x64x4096xf32, #tpu.memory_space<hbm>> -> memref<1x1x4096xf32, #tpu.memory_space<hbm>>
    %dma_wait3A_78 = tpu.memref_squeeze %dma_wait3A_77 : memref<1x1x4096xf32, #tpu.memory_space<hbm>> -> memref<4096xf32, #tpu.memory_space<hbm>>
    %dma_wait3A_79 = arith.constant 0 : i32
    %dma_wait3A_80 = tpu.memref_slice %arg7[%dma_wait3A, %dma_wait3A_79] : memref<2x4096xf32, #tpu.memory_space<vmem>> -> memref<1x4096xf32, #tpu.memory_space<vmem>>
    %dma_wait3A_81 = tpu.memref_squeeze %dma_wait3A_80 : memref<1x4096xf32, #tpu.memory_space<vmem>> -> memref<4096xf32, #tpu.memory_space<vmem>>
    tpu.wait_dma2 semaphore(%arg11 : memref<!tpu.dma_semaphore, #tpu.memory_space<semaphore_mem>>) src(%dma_wait3A_81 : memref<4096xf32, #tpu.memory_space<vmem>>) dst(%dma_wait3A_78 : memref<4096xf32, #tpu.memory_space<hbm>>)
    %dma_wait3A_82 = arith.constant 1 : i32
    %dma_wait3A_83 = arith.constant 49 : i32
    %dma_wait3A_84 = arith.constant 0 : i32
    %dma_wait3A_85 = tpu.memref_slice %arg7[%dma_wait3A_82, %dma_wait3A_84] : memref<2x4096xf32, #tpu.memory_space<vmem>> -> memref<1x4096xf32, #tpu.memory_space<vmem>>
    %dma_wait3A_86 = tpu.memref_squeeze %dma_wait3A_85 : memref<1x4096xf32, #tpu.memory_space<vmem>> -> memref<4096xf32, #tpu.memory_space<vmem>>
    %dma_wait3A_87 = arith.constant 0 : i32
    %dma_wait3A_88 = tpu.memref_slice %arg4[%dma_wait3A_83, %add3A_34, %dma_wait3A_87] : memref<50x64x4096xf32, #tpu.memory_space<hbm>> -> memref<1x1x4096xf32, #tpu.memory_space<hbm>>
    %dma_wait3A_89 = tpu.memref_squeeze %dma_wait3A_88 : memref<1x1x4096xf32, #tpu.memory_space<hbm>> -> memref<4096xf32, #tpu.memory_space<hbm>>
    %dma_wait3A_90 = arith.constant 0 : i32
    %dma_wait3A_91 = tpu.memref_slice %arg4[%dma_wait3A_83, %add3A_34, %dma_wait3A_90] : memref<50x64x4096xf32, #tpu.memory_space<hbm>> -> memref<1x1x4096xf32, #tpu.memory_space<hbm>>
    %dma_wait3A_92 = tpu.memref_squeeze %dma_wait3A_91 : memref<1x1x4096xf32, #tpu.memory_space<hbm>> -> memref<4096xf32, #tpu.memory_space<hbm>>
    %dma_wait3A_93 = arith.constant 0 : i32
    %dma_wait3A_94 = tpu.memref_slice %arg7[%dma_wait3A_82, %dma_wait3A_93] : memref<2x4096xf32, #tpu.memory_space<vmem>> -> memref<1x4096xf32, #tpu.memory_space<vmem>>
    %dma_wait3A_95 = tpu.memref_squeeze %dma_wait3A_94 : memref<1x4096xf32, #tpu.memory_space<vmem>> -> memref<4096xf32, #tpu.memory_space<vmem>>
    tpu.wait_dma2 semaphore(%arg12 : memref<!tpu.dma_semaphore, #tpu.memory_space<semaphore_mem>>) src(%dma_wait3A_95 : memref<4096xf32, #tpu.memory_space<vmem>>) dst(%dma_wait3A_92 : memref<4096xf32, #tpu.memory_space<hbm>>)
    %mul3A_96 = arith.constant 16 : i32
    %mul3A_97 = arith.muli %arg0, %mul3A_96 : i32
    %add3A_98 = arith.constant 32 : i32
    %add3A_99 = arith.addi %mul3A_97, %add3A_98 : i32
    %add3A_100 = arith.addi %add3A_99, %arg1 : i32
    "tpu.region"() ({
      %run_scoped3A = tpu.sem_alloc : memref<!tpu.dma_semaphore, #tpu.memory_space<semaphore_mem>>
      %dma_start3A_165 = arith.constant 0 : i32
      %dma_start3A_166 = tpu.memref_slice %arg3[%add3A_100, %dma_start3A_165] : memref<64x100000xf32, #tpu.memory_space<hbm>> -> memref<1x100000xf32, #tpu.memory_space<hbm>>
      %dma_start3A_167 = tpu.memref_squeeze %dma_start3A_166 : memref<1x100000xf32, #tpu.memory_space<hbm>> -> memref<100000xf32, #tpu.memory_space<hbm>>
      %dma_start3A_168 = arith.constant 0 : i32
      %dma_start3A_169 = tpu.memref_slice %arg3[%add3A_100, %dma_start3A_168] : memref<64x100000xf32, #tpu.memory_space<hbm>> -> memref<1x100000xf32, #tpu.memory_space<hbm>>
      %dma_start3A_170 = tpu.memref_squeeze %dma_start3A_169 : memref<1x100000xf32, #tpu.memory_space<hbm>> -> memref<100000xf32, #tpu.memory_space<hbm>>
      tpu.enqueue_dma source(%dma_start3A_170 : memref<100000xf32, #tpu.memory_space<hbm>>) target(%arg5 : memref<100000xf32, #tpu.memory_space<vmem>>) target_semaphore(%run_scoped3A : memref<!tpu.dma_semaphore, #tpu.memory_space<semaphore_mem>>)
      %dma_wait3A_171 = arith.constant 0 : i32
      %dma_wait3A_172 = tpu.memref_slice %arg3[%add3A_100, %dma_wait3A_171] : memref<64x100000xf32, #tpu.memory_space<hbm>> -> memref<1x100000xf32, #tpu.memory_space<hbm>>
      %dma_wait3A_173 = tpu.memref_squeeze %dma_wait3A_172 : memref<1x100000xf32, #tpu.memory_space<hbm>> -> memref<100000xf32, #tpu.memory_space<hbm>>
      %dma_wait3A_174 = arith.constant 0 : i32
      %dma_wait3A_175 = tpu.memref_slice %arg3[%add3A_100, %dma_wait3A_174] : memref<64x100000xf32, #tpu.memory_space<hbm>> -> memref<1x100000xf32, #tpu.memory_space<hbm>>
      %dma_wait3A_176 = tpu.memref_squeeze %dma_wait3A_175 : memref<1x100000xf32, #tpu.memory_space<hbm>> -> memref<100000xf32, #tpu.memory_space<hbm>>
      tpu.wait_dma2 semaphore(%run_scoped3A : memref<!tpu.dma_semaphore, #tpu.memory_space<semaphore_mem>>) src(%dma_wait3A_176 : memref<100000xf32, #tpu.memory_space<hbm>>) dst(%arg5 : memref<100000xf32, #tpu.memory_space<vmem>>)
      tpu.yield
    }) : () -> ()
    %dma_start3A_101 = arith.constant 0 : i32
    %dma_start3A_102 = arith.constant 0 : i32
    %dma_start3A_103 = arith.constant 0 : i32
    %dma_start3A_104 = arith.constant 0 : i32
    %dma_start3A_105 = tpu.memref_slice %arg6[%dma_start3A_103, %dma_start3A_104] : memref<2x4096xi32, #tpu.memory_space<vmem>> -> memref<1x4096xi32, #tpu.memory_space<vmem>>
    %dma_start3A_106 = tpu.memref_squeeze %dma_start3A_105 : memref<1x4096xi32, #tpu.memory_space<vmem>> -> memref<4096xi32, #tpu.memory_space<vmem>>
    %dma_start3A_107 = arith.constant 0 : i32
    %dma_start3A_108 = tpu.memref_slice %arg8[%dma_start3A_101, %dma_start3A_102, %dma_start3A_107] : memref<7x8x4096xi32, #tpu.memory_space<vmem_shared>> -> memref<1x1x4096xi32, #tpu.memory_space<vmem_shared>>
    %dma_start3A_109 = tpu.memref_squeeze %dma_start3A_108 : memref<1x1x4096xi32, #tpu.memory_space<vmem_shared>> -> memref<4096xi32, #tpu.memory_space<vmem_shared>>
    %dma_start3A_110 = arith.constant 0 : i32
    %dma_start3A_111 = tpu.memref_slice %arg6[%dma_start3A_103, %dma_start3A_110] : memref<2x4096xi32, #tpu.memory_space<vmem>> -> memref<1x4096xi32, #tpu.memory_space<vmem>>
    %dma_start3A_112 = tpu.memref_squeeze %dma_start3A_111 : memref<1x4096xi32, #tpu.memory_space<vmem>> -> memref<4096xi32, #tpu.memory_space<vmem>>
    %dma_start3A_113 = arith.constant 0 : i32
    %dma_start3A_114 = tpu.memref_slice %arg8[%dma_start3A_101, %dma_start3A_102, %dma_start3A_113] : memref<7x8x4096xi32, #tpu.memory_space<vmem_shared>> -> memref<1x1x4096xi32, #tpu.memory_space<vmem_shared>>
    %dma_start3A_115 = tpu.memref_squeeze %dma_start3A_114 : memref<1x1x4096xi32, #tpu.memory_space<vmem_shared>> -> memref<4096xi32, #tpu.memory_space<vmem_shared>>
    tpu.enqueue_dma source(%dma_start3A_115 : memref<4096xi32, #tpu.memory_space<vmem_shared>>) target(%dma_start3A_112 : memref<4096xi32, #tpu.memory_space<vmem>>) target_semaphore(%arg9 : memref<!tpu.dma_semaphore, #tpu.memory_space<semaphore_mem>>)
    %dma_start3A_116 = arith.constant 0 : i32
    %dma_start3A_117 = arith.constant 1 : i32
    %dma_start3A_118 = arith.constant 1 : i32
    %dma_start3A_119 = arith.constant 0 : i32
    %dma_start3A_120 = tpu.memref_slice %arg6[%dma_start3A_118, %dma_start3A_119] : memref<2x4096xi32, #tpu.memory_space<vmem>> -> memref<1x4096xi32, #tpu.memory_space<vmem>>
    %dma_start3A_121 = tpu.memref_squeeze %dma_start3A_120 : memref<1x4096xi32, #tpu.memory_space<vmem>> -> memref<4096xi32, #tpu.memory_space<vmem>>
    %dma_start3A_122 = arith.constant 0 : i32
    %dma_start3A_123 = tpu.memref_slice %arg8[%dma_start3A_116, %dma_start3A_117, %dma_start3A_122] : memref<7x8x4096xi32, #tpu.memory_space<vmem_shared>> -> memref<1x1x4096xi32, #tpu.memory_space<vmem_shared>>
    %dma_start3A_124 = tpu.memref_squeeze %dma_start3A_123 : memref<1x1x4096xi32, #tpu.memory_space<vmem_shared>> -> memref<4096xi32, #tpu.memory_space<vmem_shared>>
    %dma_start3A_125 = arith.constant 0 : i32
    %dma_start3A_126 = tpu.memref_slice %arg6[%dma_start3A_118, %dma_start3A_125] : memref<2x4096xi32, #tpu.memory_space<vmem>> -> memref<1x4096xi32, #tpu.memory_space<vmem>>
    %dma_start3A_127 = tpu.memref_squeeze %dma_start3A_126 : memref<1x4096xi32, #tpu.memory_space<vmem>> -> memref<4096xi32, #tpu.memory_space<vmem>>
    %dma_start3A_128 = arith.constant 0 : i32
    %dma_start3A_129 = tpu.memref_slice %arg8[%dma_start3A_116, %dma_start3A_117, %dma_start3A_128] : memref<7x8x4096xi32, #tpu.memory_space<vmem_shared>> -> memref<1x1x4096xi32, #tpu.memory_space<vmem_shared>>
    %dma_start3A_130 = tpu.memref_squeeze %dma_start3A_129 : memref<1x1x4096xi32, #tpu.memory_space<vmem_shared>> -> memref<4096xi32, #tpu.memory_space<vmem_shared>>
    tpu.enqueue_dma source(%dma_start3A_130 : memref<4096xi32, #tpu.memory_space<vmem_shared>>) target(%dma_start3A_127 : memref<4096xi32, #tpu.memory_space<vmem>>) target_semaphore(%arg10 : memref<!tpu.dma_semaphore, #tpu.memory_space<semaphore_mem>>)
    %scan3A_131 = arith.constant 0 : i32
    %scan3A_132 = arith.constant 0 : i32
    %scan3A_133 = arith.constant 25 : i32
    %scan3A_134 = arith.addi %scan3A_132, %scan3A_133 : i32
    %scan3A_135 = arith.constant 1 : i32
    scf.for %scan3A_165 = %scan3A_132 to %scan3A_134 step %scan3A_135  : i32 {
      %mul3A_166 = arith.constant 2 : i32
      %mul3A_167 = arith.muli %mul3A_166, %scan3A_165 : i32
      %add3A_168 = arith.constant 0 : i32
      %add3A_169 = arith.addi %mul3A_167, %add3A_168 : i32
      %div3A = arith.constant 8 : i32
      %div3A_170 = arith.divsi %add3A_169, %div3A : i32
      %rem3A = arith.constant 8 : i32
      %rem3A_171 = arith.remsi %add3A_169, %rem3A : i32
      %dma_wait3A_172 = arith.constant 0 : i32
      %dma_wait3A_173 = arith.constant 0 : i32
      %dma_wait3A_174 = tpu.memref_slice %arg6[%dma_wait3A_172, %dma_wait3A_173] : memref<2x4096xi32, #tpu.memory_space<vmem>> -> memref<1x4096xi32, #tpu.memory_space<vmem>>
      %dma_wait3A_175 = tpu.memref_squeeze %dma_wait3A_174 : memref<1x4096xi32, #tpu.memory_space<vmem>> -> memref<4096xi32, #tpu.memory_space<vmem>>
      %dma_wait3A_176 = arith.constant 0 : i32
      %dma_wait3A_177 = tpu.memref_slice %arg8[%div3A_170, %rem3A_171, %dma_wait3A_176] : memref<7x8x4096xi32, #tpu.memory_space<vmem_shared>> -> memref<1x1x4096xi32, #tpu.memory_space<vmem_shared>>
      %dma_wait3A_178 = tpu.memref_squeeze %dma_wait3A_177 : memref<1x1x4096xi32, #tpu.memory_space<vmem_shared>> -> memref<4096xi32, #tpu.memory_space<vmem_shared>>
      %dma_wait3A_179 = arith.constant 0 : i32
      %dma_wait3A_180 = tpu.memref_slice %arg6[%dma_wait3A_172, %dma_wait3A_179] : memref<2x4096xi32, #tpu.memory_space<vmem>> -> memref<1x4096xi32, #tpu.memory_space<vmem>>
      %dma_wait3A_181 = tpu.memref_squeeze %dma_wait3A_180 : memref<1x4096xi32, #tpu.memory_space<vmem>> -> memref<4096xi32, #tpu.memory_space<vmem>>
      %dma_wait3A_182 = arith.constant 0 : i32
      %dma_wait3A_183 = tpu.memref_slice %arg8[%div3A_170, %rem3A_171, %dma_wait3A_182] : memref<7x8x4096xi32, #tpu.memory_space<vmem_shared>> -> memref<1x1x4096xi32, #tpu.memory_space<vmem_shared>>
      %dma_wait3A_184 = tpu.memref_squeeze %dma_wait3A_183 : memref<1x1x4096xi32, #tpu.memory_space<vmem_shared>> -> memref<4096xi32, #tpu.memory_space<vmem_shared>>
      tpu.wait_dma2 semaphore(%arg9 : memref<!tpu.dma_semaphore, #tpu.memory_space<semaphore_mem>>) src(%dma_wait3A_184 : memref<4096xi32, #tpu.memory_space<vmem_shared>>) dst(%dma_wait3A_181 : memref<4096xi32, #tpu.memory_space<vmem>>)
      %ge3A = arith.constant 2 : i32
      %ge3A_185 = arith.cmpi sge, %add3A_169, %ge3A : i32
      %convert_element_type3A_186 = arith.extui %ge3A_185 : i1 to i32
      %cond3A_187 = arith.constant 0 : i32
      %cond3A_188 = arith.cmpi ne, %convert_element_type3A_186, %cond3A_187 : i32
      scf.if %cond3A_188 {
        %sub3A = arith.constant 2 : i32
        %sub3A_257 = arith.subi %add3A_169, %sub3A : i32
        %dma_wait3A_258 = arith.constant 0 : i32
        %dma_wait3A_259 = arith.constant 0 : i32
        %dma_wait3A_260 = tpu.memref_slice %arg7[%dma_wait3A_258, %dma_wait3A_259] : memref<2x4096xf32, #tpu.memory_space<vmem>> -> memref<1x4096xf32, #tpu.memory_space<vmem>>
        %dma_wait3A_261 = tpu.memref_squeeze %dma_wait3A_260 : memref<1x4096xf32, #tpu.memory_space<vmem>> -> memref<4096xf32, #tpu.memory_space<vmem>>
        %dma_wait3A_262 = arith.constant 0 : i32
        %dma_wait3A_263 = tpu.memref_slice %arg4[%sub3A_257, %add3A_100, %dma_wait3A_262] : memref<50x64x4096xf32, #tpu.memory_space<hbm>> -> memref<1x1x4096xf32, #tpu.memory_space<hbm>>
        %dma_wait3A_264 = tpu.memref_squeeze %dma_wait3A_263 : memref<1x1x4096xf32, #tpu.memory_space<hbm>> -> memref<4096xf32, #tpu.memory_space<hbm>>
        %dma_wait3A_265 = arith.constant 0 : i32
        %dma_wait3A_266 = tpu.memref_slice %arg4[%sub3A_257, %add3A_100, %dma_wait3A_265] : memref<50x64x4096xf32, #tpu.memory_space<hbm>> -> memref<1x1x4096xf32, #tpu.memory_space<hbm>>
        %dma_wait3A_267 = tpu.memref_squeeze %dma_wait3A_266 : memref<1x1x4096xf32, #tpu.memory_space<hbm>> -> memref<4096xf32, #tpu.memory_space<hbm>>
        %dma_wait3A_268 = arith.constant 0 : i32
        %dma_wait3A_269 = tpu.memref_slice %arg7[%dma_wait3A_258, %dma_wait3A_268] : memref<2x4096xf32, #tpu.memory_space<vmem>> -> memref<1x4096xf32, #tpu.memory_space<vmem>>
        %dma_wait3A_270 = tpu.memref_squeeze %dma_wait3A_269 : memref<1x4096xf32, #tpu.memory_space<vmem>> -> memref<4096xf32, #tpu.memory_space<vmem>>
        tpu.wait_dma2 semaphore(%arg11 : memref<!tpu.dma_semaphore, #tpu.memory_space<semaphore_mem>>) src(%dma_wait3A_270 : memref<4096xf32, #tpu.memory_space<vmem>>) dst(%dma_wait3A_267 : memref<4096xf32, #tpu.memory_space<hbm>>)
      } else {
      }
      %parallel_loop3A = arith.constant 0 : i32
      %parallel_loop3A_189 = arith.constant 4096 : i32
      %parallel_loop3A_190 = arith.constant 16 : i32
      scf.for %parallel_loop3A_257 = %parallel_loop3A to %parallel_loop3A_189 step %parallel_loop3A_190  : i32 {
        %parallel_loop3A_258 = arith.constant 0 : i32
        %parallel_loop3A_259 = arith.index_cast %parallel_loop3A_258 : i32 to index
        %parallel_loop3A_260 = arith.index_cast %parallel_loop3A_257 : i32 to index
        %parallel_loop3A_261 = tpu.vector_load %arg6[%parallel_loop3A_259, %parallel_loop3A_260] {strides = array<i32>} : memref<2x4096xi32, #tpu.memory_space<vmem>>, vector<16xi32>,
        %parallel_loop3A_262 = tpu.vector_load_idx %arg5[%parallel_loop3A_261] : memref<100000xf32, #tpu.memory_space<vmem>>[vector<16xi32>], vector<16xf32>,
        %parallel_loop3A_263 = arith.constant 0 : i32
        %parallel_loop3A_264 = arith.index_cast %parallel_loop3A_263 : i32 to index
        %parallel_loop3A_265 = arith.index_cast %parallel_loop3A_257 : i32 to index
        %parallel_loop3A_266 = tpu.vector_load %arg7[%parallel_loop3A_264, %parallel_loop3A_265] {strides = array<i32>} : memref<2x4096xf32, #tpu.memory_space<vmem>>, vector<16xf32>,
        tpu.vector_store %arg7[%parallel_loop3A_264, %parallel_loop3A_265], %parallel_loop3A_262 {strides = array<i32>} : memref<2x4096xf32, #tpu.memory_space<vmem>>, vector<16xf32>,
      } {sc.loop_unroll_factor = 32 : i64, sc.parallel_access}
      %dma_start3A_191 = arith.constant 0 : i32
      %dma_start3A_192 = arith.constant 0 : i32
      %dma_start3A_193 = tpu.memref_slice %arg7[%dma_start3A_191, %dma_start3A_192] : memref<2x4096xf32, #tpu.memory_space<vmem>> -> memref<1x4096xf32, #tpu.memory_space<vmem>>
      %dma_start3A_194 = tpu.memref_squeeze %dma_start3A_193 : memref<1x4096xf32, #tpu.memory_space<vmem>> -> memref<4096xf32, #tpu.memory_space<vmem>>
      %dma_start3A_195 = arith.constant 0 : i32
      %dma_start3A_196 = tpu.memref_slice %arg4[%add3A_169, %add3A_100, %dma_start3A_195] : memref<50x64x4096xf32, #tpu.memory_space<hbm>> -> memref<1x1x4096xf32, #tpu.memory_space<hbm>>
      %dma_start3A_197 = tpu.memref_squeeze %dma_start3A_196 : memref<1x1x4096xf32, #tpu.memory_space<hbm>> -> memref<4096xf32, #tpu.memory_space<hbm>>
      %dma_start3A_198 = arith.constant 0 : i32
      %dma_start3A_199 = tpu.memref_slice %arg4[%add3A_169, %add3A_100, %dma_start3A_198] : memref<50x64x4096xf32, #tpu.memory_space<hbm>> -> memref<1x1x4096xf32, #tpu.memory_space<hbm>>
      %dma_start3A_200 = tpu.memref_squeeze %dma_start3A_199 : memref<1x1x4096xf32, #tpu.memory_space<hbm>> -> memref<4096xf32, #tpu.memory_space<hbm>>
      %dma_start3A_201 = arith.constant 0 : i32
      %dma_start3A_202 = tpu.memref_slice %arg7[%dma_start3A_191, %dma_start3A_201] : memref<2x4096xf32, #tpu.memory_space<vmem>> -> memref<1x4096xf32, #tpu.memory_space<vmem>>
      %dma_start3A_203 = tpu.memref_squeeze %dma_start3A_202 : memref<1x4096xf32, #tpu.memory_space<vmem>> -> memref<4096xf32, #tpu.memory_space<vmem>>
      tpu.enqueue_dma source(%dma_start3A_203 : memref<4096xf32, #tpu.memory_space<vmem>>) target(%dma_start3A_200 : memref<4096xf32, #tpu.memory_space<hbm>>) target_semaphore(%arg11 : memref<!tpu.dma_semaphore, #tpu.memory_space<semaphore_mem>>)
      %add3A_204 = arith.constant 2 : i32
      %add3A_205 = arith.addi %add3A_169, %add3A_204 : i32
      %lt3A = arith.constant 50 : i32
      %lt3A_206 = arith.cmpi slt, %add3A_205, %lt3A : i32
      %convert_element_type3A_207 = arith.extui %lt3A_206 : i1 to i32
      %cond3A_208 = arith.constant 0 : i32
      %cond3A_209 = arith.cmpi ne, %convert_element_type3A_207, %cond3A_208 : i32
      scf.if %cond3A_209 {
        %add3A_257 = arith.constant 2 : i32
        %add3A_258 = arith.addi %add3A_169, %add3A_257 : i32
        %div3A_259 = arith.constant 8 : i32
        %div3A_260 = arith.divsi %add3A_258, %div3A_259 : i32
        %rem3A_261 = arith.constant 8 : i32
        %rem3A_262 = arith.remsi %add3A_258, %rem3A_261 : i32
        %dma_start3A_263 = arith.constant 0 : i32
        %dma_start3A_264 = arith.constant 0 : i32
        %dma_start3A_265 = tpu.memref_slice %arg6[%dma_start3A_263, %dma_start3A_264] : memref<2x4096xi32, #tpu.memory_space<vmem>> -> memref<1x4096xi32, #tpu.memory_space<vmem>>
        %dma_start3A_266 = tpu.memref_squeeze %dma_start3A_265 : memref<1x4096xi32, #tpu.memory_space<vmem>> -> memref<4096xi32, #tpu.memory_space<vmem>>
        %dma_start3A_267 = arith.constant 0 : i32
        %dma_start3A_268 = tpu.memref_slice %arg8[%div3A_260, %rem3A_262, %dma_start3A_267] : memref<7x8x4096xi32, #tpu.memory_space<vmem_shared>> -> memref<1x1x4096xi32, #tpu.memory_space<vmem_shared>>
        %dma_start3A_269 = tpu.memref_squeeze %dma_start3A_268 : memref<1x1x4096xi32, #tpu.memory_space<vmem_shared>> -> memref<4096xi32, #tpu.memory_space<vmem_shared>>
        %dma_start3A_270 = arith.constant 0 : i32
        %dma_start3A_271 = tpu.memref_slice %arg6[%dma_start3A_263, %dma_start3A_270] : memref<2x4096xi32, #tpu.memory_space<vmem>> -> memref<1x4096xi32, #tpu.memory_space<vmem>>
        %dma_start3A_272 = tpu.memref_squeeze %dma_start3A_271 : memref<1x4096xi32, #tpu.memory_space<vmem>> -> memref<4096xi32, #tpu.memory_space<vmem>>
        %dma_start3A_273 = arith.constant 0 : i32
        %dma_start3A_274 = tpu.memref_slice %arg8[%div3A_260, %rem3A_262, %dma_start3A_273] : memref<7x8x4096xi32, #tpu.memory_space<vmem_shared>> -> memref<1x1x4096xi32, #tpu.memory_space<vmem_shared>>
        %dma_start3A_275 = tpu.memref_squeeze %dma_start3A_274 : memref<1x1x4096xi32, #tpu.memory_space<vmem_shared>> -> memref<4096xi32, #tpu.memory_space<vmem_shared>>
        tpu.enqueue_dma source(%dma_start3A_275 : memref<4096xi32, #tpu.memory_space<vmem_shared>>) target(%dma_start3A_272 : memref<4096xi32, #tpu.memory_space<vmem>>) target_semaphore(%arg9 : memref<!tpu.dma_semaphore, #tpu.memory_space<semaphore_mem>>)
      } else {
      }
      %add3A_210 = arith.constant 1 : i32
      %add3A_211 = arith.addi %mul3A_167, %add3A_210 : i32
      %div3A_212 = arith.constant 8 : i32
      %div3A_213 = arith.divsi %add3A_211, %div3A_212 : i32
      %rem3A_214 = arith.constant 8 : i32
      %rem3A_215 = arith.remsi %add3A_211, %rem3A_214 : i32
      %dma_wait3A_216 = arith.constant 1 : i32
      %dma_wait3A_217 = arith.constant 0 : i32
      %dma_wait3A_218 = tpu.memref_slice %arg6[%dma_wait3A_216, %dma_wait3A_217] : memref<2x4096xi32, #tpu.memory_space<vmem>> -> memref<1x4096xi32, #tpu.memory_space<vmem>>
      %dma_wait3A_219 = tpu.memref_squeeze %dma_wait3A_218 : memref<1x4096xi32, #tpu.memory_space<vmem>> -> memref<4096xi32, #tpu.memory_space<vmem>>
      %dma_wait3A_220 = arith.constant 0 : i32
      %dma_wait3A_221 = tpu.memref_slice %arg8[%div3A_213, %rem3A_215, %dma_wait3A_220] : memref<7x8x4096xi32, #tpu.memory_space<vmem_shared>> -> memref<1x1x4096xi32, #tpu.memory_space<vmem_shared>>
      %dma_wait3A_222 = tpu.memref_squeeze %dma_wait3A_221 : memref<1x1x4096xi32, #tpu.memory_space<vmem_shared>> -> memref<4096xi32, #tpu.memory_space<vmem_shared>>
      %dma_wait3A_223 = arith.constant 0 : i32
      %dma_wait3A_224 = tpu.memref_slice %arg6[%dma_wait3A_216, %dma_wait3A_223] : memref<2x4096xi32, #tpu.memory_space<vmem>> -> memref<1x4096xi32, #tpu.memory_space<vmem>>
      %dma_wait3A_225 = tpu.memref_squeeze %dma_wait3A_224 : memref<1x4096xi32, #tpu.memory_space<vmem>> -> memref<4096xi32, #tpu.memory_space<vmem>>
      %dma_wait3A_226 = arith.constant 0 : i32
      %dma_wait3A_227 = tpu.memref_slice %arg8[%div3A_213, %rem3A_215, %dma_wait3A_226] : memref<7x8x4096xi32, #tpu.memory_space<vmem_shared>> -> memref<1x1x4096xi32, #tpu.memory_space<vmem_shared>>
      %dma_wait3A_228 = tpu.memref_squeeze %dma_wait3A_227 : memref<1x1x4096xi32, #tpu.memory_space<vmem_shared>> -> memref<4096xi32, #tpu.memory_space<vmem_shared>>
      tpu.wait_dma2 semaphore(%arg10 : memref<!tpu.dma_semaphore, #tpu.memory_space<semaphore_mem>>) src(%dma_wait3A_228 : memref<4096xi32, #tpu.memory_space<vmem_shared>>) dst(%dma_wait3A_225 : memref<4096xi32, #tpu.memory_space<vmem>>)
      %ge3A_229 = arith.constant 2 : i32
      %ge3A_230 = arith.cmpi sge, %add3A_211, %ge3A_229 : i32
      %convert_element_type3A_231 = arith.extui %ge3A_230 : i1 to i32
      %cond3A_232 = arith.constant 0 : i32
      %cond3A_233 = arith.cmpi ne, %convert_element_type3A_231, %cond3A_232 : i32
      scf.if %cond3A_233 {
        %sub3A = arith.constant 2 : i32
        %sub3A_257 = arith.subi %add3A_211, %sub3A : i32
        %dma_wait3A_258 = arith.constant 1 : i32
        %dma_wait3A_259 = arith.constant 0 : i32
        %dma_wait3A_260 = tpu.memref_slice %arg7[%dma_wait3A_258, %dma_wait3A_259] : memref<2x4096xf32, #tpu.memory_space<vmem>> -> memref<1x4096xf32, #tpu.memory_space<vmem>>
        %dma_wait3A_261 = tpu.memref_squeeze %dma_wait3A_260 : memref<1x4096xf32, #tpu.memory_space<vmem>> -> memref<4096xf32, #tpu.memory_space<vmem>>
        %dma_wait3A_262 = arith.constant 0 : i32
        %dma_wait3A_263 = tpu.memref_slice %arg4[%sub3A_257, %add3A_100, %dma_wait3A_262] : memref<50x64x4096xf32, #tpu.memory_space<hbm>> -> memref<1x1x4096xf32, #tpu.memory_space<hbm>>
        %dma_wait3A_264 = tpu.memref_squeeze %dma_wait3A_263 : memref<1x1x4096xf32, #tpu.memory_space<hbm>> -> memref<4096xf32, #tpu.memory_space<hbm>>
        %dma_wait3A_265 = arith.constant 0 : i32
        %dma_wait3A_266 = tpu.memref_slice %arg4[%sub3A_257, %add3A_100, %dma_wait3A_265] : memref<50x64x4096xf32, #tpu.memory_space<hbm>> -> memref<1x1x4096xf32, #tpu.memory_space<hbm>>
        %dma_wait3A_267 = tpu.memref_squeeze %dma_wait3A_266 : memref<1x1x4096xf32, #tpu.memory_space<hbm>> -> memref<4096xf32, #tpu.memory_space<hbm>>
        %dma_wait3A_268 = arith.constant 0 : i32
        %dma_wait3A_269 = tpu.memref_slice %arg7[%dma_wait3A_258, %dma_wait3A_268] : memref<2x4096xf32, #tpu.memory_space<vmem>> -> memref<1x4096xf32, #tpu.memory_space<vmem>>
        %dma_wait3A_270 = tpu.memref_squeeze %dma_wait3A_269 : memref<1x4096xf32, #tpu.memory_space<vmem>> -> memref<4096xf32, #tpu.memory_space<vmem>>
        tpu.wait_dma2 semaphore(%arg12 : memref<!tpu.dma_semaphore, #tpu.memory_space<semaphore_mem>>) src(%dma_wait3A_270 : memref<4096xf32, #tpu.memory_space<vmem>>) dst(%dma_wait3A_267 : memref<4096xf32, #tpu.memory_space<hbm>>)
      } else {
      }
      %parallel_loop3A_234 = arith.constant 0 : i32
      %parallel_loop3A_235 = arith.constant 4096 : i32
      %parallel_loop3A_236 = arith.constant 16 : i32
      scf.for %parallel_loop3A_257 = %parallel_loop3A_234 to %parallel_loop3A_235 step %parallel_loop3A_236  : i32 {
        %parallel_loop3A_258 = arith.constant 1 : i32
        %parallel_loop3A_259 = arith.index_cast %parallel_loop3A_258 : i32 to index
        %parallel_loop3A_260 = arith.index_cast %parallel_loop3A_257 : i32 to index
        %parallel_loop3A_261 = tpu.vector_load %arg6[%parallel_loop3A_259, %parallel_loop3A_260] {strides = array<i32>} : memref<2x4096xi32, #tpu.memory_space<vmem>>, vector<16xi32>,
        %parallel_loop3A_262 = tpu.vector_load_idx %arg5[%parallel_loop3A_261] : memref<100000xf32, #tpu.memory_space<vmem>>[vector<16xi32>], vector<16xf32>,
        %parallel_loop3A_263 = arith.constant 1 : i32
        %parallel_loop3A_264 = arith.index_cast %parallel_loop3A_263 : i32 to index
        %parallel_loop3A_265 = arith.index_cast %parallel_loop3A_257 : i32 to index
        %parallel_loop3A_266 = tpu.vector_load %arg7[%parallel_loop3A_264, %parallel_loop3A_265] {strides = array<i32>} : memref<2x4096xf32, #tpu.memory_space<vmem>>, vector<16xf32>,
        tpu.vector_store %arg7[%parallel_loop3A_264, %parallel_loop3A_265], %parallel_loop3A_262 {strides = array<i32>} : memref<2x4096xf32, #tpu.memory_space<vmem>>, vector<16xf32>,
      } {sc.loop_unroll_factor = 32 : i64, sc.parallel_access}
      %dma_start3A_237 = arith.constant 1 : i32
      %dma_start3A_238 = arith.constant 0 : i32
      %dma_start3A_239 = tpu.memref_slice %arg7[%dma_start3A_237, %dma_start3A_238] : memref<2x4096xf32, #tpu.memory_space<vmem>> -> memref<1x4096xf32, #tpu.memory_space<vmem>>
      %dma_start3A_240 = tpu.memref_squeeze %dma_start3A_239 : memref<1x4096xf32, #tpu.memory_space<vmem>> -> memref<4096xf32, #tpu.memory_space<vmem>>
      %dma_start3A_241 = arith.constant 0 : i32
      %dma_start3A_242 = tpu.memref_slice %arg4[%add3A_211, %add3A_100, %dma_start3A_241] : memref<50x64x4096xf32, #tpu.memory_space<hbm>> -> memref<1x1x4096xf32, #tpu.memory_space<hbm>>
      %dma_start3A_243 = tpu.memref_squeeze %dma_start3A_242 : memref<1x1x4096xf32, #tpu.memory_space<hbm>> -> memref<4096xf32, #tpu.memory_space<hbm>>
      %dma_start3A_244 = arith.constant 0 : i32
      %dma_start3A_245 = tpu.memref_slice %arg4[%add3A_211, %add3A_100, %dma_start3A_244] : memref<50x64x4096xf32, #tpu.memory_space<hbm>> -> memref<1x1x4096xf32, #tpu.memory_space<hbm>>
      %dma_start3A_246 = tpu.memref_squeeze %dma_start3A_245 : memref<1x1x4096xf32, #tpu.memory_space<hbm>> -> memref<4096xf32, #tpu.memory_space<hbm>>
      %dma_start3A_247 = arith.constant 0 : i32
      %dma_start3A_248 = tpu.memref_slice %arg7[%dma_start3A_237, %dma_start3A_247] : memref<2x4096xf32, #tpu.memory_space<vmem>> -> memref<1x4096xf32, #tpu.memory_space<vmem>>
      %dma_start3A_249 = tpu.memref_squeeze %dma_start3A_248 : memref<1x4096xf32, #tpu.memory_space<vmem>> -> memref<4096xf32, #tpu.memory_space<vmem>>
      tpu.enqueue_dma source(%dma_start3A_249 : memref<4096xf32, #tpu.memory_space<vmem>>) target(%dma_start3A_246 : memref<4096xf32, #tpu.memory_space<hbm>>) target_semaphore(%arg12 : memref<!tpu.dma_semaphore, #tpu.memory_space<semaphore_mem>>)
      %add3A_250 = arith.constant 2 : i32
      %add3A_251 = arith.addi %add3A_211, %add3A_250 : i32
      %lt3A_252 = arith.constant 50 : i32
      %lt3A_253 = arith.cmpi slt, %add3A_251, %lt3A_252 : i32
      %convert_element_type3A_254 = arith.extui %lt3A_253 : i1 to i32
      %cond3A_255 = arith.constant 0 : i32
      %cond3A_256 = arith.cmpi ne, %convert_element_type3A_254, %cond3A_255 : i32
      scf.if %cond3A_256 {
        %add3A_257 = arith.constant 2 : i32
        %add3A_258 = arith.addi %add3A_211, %add3A_257 : i32
        %div3A_259 = arith.constant 8 : i32
        %div3A_260 = arith.divsi %add3A_258, %div3A_259 : i32
        %rem3A_261 = arith.constant 8 : i32
        %rem3A_262 = arith.remsi %add3A_258, %rem3A_261 : i32
        %dma_start3A_263 = arith.constant 1 : i32
        %dma_start3A_264 = arith.constant 0 : i32
        %dma_start3A_265 = tpu.memref_slice %arg6[%dma_start3A_263, %dma_start3A_264] : memref<2x4096xi32, #tpu.memory_space<vmem>> -> memref<1x4096xi32, #tpu.memory_space<vmem>>
        %dma_start3A_266 = tpu.memref_squeeze %dma_start3A_265 : memref<1x4096xi32, #tpu.memory_space<vmem>> -> memref<4096xi32, #tpu.memory_space<vmem>>
        %dma_start3A_267 = arith.constant 0 : i32
        %dma_start3A_268 = tpu.memref_slice %arg8[%div3A_260, %rem3A_262, %dma_start3A_267] : memref<7x8x4096xi32, #tpu.memory_space<vmem_shared>> -> memref<1x1x4096xi32, #tpu.memory_space<vmem_shared>>
        %dma_start3A_269 = tpu.memref_squeeze %dma_start3A_268 : memref<1x1x4096xi32, #tpu.memory_space<vmem_shared>> -> memref<4096xi32, #tpu.memory_space<vmem_shared>>
        %dma_start3A_270 = arith.constant 0 : i32
        %dma_start3A_271 = tpu.memref_slice %arg6[%dma_start3A_263, %dma_start3A_270] : memref<2x4096xi32, #tpu.memory_space<vmem>> -> memref<1x4096xi32, #tpu.memory_space<vmem>>
        %dma_start3A_272 = tpu.memref_squeeze %dma_start3A_271 : memref<1x4096xi32, #tpu.memory_space<vmem>> -> memref<4096xi32, #tpu.memory_space<vmem>>
        %dma_start3A_273 = arith.constant 0 : i32
        %dma_start3A_274 = tpu.memref_slice %arg8[%div3A_260, %rem3A_262, %dma_start3A_273] : memref<7x8x4096xi32, #tpu.memory_space<vmem_shared>> -> memref<1x1x4096xi32, #tpu.memory_space<vmem_shared>>
        %dma_start3A_275 = tpu.memref_squeeze %dma_start3A_274 : memref<1x1x4096xi32, #tpu.memory_space<vmem_shared>> -> memref<4096xi32, #tpu.memory_space<vmem_shared>>
        tpu.enqueue_dma source(%dma_start3A_275 : memref<4096xi32, #tpu.memory_space<vmem_shared>>) target(%dma_start3A_272 : memref<4096xi32, #tpu.memory_space<vmem>>) target_semaphore(%arg10 : memref<!tpu.dma_semaphore, #tpu.memory_space<semaphore_mem>>)
      } else {
      }
    }
    %scan3A_136 = arith.constant 25 : i32
    %dma_wait3A_137 = arith.constant 0 : i32
    %dma_wait3A_138 = arith.constant 48 : i32
    %dma_wait3A_139 = arith.constant 0 : i32
    %dma_wait3A_140 = tpu.memref_slice %arg7[%dma_wait3A_137, %dma_wait3A_139] : memref<2x4096xf32, #tpu.memory_space<vmem>> -> memref<1x4096xf32, #tpu.memory_space<vmem>>
    %dma_wait3A_141 = tpu.memref_squeeze %dma_wait3A_140 : memref<1x4096xf32, #tpu.memory_space<vmem>> -> memref<4096xf32, #tpu.memory_space<vmem>>
    %dma_wait3A_142 = arith.constant 0 : i32
    %dma_wait3A_143 = tpu.memref_slice %arg4[%dma_wait3A_138, %add3A_100, %dma_wait3A_142] : memref<50x64x4096xf32, #tpu.memory_space<hbm>> -> memref<1x1x4096xf32, #tpu.memory_space<hbm>>
    %dma_wait3A_144 = tpu.memref_squeeze %dma_wait3A_143 : memref<1x1x4096xf32, #tpu.memory_space<hbm>> -> memref<4096xf32, #tpu.memory_space<hbm>>
    %dma_wait3A_145 = arith.constant 0 : i32
    %dma_wait3A_146 = tpu.memref_slice %arg4[%dma_wait3A_138, %add3A_100, %dma_wait3A_145] : memref<50x64x4096xf32, #tpu.memory_space<hbm>> -> memref<1x1x4096xf32, #tpu.memory_space<hbm>>
    %dma_wait3A_147 = tpu.memref_squeeze %dma_wait3A_146 : memref<1x1x4096xf32, #tpu.memory_space<hbm>> -> memref<4096xf32, #tpu.memory_space<hbm>>
    %dma_wait3A_148 = arith.constant 0 : i32
    %dma_wait3A_149 = tpu.memref_slice %arg7[%dma_wait3A_137, %dma_wait3A_148] : memref<2x4096xf32, #tpu.memory_space<vmem>> -> memref<1x4096xf32, #tpu.memory_space<vmem>>
    %dma_wait3A_150 = tpu.memref_squeeze %dma_wait3A_149 : memref<1x4096xf32, #tpu.memory_space<vmem>> -> memref<4096xf32, #tpu.memory_space<vmem>>
    tpu.wait_dma2 semaphore(%arg11 : memref<!tpu.dma_semaphore, #tpu.memory_space<semaphore_mem>>) src(%dma_wait3A_150 : memref<4096xf32, #tpu.memory_space<vmem>>) dst(%dma_wait3A_147 : memref<4096xf32, #tpu.memory_space<hbm>>)
    %dma_wait3A_151 = arith.constant 1 : i32
    %dma_wait3A_152 = arith.constant 49 : i32
    %dma_wait3A_153 = arith.constant 0 : i32
    %dma_wait3A_154 = tpu.memref_slice %arg7[%dma_wait3A_151, %dma_wait3A_153] : memref<2x4096xf32, #tpu.memory_space<vmem>> -> memref<1x4096xf32, #tpu.memory_space<vmem>>
    %dma_wait3A_155 = tpu.memref_squeeze %dma_wait3A_154 : memref<1x4096xf32, #tpu.memory_space<vmem>> -> memref<4096xf32, #tpu.memory_space<vmem>>
    %dma_wait3A_156 = arith.constant 0 : i32
    %dma_wait3A_157 = tpu.memref_slice %arg4[%dma_wait3A_152, %add3A_100, %dma_wait3A_156] : memref<50x64x4096xf32, #tpu.memory_space<hbm>> -> memref<1x1x4096xf32, #tpu.memory_space<hbm>>
    %dma_wait3A_158 = tpu.memref_squeeze %dma_wait3A_157 : memref<1x1x4096xf32, #tpu.memory_space<hbm>> -> memref<4096xf32, #tpu.memory_space<hbm>>
    %dma_wait3A_159 = arith.constant 0 : i32
    %dma_wait3A_160 = tpu.memref_slice %arg4[%dma_wait3A_152, %add3A_100, %dma_wait3A_159] : memref<50x64x4096xf32, #tpu.memory_space<hbm>> -> memref<1x1x4096xf32, #tpu.memory_space<hbm>>
    %dma_wait3A_161 = tpu.memref_squeeze %dma_wait3A_160 : memref<1x1x4096xf32, #tpu.memory_space<hbm>> -> memref<4096xf32, #tpu.memory_space<hbm>>
    %dma_wait3A_162 = arith.constant 0 : i32
    %dma_wait3A_163 = tpu.memref_slice %arg7[%dma_wait3A_151, %dma_wait3A_162] : memref<2x4096xf32, #tpu.memory_space<vmem>> -> memref<1x4096xf32, #tpu.memory_space<vmem>>
    %dma_wait3A_164 = tpu.memref_squeeze %dma_wait3A_163 : memref<1x4096xf32, #tpu.memory_space<vmem>> -> memref<4096xf32, #tpu.memory_space<vmem>>
    tpu.wait_dma2 semaphore(%arg12 : memref<!tpu.dma_semaphore, #tpu.memory_space<semaphore_mem>>) src(%dma_wait3A_164 : memref<4096xf32, #tpu.memory_space<vmem>>) dst(%dma_wait3A_161 : memref<4096xf32, #tpu.memory_space<hbm>>)
    return
  }
}

</mosaic_0001>

<sc_bundles>
// kernel: kernel.3.cloned.1.call-start
scs
__scs_entry_jumppad:
0x0: {  	(pc) =	sbr.rel $0x88, $3  }
0x1: {  	(tag) =	ssettag $0x0;
	lr =	simm.s32 $0x1  }
0x2: {  	[smem:$0x3F9F] =	sst lr;
	_ =	strace $0xD0000000  }
0x3: {  	_ = 	snop  }
0x4: {  	_ = 	snop  }
0x5: {  	_ = 	snop  }
0x6: {  	_ = 	snop  }
0x7: {  	_ = 	snop  }
__scs_overlays_trampoline_lowered:
0x8: {  	[smem:$0x3FAE] =	sst s0  }
0x9: {  	[smem:$0x3FAF] =	sst s1  }
0xa: {  	[smem:$0x3FB0] =	sst s2  }
0xb: {  	[smem:$0x3FB1] =	sst s3  }
0xc: {  	[smem:$0x3FB2] =	sst s4  }
0xd: {  	[smem:$0x3FB3] =	sst s5  }
0xe: {  	[smem:$0x3FB4] =	sst s6  }
0xf: {  	[smem:$0x3FB5] =	sst s7  }
0x10: {  	[smem:$0x3FB6] =	sst s8  }
0x11: {  	[smem:$0x3FB7] =	sst s9;
	s0 =	simm.s32 @!p0 $0x0  }
0x12: {  	s1 =	sld [smem:$0x3F9D];
	s0 =	simm.s32 @p0 $0x1  }
0x13: {  	[smem:$0x3FB8] =	sst s0;
	s0 =	simm.s32 @!p1 $0x0  }
0x14: {  	s2 =	sld [smem:$0x3F9C];
	s0 =	simm.s32 @p1 $0x1  }
0x15: {  	[smem:$0x3FB9] =	sst s0;
	s0 =	simm.s32 @!p2 $0x0  }
0x16: {  	s3 =	sld [smem:$0x3FDB];
	s0 =	simm.s32 @p2 $0x1  }
0x17: {  	s4 =	simm.s32 $0x1BF5;
	[smem:$0x3FBB] =	sst s0  }
0x18: {  	s0 =	sld [smem:$0x3F9E];
	_ =	swait.ge [sflag:s4], $0x0  }
0x19: {  	s7 =	sld [smem:$0x3F9F]  }
0x1a: {  	s8 =	sadd.s32 $0xFFFFE003, lr  }
0x1b: {  	s9 =	sadd.s32 $0xFFFFFEF7, lr;
	s5 =	simm.s32 $0xFFFFFFFF;
	p2 =	slt.u32 s8, $0xFFFFF086  }
0x1c: {  	p1 =	slt.u32 s9, $0xF7A;
	s5 =	simm.s32 @!p2 $0x0  }
0x1d: {  	s5 =	simm.s32 @p1 $0x1;
	p0 =	seq.s32 s7, s2  }
0x1e: {  	s7 =	smul.u32 @!p0 $0xF7A, s2;
	p2 =	seq.s32 @!p0 s5, $0x0  }
0x1f: {  	s9 =	smul.u32 $0xF7A, s1;
	s8 =	simm.s32 @!p0 $0x1BF5;
	p2 =	por !p2, p0  }
0x20: {  	[sflag:s8] =	ssyncset.s32 @!p0 $0xFFFFF086;
	s6 =	sadd.s32 @!p0 s3, s7;
	s7 =	simm.s32 @!p0 $0x108  }
0x21: {  	s3 =	sadd.s32 s3, s9;
	s6 =	sadd.s32 @!p0 $0x88, s6;
	s7 =	simm.s32 @p2 $0x1082  }
0x22: {  	[simem:s7], [sflag:s8] =	dma.local @!p0 [hbm:s6], $0xF7A  }
0x23: {  	s9 =	sor.u32 $0xD0000000, s2;
	s6 =	simm.s32 $0x108;
	_ =	swait.ge @!p0 [sflag:s8], $0x0  }
0x24: {  	s3 =	sadd.s32 $0x88, s3;
	s6 =	simm.s32 @!p1 $0x1082;
	[sflag:s4] =	ssyncset.s32 $0xFFFFF086  }
0x25: {  	[simem:s6], [sflag:s4] =	dma.local [hbm:s3], $0xF7A  }
0x26: {  	[smem:$0x3F9F] =	sst s1;
	(tag) =	ssettag s2;
	_ =	strace s9  }
0x27: {  	s1 =	sld [smem:$0x3FAF]  }
0x28: {  	s2 =	sld [smem:$0x3FB0]  }
0x29: {  	s4 =	sld [smem:$0x3FB2]  }
0x2a: {  	p0 =	seq.s32 s5, $0x0;
	s5 =	sld [smem:$0x3FB3]  }
0x2b: {  	s6 =	sld [smem:$0x3FB4]  }
0x2c: {  	s7 =	sld [smem:$0x3FB5]  }
0x2d: {  	s3 =	simm.s32 $0x108;
	s8 =	sld [smem:$0x3FB6]  }
0x2e: {  	s3 =	simm.s32 @!p0 $0x1082;
	s9 =	sld [smem:$0x3FB7]  }
0x2f: {  	lr =	sadd.s32 s0, s3;
	s0 =	sld [smem:$0x3FAE]  }
0x30: {  	s3 =	sld [smem:$0x3FB1]  }
0x31: {  	[smem:$0x3FBA] =	sst s10  }
0x32: {  	s10 =	sld [smem:$0x3FB8];
	_ =	sdelay $0x3  }
0x33: {  	p0 =	seq.s32 s10, $0x1;
	s10 =	sld [smem:$0x3FBA];
	_ =	sdelay $0x3  }
0x34: {  	[smem:$0x3FBA] =	sst s10  }
0x35: {  	s10 =	sld [smem:$0x3FB9];
	_ =	sdelay $0x3  }
0x36: {  	p1 =	seq.s32 s10, $0x1;
	s10 =	sld [smem:$0x3FBA];
	_ =	sdelay $0x3  }
0x37: {  	[smem:$0x3FBA] =	sst s10  }
0x38: {  	s10 =	sld [smem:$0x3FBB]  }
0x39: {  	_ = 	snop;
	(pc) =	sbr.ind lr, $3  }
0x3a: {  	_ = 	snop  }
0x3b: {  	_ = 	snop  }
0x3c: {  	p2 =	seq.s32 s10, $0x1;
	s10 =	sld [smem:$0x3FBA]  }
0x3d: {  	_ =	shalt  }
0x3e: {  	_ =	shalt  }
0x3f: {  	_ =	shalt  }
0x40: {  	_ =	shalt  }
0x41: {  	_ =	shalt  }
0x42: {  	_ =	shalt  }
0x43: {  	_ =	shalt  }
0x44: {  	_ =	shalt  }
0x45: {  	_ =	shalt  }
0x46: {  	_ =	shalt  }
0x47: {  	_ =	shalt  }
0x48: {  	_ =	shalt  }
0x49: {  	_ =	shalt  }
0x4a: {  	_ =	shalt  }
0x4b: {  	_ =	shalt  }
0x4c: {  	_ =	shalt  }
0x4d: {  	_ =	shalt  }
0x4e: {  	_ =	shalt  }
0x4f: {  	_ =	shalt  }
0x50: {  	_ =	shalt  }
0x51: {  	_ =	shalt  }
0x52: {  	_ =	shalt  }
0x53: {  	_ =	shalt  }
0x54: {  	_ =	shalt  }
0x55: {  	_ =	shalt  }
0x56: {  	_ =	shalt  }
0x57: {  	_ =	shalt  }
0x58: {  	_ =	shalt  }
0x59: {  	_ =	shalt  }
0x5a: {  	_ =	shalt  }
0x5b: {  	_ =	shalt  }
0x5c: {  	_ =	shalt  }
0x5d: {  	_ =	shalt  }
0x5e: {  	_ =	shalt  }
0x5f: {  	_ =	shalt  }
0x60: {  	_ =	shalt  }
0x61: {  	_ =	shalt  }
0x62: {  	_ =	shalt  }
0x63: {  	_ =	shalt  }
0x64: {  	_ =	shalt  }
0x65: {  	_ =	shalt  }
0x66: {  	_ =	shalt  }
0x67: {  	_ =	shalt  }
0x68: {  	_ =	shalt  }
0x69: {  	_ =	shalt  }
0x6a: {  	_ =	shalt  }
0x6b: {  	_ =	shalt  }
0x6c: {  	_ =	shalt  }
0x6d: {  	_ =	shalt  }
0x6e: {  	_ =	shalt  }
0x6f: {  	_ =	shalt  }
0x70: {  	_ =	shalt  }
0x71: {  	_ =	shalt  }
0x72: {  	_ =	shalt  }
0x73: {  	_ =	shalt  }
0x74: {  	_ =	shalt  }
0x75: {  	_ =	shalt  }
0x76: {  	_ =	shalt  }
0x77: {  	_ =	shalt  }
0x78: {  	_ =	shalt  }
0x79: {  	_ =	shalt  }
0x7a: {  	_ =	shalt  }
0x7b: {  	_ =	shalt  }
0x7c: {  	_ =	shalt  }
0x7d: {  	_ =	shalt  }
0x7e: {  	_ =	shalt  }
0x7f: {  	_ =	shalt  }
0x80: {  	_ =	shalt  }
0x81: {  	_ =	shalt  }
0x82: {  	_ =	shalt  }
0x83: {  	_ =	shalt  }
0x84: {  	_ =	shalt  }
0x85: {  	_ =	shalt  }
0x86: {  	_ =	shalt  }
0x87: {  	_ =	shalt  }
.Lfunc_end0:
.L_simem_size_0:
called_computation_lowered:
.L_overlay_start_0:
0x88: {  	s2 =	sld [smem:$0x3FD9]  }
0x89: {  	s3 =	sld [smem:$0x3FFE];
	_ =	sdelay $0x1  }
0x8a: {  	s1 =	srdreg.scid  }
0x8b: {  	s0 =	sand.u32 $0x1, s1  }
0x8c: {  	s18 =	sshll.u32 s0, $0xA;
	s2 =	sadd.s32 s3, s2  }
0x8d: {  	s2 =	sadd.s32 s2, s18  }
0x8e: {  	[smem:$0x3FC6] =	sst s2  }
0x8f: {  	_ = 	snop  }
0x90: {  	s2 =	sld [smem:$0x3FC9]  }
0x91: {  	s19 =	sld [smem:$0x3FC8]  }
0x92: {  	s4 =	sld [smem:$0x3FD0];
	(tm) =	ssettm $0x1  }
0x93: {  	s5 =	sld [smem:$0x3FFB];
	_ =	sdelay $0x3  }
0x94: {  	_ =	strace s5  }
0x95: {  	s5 =	sld [smem:$0x3FFC];
	_ =	sdelay $0x3  }
0x96: {  	_ =	strace s5  }
0x97: {  	s5 =	sld [smem:$0x3FFD];
	_ =	sdelay $0x3  }
0x98: {  	_ =	strace s5  }
0x99: {  	_ =	strace $0x8FFFFFFF  }
0x9a: {  	s20 =	sld [smem:$0x3FDB];
	_ =	sdelay $0x1  }
0x9b: {  	s6 =	simm.s32 $_scs_section_size  }
0x9c: {  	s7 =	simm.s32 $_size__tile_overlayer_lowered;
	s8 =	simm.s32 $_tile_overlayer_lowered  }
0x9d: {  	s23 =	simm.s32 $0x1BFF;
	s22 =	sshll.u32 s8, $0x1;
	s5 =	sadd.s32 s6, s20  }
0x9e: {  	s9 =	simm.s32 $0x0;
	s21 =	sshll.u32 s7, $0x1;
	s7 =	sadd.s32 s22, s5  }
0x9f: {  	[timem:s9], [sflag:s23] =	dma.local [hbm:s7], s21  }
0xa0: {  	_ =	swait.ge [sflag:s23], s21  }
0xa1: {  	s6 =	ssub.s32 $0x0, s21;
	[sflag:s23] =	ssyncset.done $0x0  }
0xa2: {  	[sflag:s23] =	ssyncadd.s32 s6;
	_ =	sdelay $0x1  }
0xa3: {  	s24 =	simm.s32 $0x1B8B  }
0xa4: {  	_ =	swait.ge [sflag:s24], $0x1  }
0xa5: {  	[sflag:s24] =	ssyncset.done $0x0  }
0xa6: {  	s25 =	simm.s32 $0x1B8E;
	[sflag:s24] =	ssyncadd.s32 $0xFFFFFFFF  }
0xa7: {  	s26 =	simm.s32 $execute0_lowered;
	[smem:$0x3FD2] =	sst s25  }
0xa8: {  	s6 =	sshll.u32 s26, $0x1;
	_ =	strace $0x80000046;
	[dreg:$0x1] =	wrdreg $0xFFFFFFFF  }
0xa9: {  	s28 =	simm.s32 $_size_execute0_lowered;
	s5 =	sadd.s32 s5, s6;
	[dreg:$0x0] =	wrdreg $0x0  }
0xaa: {  	s6 =	sshll.u32 s28, $0x1;
	[dreg:$0x2] =	wrdreg s5  }
0xab: {  	[dreg:$0x3] =	wrdreg s6  }
0xac: {  	[dreg:$0x4] =	wrdreg $0xC0  }
0xad: {  	_ =	task [dreg:s9], $0x5FFFF  }
0xae: {  	[dreg:$0x1] =	wrdreg $0xFFFFFFFF  }
0xaf: {  	[dreg:$0x0] =	wrdreg $0x60  }
0xb0: {  	[dreg:$0x2] =	wrdreg s2  }
0xb1: {  	[dreg:$0x3] =	wrdreg s19  }
0xb2: {  	[dreg:$0x4] =	wrdreg s4  }
0xb3: {  	[dreg:$0x5] =	wrdreg $0x1C7000  }
0xb4: {  	[dreg:$0x6] =	wrdreg $0x9  }
0xb5: {  	_ =	task.clear_ibuf [dreg:s9], $0x7FFFF;
	_ =	strace $0x90000046  }
0xb6: {  	s29 =	simm.s32 $0x9;
	_ =	strace $0x80000048  }
0xb7: {  	_ =	swait.ge [sflag:s29], $0x1  }
0xb8: {  	[sflag:s29] =	ssyncadd.s32 $0xFFFFFFFF  }
0xb9: {  	_ =	strace $0x90000048  }
0xba: {  	_ =	sfence  }
0xbb: {  	s30 =	sld [smem:$0x0];
	_ =	sdelay $0x2  }
0xbc: {  	s31 =	sshll.u32 s1, $0xD;
	s1 =	sshrl.u32 s1, $0x2  }
0xbd: {  	s3 =	sand.u32 $0x4000, s31;
	s1 =	sadd.s32 s1, s30  }
0xbe: {  	s0 =	sor.u32 s3, s0;
	s1 =	sshll.u32 s1, $0x11  }
0xbf: {  	s0 =	sor.u32 s1, s0  }
0xc0: {  	s0 =	sadd.s32 $0x8F2B, s0  }
0xc1: {  	[sflag:s0] =	ssyncadd.remote.s32 $0x1  }
0xc2: {  	_ =	sfence.sel $0xFFFF  }
0xc3: {  	[dreg:$0x0] =	wrdreg $0xFFFFFFFF;
	(pc) =	sbr.abs _section_cstart, $3  }
0xc4: {  	[dreg:$0x1] =	wrdreg $0xFFFFFFFF  }
0xc5: {  	_ =	task.clear_ibuf [dreg:s9], $0x2FFFF;
	_ =	strace $0x9FFFFFFF  }
0xc6: {  	(tm) =	ssettm $0x7FFFFFFF  }
0xc7: {  	_ =	shalt  }
tec
execute0_lowered:
.L_overlay_start_1:
0x0: {  	(tag) =	ssettag $0x1  }
0x1: {  	s13 =	rddreg [dreg:$0x0]  }
0x2: {  	s0 =	rddreg [dreg:$0x1]  }
0x3: {  	s2 =	rddreg [dreg:$0x2]  }
0x4: {  	s3 =	rddreg [dreg:$0x3];
	s4 =	simm.s32 $0x0  }
0x5: {  	[smem:$0x7FF] =	sst s4;
	s7 =	sadd.s32 $0x6000, s13  }
0x6: {  	s8 =	sadd.s32 $0x5000, s13;
	_ =	strace $0x80000047;
	[dreg:$0x5] =	wrdreg s7  }
0x7: {  	s9 =	sadd.s32 $0x4000, s13;
	[dreg:$0x6] =	wrdreg s8  }
0x8: {  	s12 =	sadd.s32 $0x3000, s13;
	[dreg:$0x7] =	wrdreg s9  }
0x9: {  	s16 =	sadd.s32 $0x2000, s13;
	[dreg:$0x8] =	wrdreg s12  }
0xa: {  	s13 =	sadd.s32 $0x1000, s13;
	[dreg:$0xa] =	wrdreg s16  }
0xb: {  	s23 =	sadd.s32 $0x400, s3;
	[dreg:$0xb] =	wrdreg s13  }
0xc: {  	s24 =	sadd.s32 $0x800, s3;
	[dreg:$0x12] =	wrdreg s23  }
0xd: {  	s25 =	sadd.s32 $0xC00, s3;
	[dreg:$0x19] =	wrdreg s24  }
0xe: {  	s26 =	sadd.s32 $0x1000, s3;
	[dreg:$0x1a] =	wrdreg s25  }
0xf: {  	s28 =	sadd.s32 $0x1400, s3;
	[dreg:$0x1b] =	wrdreg s26  }
0x10: {  	s29 =	sadd.s32 $0x1800, s3;
	[dreg:$0x1c] =	wrdreg s28  }
0x11: {  	s30 =	sadd.s32 $0x1C00, s3;
	[dreg:$0x1d] =	wrdreg s29  }
0x12: {  	s14 =	stileid.u32;
	s31 =	sadd.s32 $0x2000, s3;
	[dreg:$0x1e] =	wrdreg s30  }
0x13: {  	s10 =	sshll.u32 s14, $0x7;
	s16 =	sadd.s32 $0x80, s3;
	[dreg:$0x1f] =	wrdreg s31  }
0x14: {  	s15 =	sand.u32 $0x380, s10;
	[dreg:$0xd] =	wrdreg s16  }
0x15: {  	s13 =	sadd.s32 $0x4800, s3;
	[dreg:$0x9] =	wrdreg s15  }
0x16: {  	s23 =	sadd.s32 $0x7000, s3;
	[smem:$0x7D1] =	sst s13  }
0x17: {  	s1 =	srdreg.scid;
	s24 =	sadd.s32 $0x7400, s3;
	[smem:$0x7DB] =	sst s23  }
0x18: {  	s1 =	sand.u32 $0x1, s1;
	s25 =	sadd.s32 $0x7800, s3;
	[smem:$0x7DC] =	sst s24  }
0x19: {  	p4 =	sgt.s32 s14, $0x4;
	s26 =	sadd.s32 $0x7C00, s3;
	[smem:$0x7DD] =	sst s25  }
0x1a: {  	p0 =	seq.s32 s14, $0x0;
	s28 =	sadd.s32 $0x480, s3;
	[smem:$0x7DE] =	sst s26  }
0x1b: {  	s5 =	ssub.s32 $0x2, s1;
	s29 =	sadd.s32 $0x880, s3;
	[smem:$0x7DF] =	sst s28  }
0x1c: {  	s1 =	sshll.u32 s1, $0x4;
	s30 =	sadd.s32 $0xC80, s3;
	[smem:$0x7E0] =	sst s29  }
0x1d: {  	s7 =	sadd.s32 $0x28000, s3;
	s31 =	sadd.s32 $0x1080, s3;
	[smem:$0x7E1] =	sst s30  }
0x1e: {  	s8 =	sadd.s32 $0x20000, s3;
	s16 =	sadd.s32 $0x5400, s3;
	[smem:$0x7E2] =	sst s31  }
0x1f: {  	s9 =	sadd.s32 $0x18000, s3;
	s13 =	sadd.s32 $0x3880, s3;
	[smem:$0x7D4] =	sst s16  }
0x20: {  	s12 =	sadd.s32 $0x10000, s3;
	s23 =	sadd.s32 $0x6080, s3;
	[smem:$0x7EC] =	sst s13  }
0x21: {  	s10 =	sadd.s32 $0x8000, s3;
	s24 =	sadd.s32 $0x6480, s3;
	[smem:$0x7F6] =	sst s23  }
0x22: {  	p1 =	seq.s32 @p4 s14, $0x5;
	s25 =	sadd.s32 $0x6880, s3;
	[smem:$0x7F7] =	sst s24  }
0x23: {  	p3 =	seq.s32 @!p4 s14, $0x3;
	s26 =	sadd.s32 $0x6C80, s3;
	[smem:$0x7F8] =	sst s25  }
0x24: {  	s6 =	sshrl.u32 s5, $0x1;
	s28 =	sadd.s32 $0x7080, s3;
	[smem:$0x7F9] =	sst s26  }
0x25: {  	s1 =	sor.u32 s14, s1;
	s29 =	sadd.s32 $0x7480, s3;
	[smem:$0x7FA] =	sst s28  }
0x26: {  	s30 =	sadd.s32 $0x7880, s3;
	s31 =	sadd.s32 $0x7C80, s3;
	[smem:$0x7FB] =	sst s29  }
0x27: {  	s5 =	ssub.s32 s5, s6;
	s1 =	sshrl.u32 s1, $0x3;
	[smem:$0x7FC] =	sst s30  }
0x28: {  	s16 =	sadd.s32 $0x4480, s3;
	[smem:$0x7FD] =	sst s31;
	s11 =	smul.u32 $0xC3800, s1  }
0x29: {  	s17 =	sor.u32 $0x4, s1;
	s1 =	sshll.u32 s1, $0xF;
	[smem:$0x7EF] =	sst s16  }
0x2a: {  	p5 =	seq.s32 @!p0 s14, $0x1;
	s22 =	smax.u32 s5, $0x1;
	[dreg:$0xe] =	wrdreg s1  }
0x2b: {  	s5 =	sadd.s32 $0x2800, s3;
	s18 =	smul.u32 $0xC3800, s17;
	[dreg:$0x11] =	wrdreg s22  }
0x2c: {  	s20 =	sshll.u32 s17, $0xF;
	[smem:$0x7C9] =	sst s5;
	s17 =	sadd.s32 $0x5800, s3  }
0x2d: {  	p2 =	por p1, !p4;
	s22 =	sadd.s32 $0x6C00, s3;
	[smem:$0x7D5] =	sst s17  }
0x2e: {  	p6 =	por p3, p4;
	s5 =	sadd.s32 $0x1880, s3;
	[smem:$0x7DA] =	sst s22  }
0x2f: {  	s6 =	sadd.s32 $0x30000, s3;
	s21 =	sor.u32 s15, s20;
	[smem:$0x7E4] =	sst s5  }
0x30: {  	p2 =	seq.s32 @!p2 s14, $0x6;
	s20 =	sadd.s32 $0x6400, s3;
	[dreg:$0x10] =	wrdreg s21  }
0x31: {  	p6 =	seq.s32 @!p6 s14, $0x4;
	s17 =	sadd.s32 $0x4880, s3;
	[smem:$0x7D8] =	sst s20  }
0x32: {  	s11 =	sor.u32 s15, s11;
	s22 =	sadd.s32 $0x5C80, s3;
	[smem:$0x7F0] =	sst s17  }
0x33: {  	s19 =	sor.u32 s15, s18;
	s15 =	sadd.s32 $0x5000, s3;
	[smem:$0x7F5] =	sst s22  }
0x34: {  	s24 =	simm.s32 $0x19D80;
	s18 =	sadd.s32 $0x5C00, s3;
	[smem:$0x7D3] =	sst s15  }
0x35: {  	p2 =	por @p4 !p2, p1;
	s21 =	sadd.s32 $0x6800, s3;
	[smem:$0x7D6] =	sst s18  }
0x36: {  	s11 =	sshrl.u32 s11, $0x3;
	s20 =	sadd.s32 $0x5480, s3;
	[smem:$0x7D9] =	sst s21  }
0x37: {  	p1 =	por !p1, !p4;
	s11 =	sadd.s32 s0, s11;
	[smem:$0x7F3] =	sst s20  }
0x38: {  	s1 =	sshrl.u32 s19, $0x3;
	s19 =	sadd.s32 $0x6000, s3;
	[dreg:$0xc] =	wrdreg s11  }
0x39: {  	p6 =	por @!p4 !p6, p3;
	s15 =	sadd.s32 $0x4080, s3;
	[smem:$0x7D7] =	sst s19  }
0x3a: {  	p3 =	por !p3, p4;
	s18 =	sadd.s32 $0x4C80, s3;
	[smem:$0x7EE] =	sst s15  }
0x3b: {  	p2 =	por p2, !p4;
	s21 =	sadd.s32 $0x5880, s3;
	[smem:$0x7F1] =	sst s18  }
0x3c: {  	p4 =	por p6, p4;
	s0 =	sadd.s32 s0, s1;
	[smem:$0x7F4] =	sst s21  }
0x3d: {  	p6 =	por p5, p0;
	s1 =	sadd.s32 $0x2400, s3;
	[dreg:$0xf] =	wrdreg s0  }
0x3e: {  	p6 =	seq.s32 @!p6 s14, $0x2;
	s11 =	sadd.s32 $0x4000, s3;
	[smem:$0x7C8] =	sst s1  }
0x3f: {  	p6 =	por @!p0 !p6, p5;
	s19 =	sadd.s32 $0x5080, s3;
	[smem:$0x7CF] =	sst s11  }
0x40: {  	p5 =	por !p5, p0;
	s1 =	sadd.s32 $0x1480, s3;
	[smem:$0x7F2] =	sst s19  }
0x41: {  	s0 =	simm.s32 @!p5 $0x0;
	s11 =	sadd.s32 $0x3080, s3;
	[smem:$0x7E3] =	sst s1  }
0x42: {  	s25 =	simm.s32 $0x19E80;
	s0 =	simm.s32 @p5 $0x1;
	[smem:$0x7EA] =	sst s11  }
0x43: {  	s13 =	simm.s32 $0x19F80;
	[smem:$0x7C5] =	sst s0;
	s0 =	sshrl.u32 @!p5 s10, $0x3  }
0x44: {  	s23 =	simm.s32 $0x1A680;
	s10 =	sadd.s32 $0x3C00, s3;
	[dreg:$0x13] =	wrdreg s0  }
0x45: {  	p5 =	sgt.s32 s14, $0x2;
	s14 =	sadd.s32 $0x4C00, s3;
	[smem:$0x7CE] =	sst s10  }
0x46: {  	p6 =	por p6, p0;
	[smem:$0x7D2] =	sst s14;
	s10 =	sadd.s32 $0x2C80, s3  }
0x47: {  	s0 =	simm.s32 @!p6 $0x0;
	s14 =	sadd.s32 $0x3C80, s3;
	[smem:$0x7E9] =	sst s10  }
0x48: {  	s26 =	simm.s32 $0x4;
	s0 =	simm.s32 @p6 $0x1;
	[smem:$0x7ED] =	sst s14  }
0x49: {  	s16 =	simm.s32 $0x1A380;
	[smem:$0x7C6] =	sst s0;
	s0 =	sshrl.u32 @!p6 s12, $0x3  }
0x4a: {  	s22 =	simm.s32 $0x19C80;
	s12 =	sadd.s32 $0x4400, s3;
	[dreg:$0x14] =	wrdreg s0  }
0x4b: {  	s17 =	simm.s32 $0x1A280;
	s0 =	sshrl.u32 @!p1 s7, $0x3;
	[smem:$0x7D0] =	sst s12  }
0x4c: {  	s20 =	simm.s32 $0x19780;
	s7 =	sadd.s32 $0x3000, s3;
	[dreg:$0x15] =	wrdreg s0  }
0x4d: {  	s21 =	simm.s32 $0x19880;
	s12 =	sadd.s32 $0x3480, s3;
	[smem:$0x7CB] =	sst s7  }
0x4e: {  	s15 =	simm.s32 $0x1A180;
	s0 =	sshrl.u32 @!p2 s6, $0x3;
	[smem:$0x7EB] =	sst s12  }
0x4f: {  	s18 =	simm.s32 $0x1A480;
	s6 =	sadd.s32 $0x2C00, s3;
	[dreg:$0x16] =	wrdreg s0  }
0x50: {  	s19 =	simm.s32 $0x2;
	s7 =	sadd.s32 $0x2080, s3;
	[smem:$0x7CA] =	sst s6  }
0x51: {  	s1 =	simm.s32 $0x0;
	s0 =	sshrl.u32 @!p3 s9, $0x3;
	[smem:$0x7E6] =	sst s7  }
0x52: {  	s10 =	simm.s32 $0x1A080;
	s9 =	sadd.s32 $0x3800, s3;
	[dreg:$0x17] =	wrdreg s0  }
0x53: {  	s14 =	simm.s32 $0x1;
	s6 =	sadd.s32 $0x1C80, s3;
	[smem:$0x7CD] =	sst s9  }
0x54: {  	s12 =	simm.s32 $0x19680;
	s0 =	sshrl.u32 @!p4 s8, $0x3;
	[smem:$0x7E5] =	sst s6  }
.Ltmp0:
0x55: {  	s8 =	sadd.s32 $0x3400, s3;
	[dreg:$0x18] =	wrdreg s0;
	(pc) =	sbr.rel .LBB2_1-.Ltmp0, $4  }
0x56: {  	s7 =	simm.s32 $0x19980;
	s9 =	sadd.s32 $0x2880, s3;
	[smem:$0x7CC] =	sst s8  }
0x57: {  	s0 =	simm.s32 @!p5 $0x0;
	s8 =	sadd.s32 $0x2480, s3;
	[smem:$0x7E8] =	sst s9  }
0x58: {  	s6 =	simm.s32 $0x1A580;
	s0 =	simm.s32 @p5 $0x1;
	[smem:$0x7E7] =	sst s8  }
0x59: {  	s9 =	simm.s32 $0x19B80;
	s8 =	simm.s32 $0x19A80;
	[smem:$0x7C7] =	sst s0  }
.LBB2_34:
0x5a: {  	s0 =	simm.s32 $0x3  }
0x5b: {  	_ =	swait.ge [sflag:s0], $0x1000  }
0x5c: {  	[sflag:s0] =	ssyncset.done $0x0  }
0x5d: {  	[sflag:s0] =	ssyncadd.s32 $0xFFFFF000  }
0x5e: {  	_ =	swait.ge [sflag:s26], $0x1000  }
0x5f: {  	s1 =	sld [smem:$0x7C4];
	_ =	sdelay $0x2  }
0x60: {  	s31 =	rddreg [dreg:$0x11];
	s1 =	sadd.s32 $0x1, s1  }
0x61: {  	p5 =	sne.s32 s1, s31  }
.Ltmp1:
0x62: {  	_ = 	snop;
	(pc) =	sbr.rel @!p5 .LBB2_35-.Ltmp1, $3  }
0x63: {  	_ =	sdelay $0x1  }
0x64: {  	[sflag:s26] =	ssyncset.done $0x0  }
0x65: {  	[sflag:s26] =	ssyncadd.s32 $0xFFFFF000  }
.LBB2_1:
0x66: {  	s0 =	sld [smem:$0x7C7];
	_ =	sdelay $0x2  }
0x67: {  	p5 =	seq.s32 s0, $0x1  }
.Ltmp2:
0x68: {  	_ = 	snop;
	(pc) =	sbr.rel @!p5 .LBB2_2-.Ltmp2, $2  }
0x69: {  	_ =	sdelay $0x2  }
0x6a: {  	[smem:$0x7C4] =	sst s1  }
0x6b: {  	s1 =	rddreg [dreg:$0x6]  }
0x6c: {  	s0 =	simm.s32 @!p1 $0x1D45;
	s5 =	rddreg [dreg:$0x15]  }
0x6d: {  	[spmem:s5], [sflag:s0] =	dma.local @!p1 [hbm:s1], $0x1000  }
0x6e: {  	s0 =	simm.s32 @!p1 $0x5  }
0x6f: {  	s11 =	simm.s32 @!p2 $0x1D85;
	s1 =	simm.s32 @!p2 $0x80;
	_ =	swait.ge @!p1 [sflag:s0], $0x1000  }
0x70: {  	s5 =	simm.s32 @!p2 $0x1000;
	[sflag:s0] =	ssyncset.done @!p1 $0x0;
	s28 =	rddreg [dreg:$0x5]  }
0x71: {  	s29 =	rddreg [dreg:$0x16];
	[sflag:s0] =	ssyncadd.s32 @!p1 $0xFFFFF000;
	s0 =	simm.s32 @!p2 $0x100  }
0x72: {  	[spmem:s29@s1], [sflag:s11] =	dma.strided @!p2 [hbm:s28@s5], $0x0, s0, $0x10   }
0x73: {  	s0 =	simm.s32 @!p2 $0x2  }
0x74: {  	[spmem:s29@s1], [sflag:s11] =	dma.strided @!p2 [hbm:s28@s1], $0x400, s0, $0x10   }
0x75: {  	s0 =	simm.s32 @!p2 $0x5  }
0x76: {  	_ =	swait.ge @!p2 [sflag:s0], $0x400  }
0x77: {  	[sflag:s0] =	ssyncset.done @!p2 $0x0;
	s1 =	rddreg [dreg:$0x8]  }
0x78: {  	s5 =	rddreg [dreg:$0x17];
	[sflag:s0] =	ssyncadd.s32 @!p2 $0xFFFFFC00;
	s0 =	simm.s32 @!p3 $0x1CC5  }
0x79: {  	[spmem:s5], [sflag:s0] =	dma.local @!p3 [hbm:s1], $0x1000  }
0x7a: {  	s0 =	simm.s32 @!p3 $0x5  }
0x7b: {  	_ =	swait.ge @!p3 [sflag:s0], $0x1000  }
0x7c: {  	[sflag:s0] =	ssyncset.done @!p3 $0x0;
	s1 =	rddreg [dreg:$0x7]  }
0x7d: {  	s5 =	rddreg [dreg:$0x18];
	[sflag:s0] =	ssyncadd.s32 @!p3 $0xFFFFF000;
	s0 =	simm.s32 @!p4 $0x1D05  }
0x7e: {  	[spmem:s5], [sflag:s0] =	dma.local @!p4 [hbm:s1], $0x1000  }
.Ltmp3:
0x7f: {  	_ = 	snop;
	(pc) =	sbr.rel .LBB2_4-.Ltmp3, $4  }
0x80: {  	s0 =	simm.s32 @!p4 $0x5  }
0x81: {  	_ =	swait.ge @!p4 [sflag:s0], $0x1000  }
0x82: {  	[sflag:s0] =	ssyncset.done @!p4 $0x0  }
0x83: {  	[sflag:s0] =	ssyncadd.s32 @!p4 $0xFFFFF000  }
.LBB2_2:
0x84: {  	s0 =	sshrl.u32 @p0 s3, $0x3;
	s1 =	simm.s32 @p0 $0x1C05;
	s5 =	rddreg [dreg:$0x0]  }
0x85: {  	[spmem:s0], [sflag:s1] =	dma.local @p0 [hbm:s5], $0x1000  }
0x86: {  	s0 =	simm.s32 @p0 $0x5  }
0x87: {  	_ =	swait.ge @p0 [sflag:s0], $0x1000  }
0x88: {  	s30 =	sld [smem:$0x7C5];
	_ =	sdelay $0x2  }
0x89: {  	[sflag:s0] =	ssyncset.done @p0 $0x0;
	s1 =	rddreg [dreg:$0xb];
	p5 =	seq.s32 s30, $0x1  }
0x8a: {  	s5 =	rddreg [dreg:$0x13];
	[sflag:s0] =	ssyncadd.s32 @p0 $0xFFFFF000;
	s0 =	simm.s32 @!p5 $0x1C45  }
0x8b: {  	[spmem:s5], [sflag:s0] =	dma.local @!p5 [hbm:s1], $0x1000  }
0x8c: {  	s0 =	simm.s32 @!p5 $0x5  }
0x8d: {  	_ =	swait.ge @!p5 [sflag:s0], $0x1000  }
0x8e: {  	s31 =	sld [smem:$0x7C6];
	_ =	sdelay $0x1  }
0x8f: {  	[sflag:s0] =	ssyncset.done @!p5 $0x0  }
0x90: {  	s1 =	rddreg [dreg:$0xa];
	[sflag:s0] =	ssyncadd.s32 @!p5 $0xFFFFF000;
	p5 =	seq.s32 s31, $0x1  }
0x91: {  	s5 =	rddreg [dreg:$0x14];
	s0 =	simm.s32 @!p5 $0x1C85  }
0x92: {  	[spmem:s5], [sflag:s0] =	dma.local @!p5 [hbm:s1], $0x1000  }
0x93: {  	s0 =	simm.s32 @!p5 $0x5  }
0x94: {  	_ =	swait.ge @!p5 [sflag:s0], $0x1000  }
0x95: {  	[sflag:s0] =	ssyncset.done @!p5 $0x0  }
0x96: {  	[sflag:s0] =	ssyncadd.s32 @!p5 $0xFFFFF000  }
.LBB2_4:
0x97: {  	[bflag:$0x0] =	sbarrier.arrive $0xFFFF;
	s28 =	simm.s32 $0x0;
	s1 =	simm.s32 $0x80  }
0x98: {  	s5 =	simm.s32 $0x400;
	s11 =	simm.s32 $0x5;
	s0 =	rddreg [dreg:$0xc]  }
0x99: {  	[tilespmem:s28], [sflag:$0x5] =	stream.strided.gather [hbm4b:s0+s1], $0x18700, s5, s1, $0x38;
	[tilespmem:$0x1FF00] =	vst v63  }
0x9a: {  	_ =	swait.ge [sflag:s11], $0x18700  }
0x9b: {  	[sflag:s11] =	ssyncset.done $0x0  }
0x9c: {  	s29 =	simm.s32 $0x18700;
	s30 =	rddreg [dreg:$0x12];
	[sflag:s11] =	ssyncadd.s32 $0xFFFE7900  }
0x9d: {  	[tilespmem:s29], [sflag:$0x1] =	stream.linear.gather [spmem:s3], $0x80, $0x38;
	[tilespmem:$0x1FF00] =	vst v63  }
0x9e: {  	s31 =	simm.s32 $0x18800;
	s1 =	rddreg [dreg:$0x19]  }
0x9f: {  	[tilespmem:s31], [sflag:$0x1] =	stream.linear.gather [spmem:s30], $0x80, $0x38;
	[tilespmem:$0x1FF00] =	vst v63  }
0xa0: {  	s5 =	simm.s32 $0x18900;
	s11 =	rddreg [dreg:$0x1a]  }
0xa1: {  	[tilespmem:s5], [sflag:$0x1] =	stream.linear.gather [spmem:s1], $0x80, $0x38;
	[tilespmem:$0x1FF00] =	vst v63  }
0xa2: {  	s29 =	simm.s32 $0x18A00;
	s30 =	rddreg [dreg:$0x1b]  }
0xa3: {  	[tilespmem:s29], [sflag:$0x1] =	stream.linear.gather [spmem:s11], $0x80, $0x38;
	[tilespmem:$0x1FF00] =	vst v63  }
0xa4: {  	s31 =	simm.s32 $0x18B00;
	s1 =	rddreg [dreg:$0x1c]  }
0xa5: {  	[tilespmem:s31], [sflag:$0x1] =	stream.linear.gather [spmem:s30], $0x80, $0x38;
	[tilespmem:$0x1FF00] =	vst v63  }
0xa6: {  	s5 =	simm.s32 $0x18C00;
	s11 =	rddreg [dreg:$0x1d]  }
0xa7: {  	[tilespmem:s5], [sflag:$0x1] =	stream.linear.gather [spmem:s1], $0x80, $0x38;
	[tilespmem:$0x1FF00] =	vst v63  }
0xa8: {  	s29 =	simm.s32 $0x18D00;
	s30 =	rddreg [dreg:$0x1e]  }
0xa9: {  	[tilespmem:s29], [sflag:$0x1] =	stream.linear.gather [spmem:s11], $0x80, $0x38;
	[tilespmem:$0x1FF00] =	vst v63  }
0xaa: {  	s31 =	simm.s32 $0x18E00;
	s1 =	rddreg [dreg:$0x1f]  }
0xab: {  	[tilespmem:s31], [sflag:$0x1] =	stream.linear.gather [spmem:s30], $0x80, $0x38;
	[tilespmem:$0x1FF00] =	vst v63  }
0xac: {  	s5 =	simm.s32 $0x18F00;
	s11 =	sld [smem:$0x7C8]  }
0xad: {  	[tilespmem:s5], [sflag:$0x1] =	stream.linear.gather [spmem:s1], $0x80, $0x38;
	[tilespmem:$0x1FF00] =	vst v63  }
0xae: {  	s29 =	simm.s32 $0x19000;
	s30 =	sld [smem:$0x7C9]  }
0xaf: {  	[tilespmem:s29], [sflag:$0x1] =	stream.linear.gather [spmem:s11], $0x80, $0x38;
	[tilespmem:$0x1FF00] =	vst v63  }
0xb0: {  	s31 =	simm.s32 $0x19100;
	s1 =	sld [smem:$0x7CA]  }
0xb1: {  	[tilespmem:s31], [sflag:$0x1] =	stream.linear.gather [spmem:s30], $0x80, $0x38;
	[tilespmem:$0x1FF00] =	vst v63  }
0xb2: {  	s5 =	simm.s32 $0x19200;
	s11 =	sld [smem:$0x7CB]  }
0xb3: {  	[tilespmem:s5], [sflag:$0x1] =	stream.linear.gather [spmem:s1], $0x80, $0x38;
	[tilespmem:$0x1FF00] =	vst v63  }
0xb4: {  	s29 =	simm.s32 $0x19300;
	s30 =	sld [smem:$0x7CC]  }
0xb5: {  	[tilespmem:s29], [sflag:$0x1] =	stream.linear.gather [spmem:s11], $0x80, $0x38;
	[tilespmem:$0x1FF00] =	vst v63  }
0xb6: {  	s31 =	simm.s32 $0x19400;
	s1 =	sld [smem:$0x7CD]  }
0xb7: {  	[tilespmem:s31], [sflag:$0x1] =	stream.linear.gather [spmem:s30], $0x80, $0x38;
	[tilespmem:$0x1FF00] =	vst v63  }
0xb8: {  	s5 =	simm.s32 $0x19500;
	s11 =	sld [smem:$0x7CE]  }
0xb9: {  	[tilespmem:s5], [sflag:$0x1] =	stream.linear.gather [spmem:s1], $0x80, $0x38;
	[tilespmem:$0x1FF00] =	vst v63  }
0xba: {  	s29 =	simm.s32 $0x19600;
	s30 =	sld [smem:$0x7CF]  }
0xbb: {  	[tilespmem:s29], [sflag:$0x1] =	stream.linear.gather [spmem:s11], $0x80, $0x38;
	[tilespmem:$0x1FF00] =	vst v63  }
0xbc: {  	s31 =	simm.s32 $0x19700;
	s1 =	sld [smem:$0x7D0]  }
0xbd: {  	[tilespmem:s31], [sflag:$0x1] =	stream.linear.gather [spmem:s30], $0x80, $0x38;
	[tilespmem:$0x1FF00] =	vst v63  }
0xbe: {  	s5 =	simm.s32 $0x19800;
	s11 =	sld [smem:$0x7D1]  }
0xbf: {  	[tilespmem:s5], [sflag:$0x1] =	stream.linear.gather [spmem:s1], $0x80, $0x38;
	[tilespmem:$0x1FF00] =	vst v63  }
0xc0: {  	s29 =	simm.s32 $0x19900;
	s30 =	sld [smem:$0x7D2]  }
0xc1: {  	[tilespmem:s29], [sflag:$0x1] =	stream.linear.gather [spmem:s11], $0x80, $0x38;
	[tilespmem:$0x1FF00] =	vst v63  }
0xc2: {  	s31 =	simm.s32 $0x19A00;
	s1 =	sld [smem:$0x7D3]  }
0xc3: {  	[tilespmem:s31], [sflag:$0x1] =	stream.linear.gather [spmem:s30], $0x80, $0x38;
	[tilespmem:$0x1FF00] =	vst v63  }
0xc4: {  	s5 =	simm.s32 $0x19B00;
	s11 =	sld [smem:$0x7D4]  }
0xc5: {  	[tilespmem:s5], [sflag:$0x1] =	stream.linear.gather [spmem:s1], $0x80, $0x38;
	[tilespmem:$0x1FF00] =	vst v63  }
0xc6: {  	s29 =	simm.s32 $0x19C00;
	s30 =	sld [smem:$0x7D5]  }
0xc7: {  	[tilespmem:s29], [sflag:$0x1] =	stream.linear.gather [spmem:s11], $0x80, $0x38;
	[tilespmem:$0x1FF00] =	vst v63  }
0xc8: {  	s31 =	simm.s32 $0x19D00;
	s1 =	sld [smem:$0x7D6]  }
0xc9: {  	[tilespmem:s31], [sflag:$0x1] =	stream.linear.gather [spmem:s30], $0x80, $0x38;
	[tilespmem:$0x1FF00] =	vst v63  }
0xca: {  	s5 =	simm.s32 $0x19E00;
	s11 =	sld [smem:$0x7D7]  }
0xcb: {  	[tilespmem:s5], [sflag:$0x1] =	stream.linear.gather [spmem:s1], $0x80, $0x38;
	[tilespmem:$0x1FF00] =	vst v63  }
0xcc: {  	s29 =	simm.s32 $0x19F00;
	s30 =	sld [smem:$0x7D8]  }
0xcd: {  	[tilespmem:s29], [sflag:$0x1] =	stream.linear.gather [spmem:s11], $0x80, $0x38;
	[tilespmem:$0x1FF00] =	vst v63  }
0xce: {  	s31 =	simm.s32 $0x1A000;
	s1 =	sld [smem:$0x7D9]  }
0xcf: {  	[tilespmem:s31], [sflag:$0x1] =	stream.linear.gather [spmem:s30], $0x80, $0x38;
	[tilespmem:$0x1FF00] =	vst v63  }
0xd0: {  	s5 =	simm.s32 $0x1A100;
	s11 =	sld [smem:$0x7DA]  }
0xd1: {  	[tilespmem:s5], [sflag:$0x1] =	stream.linear.gather [spmem:s1], $0x80, $0x38;
	[tilespmem:$0x1FF00] =	vst v63  }
0xd2: {  	s29 =	simm.s32 $0x1A200;
	s30 =	sld [smem:$0x7DB]  }
0xd3: {  	[tilespmem:s29], [sflag:$0x1] =	stream.linear.gather [spmem:s11], $0x80, $0x38;
	[tilespmem:$0x1FF00] =	vst v63  }
0xd4: {  	s31 =	simm.s32 $0x1A300;
	s1 =	sld [smem:$0x7DC]  }
0xd5: {  	[tilespmem:s31], [sflag:$0x1] =	stream.linear.gather [spmem:s30], $0x80, $0x38;
	[tilespmem:$0x1FF00] =	vst v63  }
0xd6: {  	s5 =	simm.s32 $0x1A400;
	s11 =	sld [smem:$0x7DD]  }
0xd7: {  	[tilespmem:s5], [sflag:$0x1] =	stream.linear.gather [spmem:s1], $0x80, $0x38;
	[tilespmem:$0x1FF00] =	vst v63  }
0xd8: {  	s29 =	simm.s32 $0x1A500;
	s30 =	sld [smem:$0x7DE]  }
0xd9: {  	[tilespmem:s29], [sflag:$0x1] =	stream.linear.gather [spmem:s11], $0x80, $0x38;
	[tilespmem:$0x1FF00] =	vst v63  }
0xda: {  	s31 =	simm.s32 $0x1A600;
	s1 =	rddreg [dreg:$0xd]  }
0xdb: {  	[tilespmem:s31], [sflag:$0x1] =	stream.linear.gather [spmem:s30], $0x80, $0x38;
	[tilespmem:$0x1FF00] =	vst v63  }
0xdc: {  	s5 =	simm.s32 $0x18780;
	s11 =	sld [smem:$0x7DF]  }
0xdd: {  	[tilespmem:s5], [sflag:$0x2] =	stream.linear.gather [spmem:s1], $0x80, $0x38;
	[tilespmem:$0x1FF00] =	vst v63  }
0xde: {  	s29 =	simm.s32 $0x18880;
	s30 =	sld [smem:$0x7E0]  }
0xdf: {  	[tilespmem:s29], [sflag:$0x2] =	stream.linear.gather [spmem:s11], $0x80, $0x38;
	[tilespmem:$0x1FF00] =	vst v63  }
0xe0: {  	s31 =	simm.s32 $0x18980;
	s1 =	sld [smem:$0x7E1]  }
0xe1: {  	[tilespmem:s31], [sflag:$0x2] =	stream.linear.gather [spmem:s30], $0x80, $0x38;
	[tilespmem:$0x1FF00] =	vst v63  }
0xe2: {  	s5 =	simm.s32 $0x18A80;
	s11 =	sld [smem:$0x7E2]  }
0xe3: {  	[tilespmem:s5], [sflag:$0x2] =	stream.linear.gather [spmem:s1], $0x80, $0x38;
	[tilespmem:$0x1FF00] =	vst v63  }
0xe4: {  	s29 =	simm.s32 $0x18B80;
	s30 =	sld [smem:$0x7E3]  }
0xe5: {  	[tilespmem:s29], [sflag:$0x2] =	stream.linear.gather [spmem:s11], $0x80, $0x38;
	[tilespmem:$0x1FF00] =	vst v63  }
0xe6: {  	s31 =	simm.s32 $0x18C80;
	s1 =	sld [smem:$0x7E4]  }
0xe7: {  	[tilespmem:s31], [sflag:$0x2] =	stream.linear.gather [spmem:s30], $0x80, $0x38;
	[tilespmem:$0x1FF00] =	vst v63  }
0xe8: {  	s5 =	simm.s32 $0x18D80;
	s11 =	sld [smem:$0x7E5]  }
0xe9: {  	[tilespmem:s5], [sflag:$0x2] =	stream.linear.gather [spmem:s1], $0x80, $0x38;
	[tilespmem:$0x1FF00] =	vst v63  }
0xea: {  	s29 =	simm.s32 $0x18E80;
	s30 =	sld [smem:$0x7E6]  }
0xeb: {  	[tilespmem:s29], [sflag:$0x2] =	stream.linear.gather [spmem:s11], $0x80, $0x38;
	[tilespmem:$0x1FF00] =	vst v63  }
0xec: {  	s31 =	simm.s32 $0x18F80;
	s1 =	sld [smem:$0x7E7]  }
0xed: {  	[tilespmem:s31], [sflag:$0x2] =	stream.linear.gather [spmem:s30], $0x80, $0x38;
	[tilespmem:$0x1FF00] =	vst v63  }
0xee: {  	s5 =	simm.s32 $0x19080;
	s11 =	sld [smem:$0x7E8]  }
0xef: {  	[tilespmem:s5], [sflag:$0x2] =	stream.linear.gather [spmem:s1], $0x80, $0x38;
	[tilespmem:$0x1FF00] =	vst v63  }
0xf0: {  	s29 =	simm.s32 $0x19180;
	s30 =	sld [smem:$0x7E9]  }
0xf1: {  	[tilespmem:s29], [sflag:$0x2] =	stream.linear.gather [spmem:s11], $0x80, $0x38;
	[tilespmem:$0x1FF00] =	vst v63  }
0xf2: {  	s31 =	simm.s32 $0x19280;
	s1 =	sld [smem:$0x7EA]  }
0xf3: {  	[tilespmem:s31], [sflag:$0x2] =	stream.linear.gather [spmem:s30], $0x80, $0x38;
	[tilespmem:$0x1FF00] =	vst v63  }
0xf4: {  	s5 =	simm.s32 $0x19380;
	s11 =	sld [smem:$0x7EB]  }
0xf5: {  	[tilespmem:s5], [sflag:$0x2] =	stream.linear.gather [spmem:s1], $0x80, $0x38;
	[tilespmem:$0x1FF00] =	vst v63  }
0xf6: {  	s29 =	simm.s32 $0x19480;
	s30 =	sld [smem:$0x7EC]  }
0xf7: {  	[tilespmem:s29], [sflag:$0x2] =	stream.linear.gather [spmem:s11], $0x80, $0x38;
	[tilespmem:$0x1FF00] =	vst v63  }
0xf8: {  	s31 =	simm.s32 $0x19580;
	s5 =	sld [smem:$0x7ED]  }
0xf9: {  	[tilespmem:s31], [sflag:$0x2] =	stream.linear.gather [spmem:s30], $0x80, $0x38;
	[tilespmem:$0x1FF00] =	vst v63  }
0xfa: {  	s11 =	sld [smem:$0x7EE]  }
0xfb: {  	[tilespmem:s12], [sflag:$0x2] =	stream.linear.gather [spmem:s5], $0x80, $0x38;
	[tilespmem:$0x1FF00] =	vst v63  }
0xfc: {  	s29 =	sld [smem:$0x7EF]  }
0xfd: {  	[tilespmem:s20], [sflag:$0x2] =	stream.linear.gather [spmem:s11], $0x80, $0x38;
	[tilespmem:$0x1FF00] =	vst v63  }
0xfe: {  	s30 =	sld [smem:$0x7F0]  }
0xff: {  	[tilespmem:s21], [sflag:$0x2] =	stream.linear.gather [spmem:s29], $0x80, $0x38;
	[tilespmem:$0x1FF00] =	vst v63  }
0x100: {  	s31 =	sld [smem:$0x7F1]  }
0x101: {  	[tilespmem:s7], [sflag:$0x2] =	stream.linear.gather [spmem:s30], $0x80, $0x38;
	[tilespmem:$0x1FF00] =	vst v63  }
0x102: {  	s1 =	sld [smem:$0x7F2]  }
0x103: {  	[tilespmem:s8], [sflag:$0x2] =	stream.linear.gather [spmem:s31], $0x80, $0x38;
	[tilespmem:$0x1FF00] =	vst v63  }
0x104: {  	s5 =	sld [smem:$0x7F3]  }
0x105: {  	[tilespmem:s9], [sflag:$0x2] =	stream.linear.gather [spmem:s1], $0x80, $0x38;
	[tilespmem:$0x1FF00] =	vst v63  }
0x106: {  	s11 =	sld [smem:$0x7F4]  }
0x107: {  	[tilespmem:s22], [sflag:$0x2] =	stream.linear.gather [spmem:s5], $0x80, $0x38;
	[tilespmem:$0x1FF00] =	vst v63  }
0x108: {  	s29 =	sld [smem:$0x7F5]  }
0x109: {  	[tilespmem:s24], [sflag:$0x2] =	stream.linear.gather [spmem:s11], $0x80, $0x38;
	[tilespmem:$0x1FF00] =	vst v63  }
0x10a: {  	s30 =	sld [smem:$0x7F6]  }
0x10b: {  	[tilespmem:s25], [sflag:$0x2] =	stream.linear.gather [spmem:s29], $0x80, $0x38;
	[tilespmem:$0x1FF00] =	vst v63  }
0x10c: {  	s31 =	sld [smem:$0x7F7]  }
0x10d: {  	[tilespmem:s13], [sflag:$0x2] =	stream.linear.gather [spmem:s30], $0x80, $0x38;
	[tilespmem:$0x1FF00] =	vst v63  }
0x10e: {  	s1 =	sld [smem:$0x7F8]  }
0x10f: {  	[tilespmem:s10], [sflag:$0x2] =	stream.linear.gather [spmem:s31], $0x80, $0x38;
	[tilespmem:$0x1FF00] =	vst v63  }
0x110: {  	s5 =	sld [smem:$0x7F9]  }
0x111: {  	[tilespmem:s15], [sflag:$0x2] =	stream.linear.gather [spmem:s1], $0x80, $0x38;
	[tilespmem:$0x1FF00] =	vst v63  }
0x112: {  	s11 =	sld [smem:$0x7FA]  }
0x113: {  	[tilespmem:s17], [sflag:$0x2] =	stream.linear.gather [spmem:s5], $0x80, $0x38;
	[tilespmem:$0x1FF00] =	vst v63  }
0x114: {  	s29 =	sld [smem:$0x7FB]  }
0x115: {  	[tilespmem:s16], [sflag:$0x2] =	stream.linear.gather [spmem:s11], $0x80, $0x38;
	[tilespmem:$0x1FF00] =	vst v63  }
0x116: {  	s30 =	sld [smem:$0x7FC]  }
0x117: {  	[tilespmem:s18], [sflag:$0x2] =	stream.linear.gather [spmem:s29], $0x80, $0x38;
	[tilespmem:$0x1FF00] =	vst v63  }
0x118: {  	s31 =	sld [smem:$0x7FD]  }
0x119: {  	[tilespmem:s6], [sflag:$0x2] =	stream.linear.gather [spmem:s30], $0x80, $0x38;
	[tilespmem:$0x1FF00] =	vst v63  }
0x11a: {  	_ = 	snop  }
0x11b: {  	[tilespmem:s23], [sflag:$0x2] =	stream.linear.gather [spmem:s31], $0x80, $0x38;
	[tilespmem:$0x1FF00] =	vst v63  }
.LBB2_5:
0x11c: {  	_ =	swait.ge [sflag:s14], $0x1000  }
0x11d: {  	p5 =	seq.s32 s28, $0x0;
	[sflag:s14] =	ssyncset.done $0x0  }
0x11e: {  	s0 =	simm.s32 @!p5 $0x3;
	[sflag:s14] =	ssyncadd.s32 $0xFFFFF000  }
0x11f: {  	_ =	swait.ge @!p5 [sflag:s0], $0x1000  }
0x120: {  	[sflag:s0] =	ssyncset.done @!p5 $0x0  }
0x121: {  	s11 =	simm.s32 $0x18900;
	[sflag:s0] =	ssyncadd.s32 @!p5 $0xFFFFF000  }
0x122: {  	v0 =	vld [tilespmem:s11+$0x170]  }
0x123: {  	v1 =	vld [tilespmem:s11+$0xFFFFFE10]  }
0x124: {  	v2 =	vld [tilespmem:s11+$0xFFFFFE20]  }
0x125: {  	v3 =	vld [tilespmem:s11+$0xFFFFFE30]  }
0x126: {  	v4 =	vld [tilespmem:s11+$0xFFFFFE40]  }
0x127: {  	v5 =	vld [tilespmem:s11+$0xFFFFFE50]  }
0x128: {  	v6 =	vld [tilespmem:s11+$0xFFFFFE60]  }
0x129: {  	v7 =	vld [tilespmem:s11+$0xFFFFFE70]  }
0x12a: {  	v8 =	vld [tilespmem:s11+$0xFFFFFF00]  }
0x12b: {  	v9 =	vld [tilespmem:s11+$0xFFFFFF10]  }
0x12c: {  	v10 =	vld [tilespmem:s11+$0xFFFFFF20]  }
0x12d: {  	v11 =	vld [tilespmem:s11+$0xFFFFFF30]  }
0x12e: {  	v12 =	vld [tilespmem:s11+$0xFFFFFF40]  }
0x12f: {  	v13 =	vld [tilespmem:s11+$0xFFFFFF50]  }
0x130: {  	v14 =	vld [tilespmem:s11+$0xFFFFFF60]  }
0x131: {  	v15 =	vld [tilespmem:s11+$0xFFFFFF70]  }
0x132: {  	v16 =	vld [tilespmem:s11+$0x0]  }
0x133: {  	v17 =	vld [tilespmem:s11+$0x10]  }
0x134: {  	v18 =	vld [tilespmem:s11+$0x20]  }
0x135: {  	v19 =	vld [tilespmem:s11+$0x30]  }
0x136: {  	v20 =	vld [tilespmem:s11+$0x40]  }
0x137: {  	v21 =	vld [tilespmem:s11+$0x50]  }
0x138: {  	v22 =	vld [tilespmem:s11+$0x60]  }
0x139: {  	v23 =	vld [tilespmem:s11+$0x70]  }
0x13a: {  	v24 =	vld [tilespmem:s11+$0x100]  }
0x13b: {  	v25 =	vld [tilespmem:s11+$0x110]  }
0x13c: {  	v26 =	vld [tilespmem:s11+$0x120]  }
0x13d: {  	v27 =	vld [tilespmem:s11+$0x130]  }
0x13e: {  	v28 =	vld [tilespmem:s11+$0x140]  }
0x13f: {  	v29 =	vld [tilespmem:s11+$0x150]  }
0x140: {  	v30 =	vld [tilespmem:s11+$0x160]  }
0x141: {  	v31 =	vld [tilespmem:s11+$0xFFFFFE00]  }
0x142: {  	v0 =	vld.idx.msk [tilespmem:v0+s4+$0x0], $0xffff  }
0x143: {  	v1 =	vld.idx.msk [tilespmem:v1+s4+$0x0], $0xffff  }
0x144: {  	v2 =	vld.idx.msk [tilespmem:v2+s4+$0x0], $0xffff  }
0x145: {  	v3 =	vld.idx.msk [tilespmem:v3+s4+$0x0], $0xffff  }
0x146: {  	v4 =	vld.idx.msk [tilespmem:v4+s4+$0x0], $0xffff  }
0x147: {  	s31 =	simm.s32 $0x1A900;
	v5 =	vld.idx.msk [tilespmem:v5+s4+$0x0], $0xffff  }
0x148: {  	v63 =	vld.idx.msk [tilespmem:v24+s4+$0x0], $0xffff;
	[tilespmem:s31+$0x170] =	vst v0  }
0x149: {  	v0 =	vld.idx.msk [tilespmem:v6+s4+$0x0], $0xffff;
	[tilespmem:s31+$0xFFFFFE10] =	vst v1  }
0x14a: {  	v1 =	vld.idx.msk [tilespmem:v7+s4+$0x0], $0xffff;
	[tilespmem:s31+$0xFFFFFE20] =	vst v2  }
0x14b: {  	v6 =	vld.idx.msk [tilespmem:v31+s4+$0x0], $0xffff;
	[tilespmem:s31+$0xFFFFFE30] =	vst v3  }
0x14c: {  	v2 =	vld.idx.msk [tilespmem:v8+s4+$0x0], $0xffff;
	[tilespmem:s31+$0xFFFFFE40] =	vst v4  }
0x14d: {  	v3 =	vld.idx.msk [tilespmem:v9+s4+$0x0], $0xffff;
	[tilespmem:s31+$0xFFFFFE50] =	vst v5  }
0x14e: {  	v4 =	vld.idx.msk [tilespmem:v10+s4+$0x0], $0xffff;
	[tilespmem:s31+$0x100] =	vst v63  }
0x14f: {  	v5 =	vld.idx.msk [tilespmem:v13+s4+$0x0], $0xffff;
	[tilespmem:s31+$0xFFFFFE60] =	vst v0  }
0x150: {  	v7 =	vld.idx.msk [tilespmem:v23+s4+$0x0], $0xffff;
	[tilespmem:s31+$0xFFFFFE70] =	vst v1  }
0x151: {  	v0 =	vld.idx.msk [tilespmem:v11+s4+$0x0], $0xffff;
	[tilespmem:s31+$0xFFFFFE00] =	vst v6  }
0x152: {  	v1 =	vld.idx.msk [tilespmem:v12+s4+$0x0], $0xffff;
	[tilespmem:s31+$0xFFFFFF00] =	vst v2  }
0x153: {  	v2 =	vld.idx.msk [tilespmem:v14+s4+$0x0], $0xffff;
	[tilespmem:s31+$0xFFFFFF10] =	vst v3  }
0x154: {  	v3 =	vld.idx.msk [tilespmem:v15+s4+$0x0], $0xffff;
	[tilespmem:s31+$0xFFFFFF20] =	vst v4  }
0x155: {  	v4 =	vld.idx.msk [tilespmem:v16+s4+$0x0], $0xffff;
	[tilespmem:s31+$0xFFFFFF50] =	vst v5  }
0x156: {  	v5 =	vld.idx.msk [tilespmem:v19+s4+$0x0], $0xffff;
	[tilespmem:s31+$0x70] =	vst v7  }
0x157: {  	v6 =	vld.idx.msk [tilespmem:v22+s4+$0x0], $0xffff;
	[tilespmem:s31+$0xFFFFFF30] =	vst v0  }
0x158: {  	v0 =	vld.idx.msk [tilespmem:v17+s4+$0x0], $0xffff;
	[tilespmem:s31+$0xFFFFFF40] =	vst v1  }
0x159: {  	v1 =	vld.idx.msk [tilespmem:v18+s4+$0x0], $0xffff;
	[tilespmem:s31+$0xFFFFFF60] =	vst v2  }
0x15a: {  	v2 =	vld.idx.msk [tilespmem:v20+s4+$0x0], $0xffff;
	[tilespmem:s31+$0xFFFFFF70] =	vst v3  }
0x15b: {  	v3 =	vld.idx.msk [tilespmem:v21+s4+$0x0], $0xffff;
	[tilespmem:s31+$0x0] =	vst v4  }
0x15c: {  	[tilespmem:s31+$0x30] =	vst v5;
	v4 =	vld.idx.msk [tilespmem:v25+s4+$0x0], $0xffff  }
0x15d: {  	[tilespmem:s31+$0x60] =	vst v6;
	v5 =	vld.idx.msk [tilespmem:v30+s4+$0x0], $0xffff  }
0x15e: {  	[tilespmem:s31+$0x10] =	vst v0;
	v0 =	vld.idx.msk [tilespmem:v26+s4+$0x0], $0xffff  }
0x15f: {  	[tilespmem:s31+$0x20] =	vst v1;
	v1 =	vld.idx.msk [tilespmem:v27+s4+$0x0], $0xffff  }
0x160: {  	[tilespmem:s31+$0x40] =	vst v2;
	v2 =	vld.idx.msk [tilespmem:v28+s4+$0x0], $0xffff  }
0x161: {  	s29 =	sshll.u32 s28, $0x1;
	s30 =	simm.s32 $0x0;
	s0 =	simm.s32 $0x18D00;
	[tilespmem:s31+$0x50] =	vst v3;
	v3 =	vld.idx.msk [tilespmem:v29+s4+$0x0], $0xffff  }
.LBB2_6:
0x162: {  	v6 =	vld [tilespmem:s0+$0x170];
	s30 =	sadd.s32 $0x200, s30;
	[tilespmem:s31+$0x110] =	vst v4  }
0x163: {  	v4 =	vld [tilespmem:s0+$0xFFFFFE10];
	p6 =	slt.u32 s30, $0xE00;
	[tilespmem:s31+$0x120] =	vst v0  }
0x164: {  	v0 =	vld [tilespmem:s0+$0xFFFFFE20];
	[tilespmem:s31+$0x130] =	vst v1  }
0x165: {  	v1 =	vld [tilespmem:s0+$0xFFFFFE30];
	[tilespmem:s31+$0x140] =	vst v2  }
0x166: {  	v2 =	vld [tilespmem:s0+$0xFFFFFE40];
	[tilespmem:s31+$0x150] =	vst v3  }
0x167: {  	v3 =	vld [tilespmem:s0+$0xFFFFFE50];
	[tilespmem:s31+$0x160] =	vst v5  }
0x168: {  	v5 =	vld [tilespmem:s0+$0xFFFFFE60]  }
0x169: {  	v7 =	vld [tilespmem:s0+$0xFFFFFE70]  }
0x16a: {  	v6 =	vld.idx.msk [tilespmem:v6+s4+$0x0], $0xffff  }
0x16b: {  	v8 =	vld [tilespmem:s0+$0xFFFFFF00]  }
0x16c: {  	v9 =	vld [tilespmem:s0+$0xFFFFFF10]  }
0x16d: {  	v10 =	vld [tilespmem:s0+$0xFFFFFF20]  }
0x16e: {  	v11 =	vld [tilespmem:s0+$0xFFFFFF30]  }
0x16f: {  	s31 =	sadd.s32 $0x400, s31;
	v12 =	vld [tilespmem:s0+$0xFFFFFF40]  }
0x170: {  	v13 =	vld [tilespmem:s0+$0xFFFFFF50];
	[tilespmem:s31+$0x170] =	vst v6  }
0x171: {  	v6 =	vld [tilespmem:s0+$0xFFFFFF60]  }
0x172: {  	v14 =	vld [tilespmem:s0+$0xFFFFFF70]  }
0x173: {  	v15 =	vld [tilespmem:s0+$0x0]  }
0x174: {  	v16 =	vld [tilespmem:s0+$0x10]  }
0x175: {  	v17 =	vld [tilespmem:s0+$0x20]  }
0x176: {  	v18 =	vld [tilespmem:s0+$0x30]  }
0x177: {  	v19 =	vld [tilespmem:s0+$0x40]  }
0x178: {  	v20 =	vld [tilespmem:s0+$0x50]  }
0x179: {  	v21 =	vld [tilespmem:s0+$0x60]  }
0x17a: {  	v22 =	vld [tilespmem:s0+$0x70]  }
0x17b: {  	v23 =	vld [tilespmem:s0+$0x100]  }
0x17c: {  	v24 =	vld [tilespmem:s0+$0x110]  }
0x17d: {  	v25 =	vld [tilespmem:s0+$0x120]  }
0x17e: {  	v26 =	vld [tilespmem:s0+$0x130]  }
0x17f: {  	v27 =	vld [tilespmem:s0+$0x140]  }
0x180: {  	v28 =	vld [tilespmem:s0+$0x150]  }
0x181: {  	v29 =	vld [tilespmem:s0+$0x160]  }
0x182: {  	v30 =	vld [tilespmem:s0+$0xFFFFFE00]  }
0x183: {  	v4 =	vld.idx.msk [tilespmem:v4+s4+$0x0], $0xffff  }
0x184: {  	v0 =	vld.idx.msk [tilespmem:v0+s4+$0x0], $0xffff  }
0x185: {  	v1 =	vld.idx.msk [tilespmem:v1+s4+$0x0], $0xffff  }
0x186: {  	v2 =	vld.idx.msk [tilespmem:v2+s4+$0x0], $0xffff  }
0x187: {  	v3 =	vld.idx.msk [tilespmem:v3+s4+$0x0], $0xffff  }
0x188: {  	v5 =	vld.idx.msk [tilespmem:v5+s4+$0x0], $0xffff  }
0x189: {  	[tilespmem:s31+$0xFFFFFE10] =	vst v4;
	v4 =	vld.idx.msk [tilespmem:v7+s4+$0x0], $0xffff  }
0x18a: {  	v7 =	vld.idx.msk [tilespmem:v30+s4+$0x0], $0xffff;
	[tilespmem:s31+$0xFFFFFE20] =	vst v0  }
0x18b: {  	[tilespmem:s31+$0xFFFFFE30] =	vst v1;
	v0 =	vld.idx.msk [tilespmem:v8+s4+$0x0], $0xffff  }
0x18c: {  	[tilespmem:s31+$0xFFFFFE40] =	vst v2;
	v1 =	vld.idx.msk [tilespmem:v9+s4+$0x0], $0xffff  }
0x18d: {  	[tilespmem:s31+$0xFFFFFE50] =	vst v3;
	v2 =	vld.idx.msk [tilespmem:v10+s4+$0x0], $0xffff  }
0x18e: {  	[tilespmem:s31+$0xFFFFFE60] =	vst v5;
	v3 =	vld.idx.msk [tilespmem:v11+s4+$0x0], $0xffff  }
0x18f: {  	[tilespmem:s31+$0xFFFFFE70] =	vst v4;
	v4 =	vld.idx.msk [tilespmem:v12+s4+$0x0], $0xffff  }
0x190: {  	[tilespmem:s31+$0xFFFFFE00] =	vst v7;
	v5 =	vld.idx.msk [tilespmem:v13+s4+$0x0], $0xffff  }
0x191: {  	[tilespmem:s31+$0xFFFFFF00] =	vst v0;
	v0 =	vld.idx.msk [tilespmem:v6+s4+$0x0], $0xffff  }
0x192: {  	[tilespmem:s31+$0xFFFFFF10] =	vst v1;
	v1 =	vld.idx.msk [tilespmem:v14+s4+$0x0], $0xffff  }
0x193: {  	[tilespmem:s31+$0xFFFFFF20] =	vst v2;
	v2 =	vld.idx.msk [tilespmem:v15+s4+$0x0], $0xffff  }
0x194: {  	[tilespmem:s31+$0xFFFFFF30] =	vst v3;
	v3 =	vld.idx.msk [tilespmem:v16+s4+$0x0], $0xffff  }
0x195: {  	[tilespmem:s31+$0xFFFFFF40] =	vst v4;
	v4 =	vld.idx.msk [tilespmem:v17+s4+$0x0], $0xffff  }
0x196: {  	[tilespmem:s31+$0xFFFFFF50] =	vst v5;
	v5 =	vld.idx.msk [tilespmem:v18+s4+$0x0], $0xffff  }
0x197: {  	[tilespmem:s31+$0xFFFFFF60] =	vst v0;
	v0 =	vld.idx.msk [tilespmem:v19+s4+$0x0], $0xffff  }
0x198: {  	[tilespmem:s31+$0xFFFFFF70] =	vst v1;
	v1 =	vld.idx.msk [tilespmem:v20+s4+$0x0], $0xffff  }
0x199: {  	[tilespmem:s31+$0x0] =	vst v2;
	v2 =	vld.idx.msk [tilespmem:v21+s4+$0x0], $0xffff  }
0x19a: {  	[tilespmem:s31+$0x10] =	vst v3;
	v3 =	vld.idx.msk [tilespmem:v22+s4+$0x0], $0xffff  }
0x19b: {  	[tilespmem:s31+$0x20] =	vst v4;
	v6 =	vld.idx.msk [tilespmem:v23+s4+$0x0], $0xffff  }
0x19c: {  	[tilespmem:s31+$0x30] =	vst v5;
	v4 =	vld.idx.msk [tilespmem:v24+s4+$0x0], $0xffff  }
.Ltmp4:
0x19d: {  	[tilespmem:s31+$0x40] =	vst v0;
	v0 =	vld.idx.msk [tilespmem:v25+s4+$0x0], $0xffff;
	(pc) =	sbr.rel @p6 .LBB2_6-.Ltmp4, $4  }
0x19e: {  	[tilespmem:s31+$0x50] =	vst v1;
	v1 =	vld.idx.msk [tilespmem:v26+s4+$0x0], $0xffff  }
0x19f: {  	[tilespmem:s31+$0x60] =	vst v2;
	v2 =	vld.idx.msk [tilespmem:v27+s4+$0x0], $0xffff  }
0x1a0: {  	[tilespmem:s31+$0x70] =	vst v3;
	v3 =	vld.idx.msk [tilespmem:v28+s4+$0x0], $0xffff  }
0x1a1: {  	s0 =	sadd.s32 $0x400, s0;
	[tilespmem:s31+$0x100] =	vst v6;
	v5 =	vld.idx.msk [tilespmem:v29+s4+$0x0], $0xffff  }
0x1a2: {  	[tilespmem:s31+$0x110] =	vst v4  }
0x1a3: {  	[tilespmem:s31+$0x120] =	vst v0  }
0x1a4: {  	s0 =	sshll.u32 s28, $0x13;
	s1 =	rddreg [dreg:$0xe];
	[tilespmem:s31+$0x130] =	vst v1  }
0x1a5: {  	s0 =	sor.u32 s0, s1;
	s11 =	rddreg [dreg:$0x9]  }
0x1a6: {  	s0 =	sor.u32 s11, s0  }
0x1a7: {  	[tilespmem:s31+$0x140] =	vst v2;
	s30 =	sshrl.u32 s0, $0x3  }
0x1a8: {  	s5 =	simm.s32 $0x1A700;
	[tilespmem:s31+$0x150] =	vst v3;
	s0 =	sadd.s32 s2, s30  }
0x1a9: {  	s1 =	simm.s32 $0x1A800;
	[tilespmem:s31+$0x160] =	vst v5;
	s31 =	simm.s32 $0x80;
	s11 =	sadd.s32 $0x0, s0  }
.LBB2_8:
0x1aa: {  	[hbm4b:s11+s4] =	stream.linear.scatter [tilespmem:s5], [sflag:$0x3], $0x80, $0x38;
	[tilespmem:$0x1FF00] =	vst v63  }
0x1ab: {  	s11 =	smov.u32 s31;
	s5 =	smov.u32 s1;
	p6 =	sne.s32 s31, $0xF80  }
.Ltmp5:
0x1ac: {  	s31 =	sadd.s32 $0x80, s31;
	(pc) =	sbr.rel @p6 .LBB2_8-.Ltmp5, $2  }
0x1ad: {  	_ =	sdelay $0x2  }
0x1ae: {  	s1 =	sadd.s32 $0x100, s1;
	s11 =	sadd.s32 s11, s0  }
0x1af: {  	p6 =	sne.s32 s28, $0x18  }
.Ltmp6:
0x1b0: {  	_ = 	snop;
	(pc) =	sbr.rel @p6 .LBB2_11-.Ltmp6, $2  }
0x1b1: {  	_ =	sdelay $0x2  }
0x1b2: {  	[hbm4b:s11+s4] =	stream.linear.scatter [tilespmem:s5], [sflag:$0x3], $0x80, $0x38;
	[tilespmem:$0x1FF00] =	vst v63  }
.Ltmp7:
0x1b3: {  	(pc) =	sbr.rel .LBB2_12-.Ltmp7, $4  }
0x1b4: {  	_ = 	snop  }
0x1b5: {  	_ =	swait.ge [sflag:s19], $0x1000  }
0x1b6: {  	[sflag:s19] =	ssyncset.done $0x0  }
0x1b7: {  	[sflag:s19] =	ssyncadd.s32 $0xFFFFF000  }
.LBB2_11:
0x1b8: {  	s0 =	sadd.s32 $0x2, s29  }
0x1b9: {  	s1 =	sshll.u32 s0, $0xC  }
0x1ba: {  	s0 =	sshll.u32 s0, $0x7;
	s1 =	sand.u32 $0x78000, s1  }
0x1bb: {  	s0 =	sand.u32 $0x300, s0;
	s1 =	sadd.s32 s1, s3  }
0x1bc: {  	s11 =	simm.s32 $0x18700;
	s0 =	sadd.s32 s0, s1  }
0x1bd: {  	[tilespmem:s11], [sflag:$0x1] =	stream.linear.gather [spmem:s0], $0x80, $0x38;
	[tilespmem:$0x1FF00] =	vst v63  }
0x1be: {  	s5 =	simm.s32 $0x18800;
	s31 =	sadd.s32 $0x400, s0  }
0x1bf: {  	[tilespmem:s5], [sflag:$0x1] =	stream.linear.gather [spmem:s31], $0x80, $0x38;
	[tilespmem:$0x1FF00] =	vst v63  }
0x1c0: {  	s11 =	sadd.s32 $0x800, s0;
	s31 =	simm.s32 $0x18900  }
0x1c1: {  	[tilespmem:s31], [sflag:$0x1] =	stream.linear.gather [spmem:s11], $0x80, $0x38;
	[tilespmem:$0x1FF00] =	vst v63  }
0x1c2: {  	s11 =	sadd.s32 $0xC00, s0;
	s31 =	simm.s32 $0x18A00  }
0x1c3: {  	[tilespmem:s31], [sflag:$0x1] =	stream.linear.gather [spmem:s11], $0x80, $0x38;
	[tilespmem:$0x1FF00] =	vst v63  }
0x1c4: {  	s11 =	sadd.s32 $0x1000, s0;
	s31 =	simm.s32 $0x18B00  }
0x1c5: {  	[tilespmem:s31], [sflag:$0x1] =	stream.linear.gather [spmem:s11], $0x80, $0x38;
	[tilespmem:$0x1FF00] =	vst v63  }
0x1c6: {  	s11 =	sadd.s32 $0x1400, s0;
	s31 =	simm.s32 $0x18C00  }
0x1c7: {  	[tilespmem:s31], [sflag:$0x1] =	stream.linear.gather [spmem:s11], $0x80, $0x38;
	[tilespmem:$0x1FF00] =	vst v63  }
0x1c8: {  	s11 =	sadd.s32 $0x1800, s0;
	s31 =	simm.s32 $0x18D00  }
0x1c9: {  	[tilespmem:s31], [sflag:$0x1] =	stream.linear.gather [spmem:s11], $0x80, $0x38;
	[tilespmem:$0x1FF00] =	vst v63  }
0x1ca: {  	s11 =	sadd.s32 $0x1C00, s0;
	s31 =	simm.s32 $0x18E00  }
0x1cb: {  	[tilespmem:s31], [sflag:$0x1] =	stream.linear.gather [spmem:s11], $0x80, $0x38;
	[tilespmem:$0x1FF00] =	vst v63  }
0x1cc: {  	s11 =	sadd.s32 $0x2000, s0;
	s31 =	simm.s32 $0x18F00  }
0x1cd: {  	[tilespmem:s31], [sflag:$0x1] =	stream.linear.gather [spmem:s11], $0x80, $0x38;
	[tilespmem:$0x1FF00] =	vst v63  }
0x1ce: {  	s11 =	sadd.s32 $0x2400, s0;
	s31 =	simm.s32 $0x19000  }
0x1cf: {  	[tilespmem:s31], [sflag:$0x1] =	stream.linear.gather [spmem:s11], $0x80, $0x38;
	[tilespmem:$0x1FF00] =	vst v63  }
0x1d0: {  	s11 =	sadd.s32 $0x2800, s0;
	s31 =	simm.s32 $0x19100  }
0x1d1: {  	[tilespmem:s31], [sflag:$0x1] =	stream.linear.gather [spmem:s11], $0x80, $0x38;
	[tilespmem:$0x1FF00] =	vst v63  }
0x1d2: {  	s11 =	sadd.s32 $0x2C00, s0;
	s31 =	simm.s32 $0x19200  }
0x1d3: {  	[tilespmem:s31], [sflag:$0x1] =	stream.linear.gather [spmem:s11], $0x80, $0x38;
	[tilespmem:$0x1FF00] =	vst v63  }
0x1d4: {  	s11 =	sadd.s32 $0x3000, s0;
	s31 =	simm.s32 $0x19300  }
0x1d5: {  	[tilespmem:s31], [sflag:$0x1] =	stream.linear.gather [spmem:s11], $0x80, $0x38;
	[tilespmem:$0x1FF00] =	vst v63  }
0x1d6: {  	s11 =	sadd.s32 $0x3400, s0;
	s31 =	simm.s32 $0x19400  }
0x1d7: {  	[tilespmem:s31], [sflag:$0x1] =	stream.linear.gather [spmem:s11], $0x80, $0x38;
	[tilespmem:$0x1FF00] =	vst v63  }
0x1d8: {  	s11 =	sadd.s32 $0x3800, s0;
	s31 =	simm.s32 $0x19500  }
0x1d9: {  	[tilespmem:s31], [sflag:$0x1] =	stream.linear.gather [spmem:s11], $0x80, $0x38;
	[tilespmem:$0x1FF00] =	vst v63  }
0x1da: {  	s11 =	sadd.s32 $0x3C00, s0;
	s31 =	simm.s32 $0x19600  }
0x1db: {  	[tilespmem:s31], [sflag:$0x1] =	stream.linear.gather [spmem:s11], $0x80, $0x38;
	[tilespmem:$0x1FF00] =	vst v63  }
0x1dc: {  	s11 =	sadd.s32 $0x4000, s0;
	s31 =	simm.s32 $0x19700  }
0x1dd: {  	[tilespmem:s31], [sflag:$0x1] =	stream.linear.gather [spmem:s11], $0x80, $0x38;
	[tilespmem:$0x1FF00] =	vst v63  }
0x1de: {  	s11 =	sadd.s32 $0x4400, s0;
	s31 =	simm.s32 $0x19800  }
0x1df: {  	[tilespmem:s31], [sflag:$0x1] =	stream.linear.gather [spmem:s11], $0x80, $0x38;
	[tilespmem:$0x1FF00] =	vst v63  }
0x1e0: {  	s11 =	sadd.s32 $0x4800, s0;
	s31 =	simm.s32 $0x19900  }
0x1e1: {  	[tilespmem:s31], [sflag:$0x1] =	stream.linear.gather [spmem:s11], $0x80, $0x38;
	[tilespmem:$0x1FF00] =	vst v63  }
0x1e2: {  	s11 =	sadd.s32 $0x4C00, s0;
	s31 =	simm.s32 $0x19A00  }
0x1e3: {  	[tilespmem:s31], [sflag:$0x1] =	stream.linear.gather [spmem:s11], $0x80, $0x38;
	[tilespmem:$0x1FF00] =	vst v63  }
0x1e4: {  	s11 =	sadd.s32 $0x5000, s0;
	s31 =	simm.s32 $0x19B00  }
0x1e5: {  	[tilespmem:s31], [sflag:$0x1] =	stream.linear.gather [spmem:s11], $0x80, $0x38;
	[tilespmem:$0x1FF00] =	vst v63  }
0x1e6: {  	s11 =	sadd.s32 $0x5400, s0;
	s31 =	simm.s32 $0x19C00  }
0x1e7: {  	[tilespmem:s31], [sflag:$0x1] =	stream.linear.gather [spmem:s11], $0x80, $0x38;
	[tilespmem:$0x1FF00] =	vst v63  }
0x1e8: {  	s11 =	sadd.s32 $0x5800, s0;
	s31 =	simm.s32 $0x19D00  }
0x1e9: {  	[tilespmem:s31], [sflag:$0x1] =	stream.linear.gather [spmem:s11], $0x80, $0x38;
	[tilespmem:$0x1FF00] =	vst v63  }
0x1ea: {  	s11 =	sadd.s32 $0x5C00, s0;
	s31 =	simm.s32 $0x19E00  }
0x1eb: {  	[tilespmem:s31], [sflag:$0x1] =	stream.linear.gather [spmem:s11], $0x80, $0x38;
	[tilespmem:$0x1FF00] =	vst v63  }
0x1ec: {  	s11 =	sadd.s32 $0x6000, s0;
	s31 =	simm.s32 $0x19F00  }
0x1ed: {  	[tilespmem:s31], [sflag:$0x1] =	stream.linear.gather [spmem:s11], $0x80, $0x38;
	[tilespmem:$0x1FF00] =	vst v63  }
0x1ee: {  	s11 =	sadd.s32 $0x6400, s0;
	s31 =	simm.s32 $0x1A000  }
0x1ef: {  	[tilespmem:s31], [sflag:$0x1] =	stream.linear.gather [spmem:s11], $0x80, $0x38;
	[tilespmem:$0x1FF00] =	vst v63  }
0x1f0: {  	s11 =	sadd.s32 $0x6800, s0;
	s31 =	simm.s32 $0x1A100  }
0x1f1: {  	[tilespmem:s31], [sflag:$0x1] =	stream.linear.gather [spmem:s11], $0x80, $0x38;
	[tilespmem:$0x1FF00] =	vst v63  }
0x1f2: {  	s11 =	sadd.s32 $0x6C00, s0;
	s31 =	simm.s32 $0x1A200  }
0x1f3: {  	[tilespmem:s31], [sflag:$0x1] =	stream.linear.gather [spmem:s11], $0x80, $0x38;
	[tilespmem:$0x1FF00] =	vst v63  }
0x1f4: {  	s11 =	sadd.s32 $0x7000, s0;
	s31 =	simm.s32 $0x1A300  }
0x1f5: {  	[tilespmem:s31], [sflag:$0x1] =	stream.linear.gather [spmem:s11], $0x80, $0x38;
	[tilespmem:$0x1FF00] =	vst v63  }
0x1f6: {  	s11 =	sadd.s32 $0x7400, s0;
	s31 =	simm.s32 $0x1A400  }
0x1f7: {  	[tilespmem:s31], [sflag:$0x1] =	stream.linear.gather [spmem:s11], $0x80, $0x38;
	[tilespmem:$0x1FF00] =	vst v63  }
0x1f8: {  	s5 =	sadd.s32 $0x7800, s0;
	s11 =	simm.s32 $0x1A500  }
0x1f9: {  	[tilespmem:s11], [sflag:$0x1] =	stream.linear.gather [spmem:s5], $0x80, $0x38;
	[tilespmem:$0x1FF00] =	vst v63  }
.Ltmp8:
0x1fa: {  	s0 =	sadd.s32 $0x7C00, s0;
	s31 =	simm.s32 $0x1A600;
	(pc) =	sbr.rel @p5 .LBB2_13-.Ltmp8, $4  }
0x1fb: {  	[tilespmem:s31], [sflag:$0x1] =	stream.linear.gather [spmem:s0], $0x80, $0x38;
	[tilespmem:$0x1FF00] =	vst v63  }
0x1fc: {  	_ =	swait.ge [sflag:s19], $0x1000  }
0x1fd: {  	[sflag:s19] =	ssyncset.done $0x0  }
0x1fe: {  	[sflag:s19] =	ssyncadd.s32 $0xFFFFF000  }
.LBB2_12:
0x1ff: {  	_ =	swait.ge [sflag:s26], $0x1000  }
0x200: {  	[sflag:s26] =	ssyncset.done $0x0  }
0x201: {  	[sflag:s26] =	ssyncadd.s32 $0xFFFFF000  }
.LBB2_13:
0x202: {  	s0 =	simm.s32 $0x18980  }
0x203: {  	v0 =	vld [tilespmem:s0+$0x170]  }
0x204: {  	v1 =	vld [tilespmem:s0+$0xFFFFFE10]  }
0x205: {  	v2 =	vld [tilespmem:s0+$0xFFFFFE20]  }
0x206: {  	v3 =	vld [tilespmem:s0+$0xFFFFFE30]  }
0x207: {  	v4 =	vld [tilespmem:s0+$0xFFFFFE40]  }
0x208: {  	v5 =	vld [tilespmem:s0+$0xFFFFFE50]  }
0x209: {  	v6 =	vld [tilespmem:s0+$0xFFFFFE60]  }
0x20a: {  	v7 =	vld [tilespmem:s0+$0xFFFFFE70]  }
0x20b: {  	v8 =	vld [tilespmem:s0+$0xFFFFFF00]  }
0x20c: {  	v9 =	vld [tilespmem:s0+$0xFFFFFF10]  }
0x20d: {  	v10 =	vld [tilespmem:s0+$0xFFFFFF20]  }
0x20e: {  	v11 =	vld [tilespmem:s0+$0xFFFFFF30]  }
0x20f: {  	v12 =	vld [tilespmem:s0+$0xFFFFFF40]  }
0x210: {  	v13 =	vld [tilespmem:s0+$0xFFFFFF50]  }
0x211: {  	v14 =	vld [tilespmem:s0+$0xFFFFFF60]  }
0x212: {  	v15 =	vld [tilespmem:s0+$0xFFFFFF70]  }
0x213: {  	v16 =	vld [tilespmem:s0+$0x0]  }
0x214: {  	v17 =	vld [tilespmem:s0+$0x10]  }
0x215: {  	v18 =	vld [tilespmem:s0+$0x20]  }
0x216: {  	v19 =	vld [tilespmem:s0+$0x30]  }
0x217: {  	v20 =	vld [tilespmem:s0+$0x40]  }
0x218: {  	v21 =	vld [tilespmem:s0+$0x50]  }
0x219: {  	v22 =	vld [tilespmem:s0+$0x60]  }
0x21a: {  	v23 =	vld [tilespmem:s0+$0x70]  }
0x21b: {  	v24 =	vld [tilespmem:s0+$0x100]  }
0x21c: {  	v25 =	vld [tilespmem:s0+$0x110]  }
0x21d: {  	v26 =	vld [tilespmem:s0+$0x120]  }
0x21e: {  	v27 =	vld [tilespmem:s0+$0x130]  }
0x21f: {  	v28 =	vld [tilespmem:s0+$0x140]  }
0x220: {  	v29 =	vld [tilespmem:s0+$0x150]  }
0x221: {  	v30 =	vld [tilespmem:s0+$0x160]  }
0x222: {  	v31 =	vld [tilespmem:s0+$0xFFFFFE00]  }
0x223: {  	v0 =	vld.idx.msk [tilespmem:v0+s4+$0x0], $0xffff  }
0x224: {  	v1 =	vld.idx.msk [tilespmem:v1+s4+$0x0], $0xffff  }
0x225: {  	v2 =	vld.idx.msk [tilespmem:v2+s4+$0x0], $0xffff  }
0x226: {  	v3 =	vld.idx.msk [tilespmem:v3+s4+$0x0], $0xffff  }
0x227: {  	v4 =	vld.idx.msk [tilespmem:v4+s4+$0x0], $0xffff  }
0x228: {  	s31 =	simm.s32 $0x1A980;
	v5 =	vld.idx.msk [tilespmem:v5+s4+$0x0], $0xffff  }
0x229: {  	[tilespmem:s31+$0x170] =	vst v0;
	v0 =	vld.idx.msk [tilespmem:v6+s4+$0x0], $0xffff  }
0x22a: {  	[tilespmem:s31+$0xFFFFFE10] =	vst v1;
	v1 =	vld.idx.msk [tilespmem:v7+s4+$0x0], $0xffff  }
0x22b: {  	v6 =	vld.idx.msk [tilespmem:v31+s4+$0x0], $0xffff;
	[tilespmem:s31+$0xFFFFFE20] =	vst v2  }
0x22c: {  	[tilespmem:s31+$0xFFFFFE30] =	vst v3;
	v2 =	vld.idx.msk [tilespmem:v8+s4+$0x0], $0xffff  }
0x22d: {  	[tilespmem:s31+$0xFFFFFE40] =	vst v4;
	v3 =	vld.idx.msk [tilespmem:v9+s4+$0x0], $0xffff  }
0x22e: {  	[tilespmem:s31+$0xFFFFFE50] =	vst v5;
	v4 =	vld.idx.msk [tilespmem:v10+s4+$0x0], $0xffff  }
0x22f: {  	v5 =	vld.idx.msk [tilespmem:v13+s4+$0x0], $0xffff;
	[tilespmem:s31+$0xFFFFFE60] =	vst v0  }
0x230: {  	v7 =	vld.idx.msk [tilespmem:v24+s4+$0x0], $0xffff;
	[tilespmem:s31+$0xFFFFFE70] =	vst v1  }
0x231: {  	v0 =	vld.idx.msk [tilespmem:v11+s4+$0x0], $0xffff;
	[tilespmem:s31+$0xFFFFFE00] =	vst v6  }
0x232: {  	v1 =	vld.idx.msk [tilespmem:v12+s4+$0x0], $0xffff;
	[tilespmem:s31+$0xFFFFFF00] =	vst v2  }
0x233: {  	v2 =	vld.idx.msk [tilespmem:v14+s4+$0x0], $0xffff;
	[tilespmem:s31+$0xFFFFFF10] =	vst v3  }
0x234: {  	v3 =	vld.idx.msk [tilespmem:v15+s4+$0x0], $0xffff;
	[tilespmem:s31+$0xFFFFFF20] =	vst v4  }
0x235: {  	v4 =	vld.idx.msk [tilespmem:v16+s4+$0x0], $0xffff;
	[tilespmem:s31+$0xFFFFFF50] =	vst v5  }
0x236: {  	v5 =	vld.idx.msk [tilespmem:v19+s4+$0x0], $0xffff;
	[tilespmem:s31+$0x100] =	vst v7  }
0x237: {  	v6 =	vld.idx.msk [tilespmem:v23+s4+$0x0], $0xffff;
	[tilespmem:s31+$0xFFFFFF30] =	vst v0  }
0x238: {  	v0 =	vld.idx.msk [tilespmem:v17+s4+$0x0], $0xffff;
	[tilespmem:s31+$0xFFFFFF40] =	vst v1  }
0x239: {  	v1 =	vld.idx.msk [tilespmem:v18+s4+$0x0], $0xffff;
	[tilespmem:s31+$0xFFFFFF60] =	vst v2  }
0x23a: {  	v2 =	vld.idx.msk [tilespmem:v20+s4+$0x0], $0xffff;
	[tilespmem:s31+$0xFFFFFF70] =	vst v3  }
0x23b: {  	v3 =	vld.idx.msk [tilespmem:v21+s4+$0x0], $0xffff;
	[tilespmem:s31+$0x0] =	vst v4  }
0x23c: {  	v4 =	vld.idx.msk [tilespmem:v22+s4+$0x0], $0xffff;
	[tilespmem:s31+$0x30] =	vst v5  }
0x23d: {  	[tilespmem:s31+$0x70] =	vst v6;
	v5 =	vld.idx.msk [tilespmem:v30+s4+$0x0], $0xffff  }
0x23e: {  	[tilespmem:s31+$0x10] =	vst v0;
	v0 =	vld.idx.msk [tilespmem:v25+s4+$0x0], $0xffff  }
0x23f: {  	[tilespmem:s31+$0x20] =	vst v1;
	v1 =	vld.idx.msk [tilespmem:v26+s4+$0x0], $0xffff  }
0x240: {  	[tilespmem:s31+$0x40] =	vst v2;
	v2 =	vld.idx.msk [tilespmem:v27+s4+$0x0], $0xffff  }
0x241: {  	[tilespmem:s31+$0x50] =	vst v3;
	v3 =	vld.idx.msk [tilespmem:v28+s4+$0x0], $0xffff  }
0x242: {  	s5 =	simm.s32 $0x18D80;
	s0 =	simm.s32 $0x0;
	[tilespmem:s31+$0x60] =	vst v4;
	v4 =	vld.idx.msk [tilespmem:v29+s4+$0x0], $0xffff  }
.LBB2_14:
0x243: {  	v6 =	vld [tilespmem:s5+$0x170];
	s0 =	sadd.s32 $0x200, s0;
	[tilespmem:s31+$0x110] =	vst v0  }
0x244: {  	v0 =	vld [tilespmem:s5+$0xFFFFFE10];
	p5 =	slt.u32 s0, $0xE00;
	[tilespmem:s31+$0x120] =	vst v1  }
0x245: {  	v1 =	vld [tilespmem:s5+$0xFFFFFE20];
	[tilespmem:s31+$0x130] =	vst v2  }
0x246: {  	v2 =	vld [tilespmem:s5+$0xFFFFFE30];
	[tilespmem:s31+$0x140] =	vst v3  }
0x247: {  	v3 =	vld [tilespmem:s5+$0xFFFFFE40];
	[tilespmem:s31+$0x150] =	vst v4  }
0x248: {  	v4 =	vld [tilespmem:s5+$0xFFFFFE50];
	[tilespmem:s31+$0x160] =	vst v5  }
0x249: {  	v5 =	vld [tilespmem:s5+$0xFFFFFE60]  }
0x24a: {  	v7 =	vld [tilespmem:s5+$0xFFFFFE70]  }
0x24b: {  	v6 =	vld.idx.msk [tilespmem:v6+s4+$0x0], $0xffff  }
0x24c: {  	v8 =	vld [tilespmem:s5+$0xFFFFFF00]  }
0x24d: {  	v9 =	vld [tilespmem:s5+$0xFFFFFF10]  }
0x24e: {  	v10 =	vld [tilespmem:s5+$0xFFFFFF20]  }
0x24f: {  	v11 =	vld [tilespmem:s5+$0xFFFFFF30]  }
0x250: {  	s31 =	sadd.s32 $0x400, s31;
	v12 =	vld [tilespmem:s5+$0xFFFFFF40]  }
0x251: {  	v13 =	vld [tilespmem:s5+$0xFFFFFF50];
	[tilespmem:s31+$0x170] =	vst v6  }
0x252: {  	v6 =	vld [tilespmem:s5+$0xFFFFFF60]  }
0x253: {  	v14 =	vld [tilespmem:s5+$0xFFFFFF70]  }
0x254: {  	v15 =	vld [tilespmem:s5+$0x0]  }
0x255: {  	v16 =	vld [tilespmem:s5+$0x10]  }
0x256: {  	v17 =	vld [tilespmem:s5+$0x20]  }
0x257: {  	v18 =	vld [tilespmem:s5+$0x30]  }
0x258: {  	v19 =	vld [tilespmem:s5+$0x40]  }
0x259: {  	v20 =	vld [tilespmem:s5+$0x50]  }
0x25a: {  	v21 =	vld [tilespmem:s5+$0x60]  }
0x25b: {  	v22 =	vld [tilespmem:s5+$0x70]  }
0x25c: {  	v23 =	vld [tilespmem:s5+$0x100]  }
0x25d: {  	v24 =	vld [tilespmem:s5+$0x110]  }
0x25e: {  	v25 =	vld [tilespmem:s5+$0x120]  }
0x25f: {  	v26 =	vld [tilespmem:s5+$0x130]  }
0x260: {  	v27 =	vld [tilespmem:s5+$0x140]  }
0x261: {  	v28 =	vld [tilespmem:s5+$0x150]  }
0x262: {  	v29 =	vld [tilespmem:s5+$0x160]  }
0x263: {  	v30 =	vld [tilespmem:s5+$0xFFFFFE00]  }
0x264: {  	v0 =	vld.idx.msk [tilespmem:v0+s4+$0x0], $0xffff  }
0x265: {  	v1 =	vld.idx.msk [tilespmem:v1+s4+$0x0], $0xffff  }
0x266: {  	v2 =	vld.idx.msk [tilespmem:v2+s4+$0x0], $0xffff  }
0x267: {  	v3 =	vld.idx.msk [tilespmem:v3+s4+$0x0], $0xffff  }
0x268: {  	v4 =	vld.idx.msk [tilespmem:v4+s4+$0x0], $0xffff  }
0x269: {  	v5 =	vld.idx.msk [tilespmem:v5+s4+$0x0], $0xffff  }
0x26a: {  	[tilespmem:s31+$0xFFFFFE10] =	vst v0;
	v0 =	vld.idx.msk [tilespmem:v7+s4+$0x0], $0xffff  }
0x26b: {  	v7 =	vld.idx.msk [tilespmem:v30+s4+$0x0], $0xffff;
	[tilespmem:s31+$0xFFFFFE20] =	vst v1  }
0x26c: {  	[tilespmem:s31+$0xFFFFFE30] =	vst v2;
	v1 =	vld.idx.msk [tilespmem:v8+s4+$0x0], $0xffff  }
0x26d: {  	[tilespmem:s31+$0xFFFFFE40] =	vst v3;
	v2 =	vld.idx.msk [tilespmem:v9+s4+$0x0], $0xffff  }
0x26e: {  	[tilespmem:s31+$0xFFFFFE50] =	vst v4;
	v3 =	vld.idx.msk [tilespmem:v10+s4+$0x0], $0xffff  }
0x26f: {  	[tilespmem:s31+$0xFFFFFE60] =	vst v5;
	v4 =	vld.idx.msk [tilespmem:v11+s4+$0x0], $0xffff  }
0x270: {  	[tilespmem:s31+$0xFFFFFE70] =	vst v0;
	v0 =	vld.idx.msk [tilespmem:v12+s4+$0x0], $0xffff  }
0x271: {  	[tilespmem:s31+$0xFFFFFE00] =	vst v7;
	v5 =	vld.idx.msk [tilespmem:v13+s4+$0x0], $0xffff  }
0x272: {  	[tilespmem:s31+$0xFFFFFF00] =	vst v1;
	v1 =	vld.idx.msk [tilespmem:v6+s4+$0x0], $0xffff  }
0x273: {  	[tilespmem:s31+$0xFFFFFF10] =	vst v2;
	v2 =	vld.idx.msk [tilespmem:v14+s4+$0x0], $0xffff  }
0x274: {  	[tilespmem:s31+$0xFFFFFF20] =	vst v3;
	v3 =	vld.idx.msk [tilespmem:v15+s4+$0x0], $0xffff  }
0x275: {  	[tilespmem:s31+$0xFFFFFF30] =	vst v4;
	v4 =	vld.idx.msk [tilespmem:v16+s4+$0x0], $0xffff  }
0x276: {  	[tilespmem:s31+$0xFFFFFF40] =	vst v0;
	v0 =	vld.idx.msk [tilespmem:v17+s4+$0x0], $0xffff  }
0x277: {  	[tilespmem:s31+$0xFFFFFF50] =	vst v5;
	v5 =	vld.idx.msk [tilespmem:v18+s4+$0x0], $0xffff  }
0x278: {  	[tilespmem:s31+$0xFFFFFF60] =	vst v1;
	v1 =	vld.idx.msk [tilespmem:v19+s4+$0x0], $0xffff  }
0x279: {  	[tilespmem:s31+$0xFFFFFF70] =	vst v2;
	v2 =	vld.idx.msk [tilespmem:v20+s4+$0x0], $0xffff  }
0x27a: {  	[tilespmem:s31+$0x0] =	vst v3;
	v3 =	vld.idx.msk [tilespmem:v21+s4+$0x0], $0xffff  }
0x27b: {  	[tilespmem:s31+$0x10] =	vst v4;
	v4 =	vld.idx.msk [tilespmem:v22+s4+$0x0], $0xffff  }
0x27c: {  	[tilespmem:s31+$0x20] =	vst v0;
	v6 =	vld.idx.msk [tilespmem:v23+s4+$0x0], $0xffff  }
0x27d: {  	[tilespmem:s31+$0x30] =	vst v5;
	v0 =	vld.idx.msk [tilespmem:v24+s4+$0x0], $0xffff  }
.Ltmp9:
0x27e: {  	[tilespmem:s31+$0x40] =	vst v1;
	v1 =	vld.idx.msk [tilespmem:v25+s4+$0x0], $0xffff;
	(pc) =	sbr.rel @p5 .LBB2_14-.Ltmp9, $4  }
0x27f: {  	[tilespmem:s31+$0x50] =	vst v2;
	v2 =	vld.idx.msk [tilespmem:v26+s4+$0x0], $0xffff  }
0x280: {  	[tilespmem:s31+$0x60] =	vst v3;
	v3 =	vld.idx.msk [tilespmem:v27+s4+$0x0], $0xffff  }
0x281: {  	[tilespmem:s31+$0x70] =	vst v4;
	v4 =	vld.idx.msk [tilespmem:v28+s4+$0x0], $0xffff  }
0x282: {  	s5 =	sadd.s32 $0x400, s5;
	[tilespmem:s31+$0x100] =	vst v6;
	v5 =	vld.idx.msk [tilespmem:v29+s4+$0x0], $0xffff  }
0x283: {  	[tilespmem:s31+$0x110] =	vst v0  }
0x284: {  	[tilespmem:s31+$0x120] =	vst v1  }
0x285: {  	[tilespmem:s31+$0x130] =	vst v2  }
0x286: {  	s0 =	sor.u32 $0x8000, s30;
	[tilespmem:s31+$0x140] =	vst v3  }
0x287: {  	s5 =	simm.s32 $0x1A780;
	s0 =	sadd.s32 s2, s0;
	[tilespmem:s31+$0x150] =	vst v4  }
0x288: {  	s30 =	simm.s32 $0x80;
	s1 =	simm.s32 $0x1A880;
	s11 =	sadd.s32 $0x0, s0;
	[tilespmem:s31+$0x160] =	vst v5  }
.LBB2_16:
0x289: {  	[hbm4b:s11+s4] =	stream.linear.scatter [tilespmem:s5], [sflag:$0x4], $0x80, $0x38;
	[tilespmem:$0x1FF00] =	vst v63  }
0x28a: {  	s11 =	smov.u32 s30;
	s5 =	smov.u32 s1;
	p5 =	sne.s32 s30, $0xF80  }
.Ltmp10:
0x28b: {  	s30 =	sadd.s32 $0x80, s30;
	(pc) =	sbr.rel @p5 .LBB2_16-.Ltmp10, $2  }
0x28c: {  	_ =	sdelay $0x2  }
0x28d: {  	s1 =	sadd.s32 $0x100, s1;
	s11 =	sadd.s32 s11, s0  }
0x28e: {  	p5 =	seq.s32 s28, $0x18  }
.Ltmp11:
0x28f: {  	_ = 	snop;
	(pc) =	sbr.rel @p5 .LBB2_19-.Ltmp11, $2  }
0x290: {  	_ =	sdelay $0x2  }
0x291: {  	[hbm4b:s11+s4] =	stream.linear.scatter [tilespmem:s5], [sflag:$0x4], $0x80, $0x38;
	[tilespmem:$0x1FF00] =	vst v63  }
0x292: {  	s0 =	sadd.s32 $0x3, s29  }
0x293: {  	s1 =	sshll.u32 s0, $0xC  }
0x294: {  	s0 =	sshll.u32 s0, $0x7;
	s1 =	sand.u32 $0x78000, s1  }
0x295: {  	s0 =	sand.u32 $0x380, s0;
	s1 =	sadd.s32 s1, s3  }
0x296: {  	s11 =	simm.s32 $0x18780;
	s0 =	sadd.s32 s0, s1  }
0x297: {  	[tilespmem:s11], [sflag:$0x2] =	stream.linear.gather [spmem:s0], $0x80, $0x38;
	[tilespmem:$0x1FF00] =	vst v63  }
0x298: {  	s5 =	simm.s32 $0x18880;
	s29 =	sadd.s32 $0x400, s0  }
0x299: {  	[tilespmem:s5], [sflag:$0x2] =	stream.linear.gather [spmem:s29], $0x80, $0x38;
	[tilespmem:$0x1FF00] =	vst v63  }
0x29a: {  	s31 =	simm.s32 $0x18980;
	s30 =	sadd.s32 $0x800, s0  }
0x29b: {  	[tilespmem:s31], [sflag:$0x2] =	stream.linear.gather [spmem:s30], $0x80, $0x38;
	[tilespmem:$0x1FF00] =	vst v63  }
0x29c: {  	s11 =	sadd.s32 $0xC00, s0;
	s29 =	simm.s32 $0x18A80  }
0x29d: {  	[tilespmem:s29], [sflag:$0x2] =	stream.linear.gather [spmem:s11], $0x80, $0x38;
	[tilespmem:$0x1FF00] =	vst v63  }
0x29e: {  	s30 =	sadd.s32 $0x1000, s0;
	s31 =	simm.s32 $0x18B80  }
0x29f: {  	[tilespmem:s31], [sflag:$0x2] =	stream.linear.gather [spmem:s30], $0x80, $0x38;
	[tilespmem:$0x1FF00] =	vst v63  }
0x2a0: {  	s11 =	sadd.s32 $0x1400, s0;
	s29 =	simm.s32 $0x18C80  }
0x2a1: {  	[tilespmem:s29], [sflag:$0x2] =	stream.linear.gather [spmem:s11], $0x80, $0x38;
	[tilespmem:$0x1FF00] =	vst v63  }
0x2a2: {  	s30 =	sadd.s32 $0x1800, s0;
	s31 =	simm.s32 $0x18D80  }
0x2a3: {  	[tilespmem:s31], [sflag:$0x2] =	stream.linear.gather [spmem:s30], $0x80, $0x38;
	[tilespmem:$0x1FF00] =	vst v63  }
0x2a4: {  	s11 =	sadd.s32 $0x1C00, s0;
	s29 =	simm.s32 $0x18E80  }
0x2a5: {  	[tilespmem:s29], [sflag:$0x2] =	stream.linear.gather [spmem:s11], $0x80, $0x38;
	[tilespmem:$0x1FF00] =	vst v63  }
0x2a6: {  	s30 =	sadd.s32 $0x2000, s0;
	s31 =	simm.s32 $0x18F80  }
0x2a7: {  	[tilespmem:s31], [sflag:$0x2] =	stream.linear.gather [spmem:s30], $0x80, $0x38;
	[tilespmem:$0x1FF00] =	vst v63  }
0x2a8: {  	s11 =	sadd.s32 $0x2400, s0;
	s29 =	simm.s32 $0x19080  }
0x2a9: {  	[tilespmem:s29], [sflag:$0x2] =	stream.linear.gather [spmem:s11], $0x80, $0x38;
	[tilespmem:$0x1FF00] =	vst v63  }
0x2aa: {  	s30 =	sadd.s32 $0x2800, s0;
	s31 =	simm.s32 $0x19180  }
0x2ab: {  	[tilespmem:s31], [sflag:$0x2] =	stream.linear.gather [spmem:s30], $0x80, $0x38;
	[tilespmem:$0x1FF00] =	vst v63  }
0x2ac: {  	s11 =	sadd.s32 $0x2C00, s0;
	s29 =	simm.s32 $0x19280  }
0x2ad: {  	[tilespmem:s29], [sflag:$0x2] =	stream.linear.gather [spmem:s11], $0x80, $0x38;
	[tilespmem:$0x1FF00] =	vst v63  }
0x2ae: {  	s30 =	sadd.s32 $0x3000, s0;
	s31 =	simm.s32 $0x19380  }
0x2af: {  	[tilespmem:s31], [sflag:$0x2] =	stream.linear.gather [spmem:s30], $0x80, $0x38;
	[tilespmem:$0x1FF00] =	vst v63  }
0x2b0: {  	s5 =	sadd.s32 $0x3400, s0;
	s11 =	simm.s32 $0x19480  }
0x2b1: {  	[tilespmem:s11], [sflag:$0x2] =	stream.linear.gather [spmem:s5], $0x80, $0x38;
	[tilespmem:$0x1FF00] =	vst v63  }
0x2b2: {  	s29 =	sadd.s32 $0x3800, s0;
	s30 =	simm.s32 $0x19580  }
0x2b3: {  	[tilespmem:s30], [sflag:$0x2] =	stream.linear.gather [spmem:s29], $0x80, $0x38;
	[tilespmem:$0x1FF00] =	vst v63  }
0x2b4: {  	s31 =	sadd.s32 $0x3C00, s0  }
0x2b5: {  	[tilespmem:s12], [sflag:$0x2] =	stream.linear.gather [spmem:s31], $0x80, $0x38;
	[tilespmem:$0x1FF00] =	vst v63  }
0x2b6: {  	s5 =	sadd.s32 $0x4000, s0  }
0x2b7: {  	[tilespmem:s20], [sflag:$0x2] =	stream.linear.gather [spmem:s5], $0x80, $0x38;
	[tilespmem:$0x1FF00] =	vst v63  }
0x2b8: {  	s11 =	sadd.s32 $0x4400, s0  }
0x2b9: {  	[tilespmem:s21], [sflag:$0x2] =	stream.linear.gather [spmem:s11], $0x80, $0x38;
	[tilespmem:$0x1FF00] =	vst v63  }
0x2ba: {  	s29 =	sadd.s32 $0x4800, s0  }
0x2bb: {  	[tilespmem:s7], [sflag:$0x2] =	stream.linear.gather [spmem:s29], $0x80, $0x38;
	[tilespmem:$0x1FF00] =	vst v63  }
0x2bc: {  	s30 =	sadd.s32 $0x4C00, s0  }
0x2bd: {  	[tilespmem:s8], [sflag:$0x2] =	stream.linear.gather [spmem:s30], $0x80, $0x38;
	[tilespmem:$0x1FF00] =	vst v63  }
0x2be: {  	s31 =	sadd.s32 $0x5000, s0  }
0x2bf: {  	[tilespmem:s9], [sflag:$0x2] =	stream.linear.gather [spmem:s31], $0x80, $0x38;
	[tilespmem:$0x1FF00] =	vst v63  }
0x2c0: {  	s5 =	sadd.s32 $0x5400, s0  }
0x2c1: {  	[tilespmem:s22], [sflag:$0x2] =	stream.linear.gather [spmem:s5], $0x80, $0x38;
	[tilespmem:$0x1FF00] =	vst v63  }
0x2c2: {  	s11 =	sadd.s32 $0x5800, s0  }
0x2c3: {  	[tilespmem:s24], [sflag:$0x2] =	stream.linear.gather [spmem:s11], $0x80, $0x38;
	[tilespmem:$0x1FF00] =	vst v63  }
0x2c4: {  	s29 =	sadd.s32 $0x5C00, s0  }
0x2c5: {  	[tilespmem:s25], [sflag:$0x2] =	stream.linear.gather [spmem:s29], $0x80, $0x38;
	[tilespmem:$0x1FF00] =	vst v63  }
0x2c6: {  	s30 =	sadd.s32 $0x6000, s0  }
0x2c7: {  	[tilespmem:s13], [sflag:$0x2] =	stream.linear.gather [spmem:s30], $0x80, $0x38;
	[tilespmem:$0x1FF00] =	vst v63  }
0x2c8: {  	s31 =	sadd.s32 $0x6400, s0  }
0x2c9: {  	[tilespmem:s10], [sflag:$0x2] =	stream.linear.gather [spmem:s31], $0x80, $0x38;
	[tilespmem:$0x1FF00] =	vst v63  }
0x2ca: {  	s5 =	sadd.s32 $0x6800, s0  }
0x2cb: {  	[tilespmem:s15], [sflag:$0x2] =	stream.linear.gather [spmem:s5], $0x80, $0x38;
	[tilespmem:$0x1FF00] =	vst v63  }
0x2cc: {  	s11 =	sadd.s32 $0x6C00, s0  }
0x2cd: {  	[tilespmem:s17], [sflag:$0x2] =	stream.linear.gather [spmem:s11], $0x80, $0x38;
	[tilespmem:$0x1FF00] =	vst v63  }
0x2ce: {  	s29 =	sadd.s32 $0x7000, s0  }
0x2cf: {  	[tilespmem:s16], [sflag:$0x2] =	stream.linear.gather [spmem:s29], $0x80, $0x38;
	[tilespmem:$0x1FF00] =	vst v63  }
0x2d0: {  	s30 =	sadd.s32 $0x7400, s0  }
0x2d1: {  	[tilespmem:s18], [sflag:$0x2] =	stream.linear.gather [spmem:s30], $0x80, $0x38;
	[tilespmem:$0x1FF00] =	vst v63  }
.Ltmp12:
0x2d2: {  	_ = 	snop;
	(pc) =	sbr.rel .LBB2_5-.Ltmp12, $4  }
0x2d3: {  	s31 =	sadd.s32 $0x7800, s0  }
0x2d4: {  	[tilespmem:s6], [sflag:$0x2] =	stream.linear.gather [spmem:s31], $0x80, $0x38;
	[tilespmem:$0x1FF00] =	vst v63  }
0x2d5: {  	s28 =	sadd.s32 $0x1, s28;
	s0 =	sadd.s32 $0x7C00, s0  }
0x2d6: {  	[tilespmem:s23], [sflag:$0x2] =	stream.linear.gather [spmem:s0], $0x80, $0x38;
	[tilespmem:$0x1FF00] =	vst v63  }
.LBB2_19:
0x2d7: {  	s0 =	simm.s32 $0x3  }
0x2d8: {  	_ =	swait.ge [sflag:s0], $0x1000  }
0x2d9: {  	[sflag:s0] =	ssyncset.done $0x0  }
0x2da: {  	[sflag:s0] =	ssyncadd.s32 $0xFFFFF000  }
0x2db: {  	s28 =	simm.s32 $0x0;
	_ =	swait.ge [sflag:s26], $0x1000  }
0x2dc: {  	s1 =	simm.s32 $0x80;
	s5 =	simm.s32 $0x400;
	[sflag:s26] =	ssyncset.done $0x0  }
0x2dd: {  	s11 =	simm.s32 $0x5;
	s31 =	rddreg [dreg:$0xf];
	[sflag:s26] =	ssyncadd.s32 $0xFFFFF000  }
0x2de: {  	[tilespmem:s28], [sflag:$0x5] =	stream.strided.gather [hbm4b:s31+s1], $0x18700, s5, s1, $0x38;
	[tilespmem:$0x1FF00] =	vst v63  }
0x2df: {  	_ =	swait.ge [sflag:s11], $0x18700  }
0x2e0: {  	[sflag:s11] =	ssyncset.done $0x0  }
0x2e1: {  	s29 =	simm.s32 $0x18700;
	s30 =	rddreg [dreg:$0x12];
	[sflag:s11] =	ssyncadd.s32 $0xFFFE7900  }
0x2e2: {  	[tilespmem:s29], [sflag:$0x1] =	stream.linear.gather [spmem:s3], $0x80, $0x38;
	[tilespmem:$0x1FF00] =	vst v63  }
0x2e3: {  	s31 =	simm.s32 $0x18800;
	s1 =	rddreg [dreg:$0x19]  }
0x2e4: {  	[tilespmem:s31], [sflag:$0x1] =	stream.linear.gather [spmem:s30], $0x80, $0x38;
	[tilespmem:$0x1FF00] =	vst v63  }
0x2e5: {  	s5 =	simm.s32 $0x18900;
	s11 =	rddreg [dreg:$0x1a]  }
0x2e6: {  	[tilespmem:s5], [sflag:$0x1] =	stream.linear.gather [spmem:s1], $0x80, $0x38;
	[tilespmem:$0x1FF00] =	vst v63  }
0x2e7: {  	s29 =	simm.s32 $0x18A00;
	s30 =	rddreg [dreg:$0x1b]  }
0x2e8: {  	[tilespmem:s29], [sflag:$0x1] =	stream.linear.gather [spmem:s11], $0x80, $0x38;
	[tilespmem:$0x1FF00] =	vst v63  }
0x2e9: {  	s31 =	simm.s32 $0x18B00;
	s1 =	rddreg [dreg:$0x1c]  }
0x2ea: {  	[tilespmem:s31], [sflag:$0x1] =	stream.linear.gather [spmem:s30], $0x80, $0x38;
	[tilespmem:$0x1FF00] =	vst v63  }
0x2eb: {  	s5 =	simm.s32 $0x18C00;
	s11 =	rddreg [dreg:$0x1d]  }
0x2ec: {  	[tilespmem:s5], [sflag:$0x1] =	stream.linear.gather [spmem:s1], $0x80, $0x38;
	[tilespmem:$0x1FF00] =	vst v63  }
0x2ed: {  	s29 =	simm.s32 $0x18D00;
	s30 =	rddreg [dreg:$0x1e]  }
0x2ee: {  	[tilespmem:s29], [sflag:$0x1] =	stream.linear.gather [spmem:s11], $0x80, $0x38;
	[tilespmem:$0x1FF00] =	vst v63  }
0x2ef: {  	s31 =	simm.s32 $0x18E00;
	s1 =	rddreg [dreg:$0x1f]  }
0x2f0: {  	[tilespmem:s31], [sflag:$0x1] =	stream.linear.gather [spmem:s30], $0x80, $0x38;
	[tilespmem:$0x1FF00] =	vst v63  }
0x2f1: {  	s5 =	simm.s32 $0x18F00;
	s11 =	sld [smem:$0x7C8]  }
0x2f2: {  	[tilespmem:s5], [sflag:$0x1] =	stream.linear.gather [spmem:s1], $0x80, $0x38;
	[tilespmem:$0x1FF00] =	vst v63  }
0x2f3: {  	s29 =	simm.s32 $0x19000;
	s30 =	sld [smem:$0x7C9]  }
0x2f4: {  	[tilespmem:s29], [sflag:$0x1] =	stream.linear.gather [spmem:s11], $0x80, $0x38;
	[tilespmem:$0x1FF00] =	vst v63  }
0x2f5: {  	s31 =	simm.s32 $0x19100;
	s1 =	sld [smem:$0x7CA]  }
0x2f6: {  	[tilespmem:s31], [sflag:$0x1] =	stream.linear.gather [spmem:s30], $0x80, $0x38;
	[tilespmem:$0x1FF00] =	vst v63  }
0x2f7: {  	s5 =	simm.s32 $0x19200;
	s11 =	sld [smem:$0x7CB]  }
0x2f8: {  	[tilespmem:s5], [sflag:$0x1] =	stream.linear.gather [spmem:s1], $0x80, $0x38;
	[tilespmem:$0x1FF00] =	vst v63  }
0x2f9: {  	s29 =	simm.s32 $0x19300;
	s30 =	sld [smem:$0x7CC]  }
0x2fa: {  	[tilespmem:s29], [sflag:$0x1] =	stream.linear.gather [spmem:s11], $0x80, $0x38;
	[tilespmem:$0x1FF00] =	vst v63  }
0x2fb: {  	s31 =	simm.s32 $0x19400;
	s1 =	sld [smem:$0x7CD]  }
0x2fc: {  	[tilespmem:s31], [sflag:$0x1] =	stream.linear.gather [spmem:s30], $0x80, $0x38;
	[tilespmem:$0x1FF00] =	vst v63  }
0x2fd: {  	s5 =	simm.s32 $0x19500;
	s11 =	sld [smem:$0x7CE]  }
0x2fe: {  	[tilespmem:s5], [sflag:$0x1] =	stream.linear.gather [spmem:s1], $0x80, $0x38;
	[tilespmem:$0x1FF00] =	vst v63  }
0x2ff: {  	s29 =	simm.s32 $0x19600;
	s30 =	sld [smem:$0x7CF]  }
0x300: {  	[tilespmem:s29], [sflag:$0x1] =	stream.linear.gather [spmem:s11], $0x80, $0x38;
	[tilespmem:$0x1FF00] =	vst v63  }
0x301: {  	s31 =	simm.s32 $0x19700;
	s1 =	sld [smem:$0x7D0]  }
0x302: {  	[tilespmem:s31], [sflag:$0x1] =	stream.linear.gather [spmem:s30], $0x80, $0x38;
	[tilespmem:$0x1FF00] =	vst v63  }
0x303: {  	s5 =	simm.s32 $0x19800;
	s11 =	sld [smem:$0x7D1]  }
0x304: {  	[tilespmem:s5], [sflag:$0x1] =	stream.linear.gather [spmem:s1], $0x80, $0x38;
	[tilespmem:$0x1FF00] =	vst v63  }
0x305: {  	s29 =	simm.s32 $0x19900;
	s30 =	sld [smem:$0x7D2]  }
0x306: {  	[tilespmem:s29], [sflag:$0x1] =	stream.linear.gather [spmem:s11], $0x80, $0x38;
	[tilespmem:$0x1FF00] =	vst v63  }
0x307: {  	s31 =	simm.s32 $0x19A00;
	s1 =	sld [smem:$0x7D3]  }
0x308: {  	[tilespmem:s31], [sflag:$0x1] =	stream.linear.gather [spmem:s30], $0x80, $0x38;
	[tilespmem:$0x1FF00] =	vst v63  }
0x309: {  	s5 =	simm.s32 $0x19B00;
	s11 =	sld [smem:$0x7D4]  }
0x30a: {  	[tilespmem:s5], [sflag:$0x1] =	stream.linear.gather [spmem:s1], $0x80, $0x38;
	[tilespmem:$0x1FF00] =	vst v63  }
0x30b: {  	s29 =	simm.s32 $0x19C00;
	s30 =	sld [smem:$0x7D5]  }
0x30c: {  	[tilespmem:s29], [sflag:$0x1] =	stream.linear.gather [spmem:s11], $0x80, $0x38;
	[tilespmem:$0x1FF00] =	vst v63  }
0x30d: {  	s31 =	simm.s32 $0x19D00;
	s1 =	sld [smem:$0x7D6]  }
0x30e: {  	[tilespmem:s31], [sflag:$0x1] =	stream.linear.gather [spmem:s30], $0x80, $0x38;
	[tilespmem:$0x1FF00] =	vst v63  }
0x30f: {  	s5 =	simm.s32 $0x19E00;
	s11 =	sld [smem:$0x7D7]  }
0x310: {  	[tilespmem:s5], [sflag:$0x1] =	stream.linear.gather [spmem:s1], $0x80, $0x38;
	[tilespmem:$0x1FF00] =	vst v63  }
0x311: {  	s29 =	simm.s32 $0x19F00;
	s30 =	sld [smem:$0x7D8]  }
0x312: {  	[tilespmem:s29], [sflag:$0x1] =	stream.linear.gather [spmem:s11], $0x80, $0x38;
	[tilespmem:$0x1FF00] =	vst v63  }
0x313: {  	s31 =	simm.s32 $0x1A000;
	s1 =	sld [smem:$0x7D9]  }
0x314: {  	[tilespmem:s31], [sflag:$0x1] =	stream.linear.gather [spmem:s30], $0x80, $0x38;
	[tilespmem:$0x1FF00] =	vst v63  }
0x315: {  	s5 =	simm.s32 $0x1A100;
	s11 =	sld [smem:$0x7DA]  }
0x316: {  	[tilespmem:s5], [sflag:$0x1] =	stream.linear.gather [spmem:s1], $0x80, $0x38;
	[tilespmem:$0x1FF00] =	vst v63  }
0x317: {  	s29 =	simm.s32 $0x1A200;
	s30 =	sld [smem:$0x7DB]  }
0x318: {  	[tilespmem:s29], [sflag:$0x1] =	stream.linear.gather [spmem:s11], $0x80, $0x38;
	[tilespmem:$0x1FF00] =	vst v63  }
0x319: {  	s31 =	simm.s32 $0x1A300;
	s1 =	sld [smem:$0x7DC]  }
0x31a: {  	[tilespmem:s31], [sflag:$0x1] =	stream.linear.gather [spmem:s30], $0x80, $0x38;
	[tilespmem:$0x1FF00] =	vst v63  }
0x31b: {  	s5 =	simm.s32 $0x1A400;
	s11 =	sld [smem:$0x7DD]  }
0x31c: {  	[tilespmem:s5], [sflag:$0x1] =	stream.linear.gather [spmem:s1], $0x80, $0x38;
	[tilespmem:$0x1FF00] =	vst v63  }
0x31d: {  	s29 =	simm.s32 $0x1A500;
	s30 =	sld [smem:$0x7DE]  }
0x31e: {  	[tilespmem:s29], [sflag:$0x1] =	stream.linear.gather [spmem:s11], $0x80, $0x38;
	[tilespmem:$0x1FF00] =	vst v63  }
0x31f: {  	s31 =	simm.s32 $0x1A600;
	s1 =	rddreg [dreg:$0xd]  }
0x320: {  	[tilespmem:s31], [sflag:$0x1] =	stream.linear.gather [spmem:s30], $0x80, $0x38;
	[tilespmem:$0x1FF00] =	vst v63  }
0x321: {  	s5 =	simm.s32 $0x18780;
	s11 =	sld [smem:$0x7DF]  }
0x322: {  	[tilespmem:s5], [sflag:$0x2] =	stream.linear.gather [spmem:s1], $0x80, $0x38;
	[tilespmem:$0x1FF00] =	vst v63  }
0x323: {  	s29 =	simm.s32 $0x18880;
	s30 =	sld [smem:$0x7E0]  }
0x324: {  	[tilespmem:s29], [sflag:$0x2] =	stream.linear.gather [spmem:s11], $0x80, $0x38;
	[tilespmem:$0x1FF00] =	vst v63  }
0x325: {  	s31 =	simm.s32 $0x18980;
	s1 =	sld [smem:$0x7E1]  }
0x326: {  	[tilespmem:s31], [sflag:$0x2] =	stream.linear.gather [spmem:s30], $0x80, $0x38;
	[tilespmem:$0x1FF00] =	vst v63  }
0x327: {  	s5 =	simm.s32 $0x18A80;
	s11 =	sld [smem:$0x7E2]  }
0x328: {  	[tilespmem:s5], [sflag:$0x2] =	stream.linear.gather [spmem:s1], $0x80, $0x38;
	[tilespmem:$0x1FF00] =	vst v63  }
0x329: {  	s29 =	simm.s32 $0x18B80;
	s30 =	sld [smem:$0x7E3]  }
0x32a: {  	[tilespmem:s29], [sflag:$0x2] =	stream.linear.gather [spmem:s11], $0x80, $0x38;
	[tilespmem:$0x1FF00] =	vst v63  }
0x32b: {  	s31 =	simm.s32 $0x18C80;
	s1 =	sld [smem:$0x7E4]  }
0x32c: {  	[tilespmem:s31], [sflag:$0x2] =	stream.linear.gather [spmem:s30], $0x80, $0x38;
	[tilespmem:$0x1FF00] =	vst v63  }
0x32d: {  	s5 =	simm.s32 $0x18D80;
	s11 =	sld [smem:$0x7E5]  }
0x32e: {  	[tilespmem:s5], [sflag:$0x2] =	stream.linear.gather [spmem:s1], $0x80, $0x38;
	[tilespmem:$0x1FF00] =	vst v63  }
0x32f: {  	s29 =	simm.s32 $0x18E80;
	s30 =	sld [smem:$0x7E6]  }
0x330: {  	[tilespmem:s29], [sflag:$0x2] =	stream.linear.gather [spmem:s11], $0x80, $0x38;
	[tilespmem:$0x1FF00] =	vst v63  }
0x331: {  	s31 =	simm.s32 $0x18F80;
	s1 =	sld [smem:$0x7E7]  }
0x332: {  	[tilespmem:s31], [sflag:$0x2] =	stream.linear.gather [spmem:s30], $0x80, $0x38;
	[tilespmem:$0x1FF00] =	vst v63  }
0x333: {  	s5 =	simm.s32 $0x19080;
	s11 =	sld [smem:$0x7E8]  }
0x334: {  	[tilespmem:s5], [sflag:$0x2] =	stream.linear.gather [spmem:s1], $0x80, $0x38;
	[tilespmem:$0x1FF00] =	vst v63  }
0x335: {  	s29 =	simm.s32 $0x19180;
	s30 =	sld [smem:$0x7E9]  }
0x336: {  	[tilespmem:s29], [sflag:$0x2] =	stream.linear.gather [spmem:s11], $0x80, $0x38;
	[tilespmem:$0x1FF00] =	vst v63  }
0x337: {  	s31 =	simm.s32 $0x19280;
	s1 =	sld [smem:$0x7EA]  }
0x338: {  	[tilespmem:s31], [sflag:$0x2] =	stream.linear.gather [spmem:s30], $0x80, $0x38;
	[tilespmem:$0x1FF00] =	vst v63  }
0x339: {  	s5 =	simm.s32 $0x19380;
	s11 =	sld [smem:$0x7EB]  }
0x33a: {  	[tilespmem:s5], [sflag:$0x2] =	stream.linear.gather [spmem:s1], $0x80, $0x38;
	[tilespmem:$0x1FF00] =	vst v63  }
0x33b: {  	s29 =	simm.s32 $0x19480;
	s30 =	sld [smem:$0x7EC]  }
0x33c: {  	[tilespmem:s29], [sflag:$0x2] =	stream.linear.gather [spmem:s11], $0x80, $0x38;
	[tilespmem:$0x1FF00] =	vst v63  }
0x33d: {  	s31 =	simm.s32 $0x19580;
	s5 =	sld [smem:$0x7ED]  }
0x33e: {  	[tilespmem:s31], [sflag:$0x2] =	stream.linear.gather [spmem:s30], $0x80, $0x38;
	[tilespmem:$0x1FF00] =	vst v63  }
0x33f: {  	s11 =	sld [smem:$0x7EE]  }
0x340: {  	[tilespmem:s12], [sflag:$0x2] =	stream.linear.gather [spmem:s5], $0x80, $0x38;
	[tilespmem:$0x1FF00] =	vst v63  }
0x341: {  	s29 =	sld [smem:$0x7EF]  }
0x342: {  	[tilespmem:s20], [sflag:$0x2] =	stream.linear.gather [spmem:s11], $0x80, $0x38;
	[tilespmem:$0x1FF00] =	vst v63  }
0x343: {  	s30 =	sld [smem:$0x7F0]  }
0x344: {  	[tilespmem:s21], [sflag:$0x2] =	stream.linear.gather [spmem:s29], $0x80, $0x38;
	[tilespmem:$0x1FF00] =	vst v63  }
0x345: {  	s31 =	sld [smem:$0x7F1]  }
0x346: {  	[tilespmem:s7], [sflag:$0x2] =	stream.linear.gather [spmem:s30], $0x80, $0x38;
	[tilespmem:$0x1FF00] =	vst v63  }
0x347: {  	s1 =	sld [smem:$0x7F2]  }
0x348: {  	[tilespmem:s8], [sflag:$0x2] =	stream.linear.gather [spmem:s31], $0x80, $0x38;
	[tilespmem:$0x1FF00] =	vst v63  }
0x349: {  	s5 =	sld [smem:$0x7F3]  }
0x34a: {  	[tilespmem:s9], [sflag:$0x2] =	stream.linear.gather [spmem:s1], $0x80, $0x38;
	[tilespmem:$0x1FF00] =	vst v63  }
0x34b: {  	s11 =	sld [smem:$0x7F4]  }
0x34c: {  	[tilespmem:s22], [sflag:$0x2] =	stream.linear.gather [spmem:s5], $0x80, $0x38;
	[tilespmem:$0x1FF00] =	vst v63  }
0x34d: {  	s29 =	sld [smem:$0x7F5]  }
0x34e: {  	[tilespmem:s24], [sflag:$0x2] =	stream.linear.gather [spmem:s11], $0x80, $0x38;
	[tilespmem:$0x1FF00] =	vst v63  }
0x34f: {  	s30 =	sld [smem:$0x7F6]  }
0x350: {  	[tilespmem:s25], [sflag:$0x2] =	stream.linear.gather [spmem:s29], $0x80, $0x38;
	[tilespmem:$0x1FF00] =	vst v63  }
0x351: {  	s31 =	sld [smem:$0x7F7]  }
0x352: {  	[tilespmem:s13], [sflag:$0x2] =	stream.linear.gather [spmem:s30], $0x80, $0x38;
	[tilespmem:$0x1FF00] =	vst v63  }
0x353: {  	s1 =	sld [smem:$0x7F8]  }
0x354: {  	[tilespmem:s10], [sflag:$0x2] =	stream.linear.gather [spmem:s31], $0x80, $0x38;
	[tilespmem:$0x1FF00] =	vst v63  }
0x355: {  	s5 =	sld [smem:$0x7F9]  }
0x356: {  	[tilespmem:s15], [sflag:$0x2] =	stream.linear.gather [spmem:s1], $0x80, $0x38;
	[tilespmem:$0x1FF00] =	vst v63  }
0x357: {  	s11 =	sld [smem:$0x7FA]  }
0x358: {  	[tilespmem:s17], [sflag:$0x2] =	stream.linear.gather [spmem:s5], $0x80, $0x38;
	[tilespmem:$0x1FF00] =	vst v63  }
0x359: {  	s29 =	sld [smem:$0x7FB]  }
0x35a: {  	[tilespmem:s16], [sflag:$0x2] =	stream.linear.gather [spmem:s11], $0x80, $0x38;
	[tilespmem:$0x1FF00] =	vst v63  }
0x35b: {  	s30 =	sld [smem:$0x7FC]  }
0x35c: {  	[tilespmem:s18], [sflag:$0x2] =	stream.linear.gather [spmem:s29], $0x80, $0x38;
	[tilespmem:$0x1FF00] =	vst v63  }
0x35d: {  	s31 =	sld [smem:$0x7FD]  }
0x35e: {  	[tilespmem:s6], [sflag:$0x2] =	stream.linear.gather [spmem:s30], $0x80, $0x38;
	[tilespmem:$0x1FF00] =	vst v63  }
0x35f: {  	_ = 	snop  }
0x360: {  	[tilespmem:s23], [sflag:$0x2] =	stream.linear.gather [spmem:s31], $0x80, $0x38;
	[tilespmem:$0x1FF00] =	vst v63  }
.LBB2_20:
0x361: {  	_ =	swait.ge [sflag:s14], $0x1000  }
0x362: {  	p5 =	seq.s32 s28, $0x0;
	[sflag:s14] =	ssyncset.done $0x0  }
0x363: {  	s0 =	simm.s32 @!p5 $0x3;
	[sflag:s14] =	ssyncadd.s32 $0xFFFFF000  }
0x364: {  	_ =	swait.ge @!p5 [sflag:s0], $0x1000  }
0x365: {  	[sflag:s0] =	ssyncset.done @!p5 $0x0  }
0x366: {  	s30 =	simm.s32 $0x18900;
	[sflag:s0] =	ssyncadd.s32 @!p5 $0xFFFFF000  }
0x367: {  	v0 =	vld [tilespmem:s30+$0x170]  }
0x368: {  	v1 =	vld [tilespmem:s30+$0xFFFFFE10]  }
0x369: {  	v2 =	vld [tilespmem:s30+$0xFFFFFE20]  }
0x36a: {  	v3 =	vld [tilespmem:s30+$0xFFFFFE30]  }
0x36b: {  	v4 =	vld [tilespmem:s30+$0xFFFFFE40]  }
0x36c: {  	v5 =	vld [tilespmem:s30+$0xFFFFFE50]  }
0x36d: {  	v6 =	vld [tilespmem:s30+$0xFFFFFE60]  }
0x36e: {  	v7 =	vld [tilespmem:s30+$0xFFFFFE70]  }
0x36f: {  	v8 =	vld [tilespmem:s30+$0xFFFFFF00]  }
0x370: {  	v9 =	vld [tilespmem:s30+$0xFFFFFF10]  }
0x371: {  	v10 =	vld [tilespmem:s30+$0xFFFFFF20]  }
0x372: {  	v11 =	vld [tilespmem:s30+$0xFFFFFF30]  }
0x373: {  	v12 =	vld [tilespmem:s30+$0xFFFFFF40]  }
0x374: {  	v13 =	vld [tilespmem:s30+$0xFFFFFF50]  }
0x375: {  	v14 =	vld [tilespmem:s30+$0xFFFFFF60]  }
0x376: {  	v15 =	vld [tilespmem:s30+$0xFFFFFF70]  }
0x377: {  	v16 =	vld [tilespmem:s30+$0x0]  }
0x378: {  	v17 =	vld [tilespmem:s30+$0x10]  }
0x379: {  	v18 =	vld [tilespmem:s30+$0x20]  }
0x37a: {  	v19 =	vld [tilespmem:s30+$0x30]  }
0x37b: {  	v20 =	vld [tilespmem:s30+$0x40]  }
0x37c: {  	v21 =	vld [tilespmem:s30+$0x50]  }
0x37d: {  	v22 =	vld [tilespmem:s30+$0x60]  }
0x37e: {  	v23 =	vld [tilespmem:s30+$0x70]  }
0x37f: {  	v24 =	vld [tilespmem:s30+$0x100]  }
0x380: {  	v25 =	vld [tilespmem:s30+$0x110]  }
0x381: {  	v26 =	vld [tilespmem:s30+$0x120]  }
0x382: {  	v27 =	vld [tilespmem:s30+$0x130]  }
0x383: {  	v28 =	vld [tilespmem:s30+$0x140]  }
0x384: {  	v29 =	vld [tilespmem:s30+$0x150]  }
0x385: {  	v30 =	vld [tilespmem:s30+$0x160]  }
0x386: {  	v31 =	vld [tilespmem:s30+$0xFFFFFE00]  }
0x387: {  	v0 =	vld.idx.msk [tilespmem:v0+s4+$0x0], $0xffff  }
0x388: {  	v1 =	vld.idx.msk [tilespmem:v1+s4+$0x0], $0xffff  }
0x389: {  	v2 =	vld.idx.msk [tilespmem:v2+s4+$0x0], $0xffff  }
0x38a: {  	v3 =	vld.idx.msk [tilespmem:v3+s4+$0x0], $0xffff  }
0x38b: {  	v4 =	vld.idx.msk [tilespmem:v4+s4+$0x0], $0xffff  }
0x38c: {  	s31 =	simm.s32 $0x1A900;
	v5 =	vld.idx.msk [tilespmem:v5+s4+$0x0], $0xffff  }
0x38d: {  	[tilespmem:s31+$0x170] =	vst v0;
	v0 =	vld.idx.msk [tilespmem:v6+s4+$0x0], $0xffff  }
0x38e: {  	[tilespmem:s31+$0xFFFFFE10] =	vst v1;
	v1 =	vld.idx.msk [tilespmem:v7+s4+$0x0], $0xffff  }
0x38f: {  	v6 =	vld.idx.msk [tilespmem:v31+s4+$0x0], $0xffff;
	[tilespmem:s31+$0xFFFFFE20] =	vst v2  }
0x390: {  	[tilespmem:s31+$0xFFFFFE30] =	vst v3;
	v2 =	vld.idx.msk [tilespmem:v8+s4+$0x0], $0xffff  }
0x391: {  	[tilespmem:s31+$0xFFFFFE40] =	vst v4;
	v3 =	vld.idx.msk [tilespmem:v9+s4+$0x0], $0xffff  }
0x392: {  	[tilespmem:s31+$0xFFFFFE50] =	vst v5;
	v4 =	vld.idx.msk [tilespmem:v10+s4+$0x0], $0xffff  }
0x393: {  	v5 =	vld.idx.msk [tilespmem:v13+s4+$0x0], $0xffff;
	[tilespmem:s31+$0xFFFFFE60] =	vst v0  }
0x394: {  	v7 =	vld.idx.msk [tilespmem:v24+s4+$0x0], $0xffff;
	[tilespmem:s31+$0xFFFFFE70] =	vst v1  }
0x395: {  	v0 =	vld.idx.msk [tilespmem:v11+s4+$0x0], $0xffff;
	[tilespmem:s31+$0xFFFFFE00] =	vst v6  }
0x396: {  	v1 =	vld.idx.msk [tilespmem:v12+s4+$0x0], $0xffff;
	[tilespmem:s31+$0xFFFFFF00] =	vst v2  }
0x397: {  	v2 =	vld.idx.msk [tilespmem:v14+s4+$0x0], $0xffff;
	[tilespmem:s31+$0xFFFFFF10] =	vst v3  }
0x398: {  	v3 =	vld.idx.msk [tilespmem:v15+s4+$0x0], $0xffff;
	[tilespmem:s31+$0xFFFFFF20] =	vst v4  }
0x399: {  	v4 =	vld.idx.msk [tilespmem:v16+s4+$0x0], $0xffff;
	[tilespmem:s31+$0xFFFFFF50] =	vst v5  }
0x39a: {  	v5 =	vld.idx.msk [tilespmem:v19+s4+$0x0], $0xffff;
	[tilespmem:s31+$0x100] =	vst v7  }
0x39b: {  	v6 =	vld.idx.msk [tilespmem:v23+s4+$0x0], $0xffff;
	[tilespmem:s31+$0xFFFFFF30] =	vst v0  }
0x39c: {  	v0 =	vld.idx.msk [tilespmem:v17+s4+$0x0], $0xffff;
	[tilespmem:s31+$0xFFFFFF40] =	vst v1  }
0x39d: {  	v1 =	vld.idx.msk [tilespmem:v18+s4+$0x0], $0xffff;
	[tilespmem:s31+$0xFFFFFF60] =	vst v2  }
0x39e: {  	v2 =	vld.idx.msk [tilespmem:v20+s4+$0x0], $0xffff;
	[tilespmem:s31+$0xFFFFFF70] =	vst v3  }
0x39f: {  	v3 =	vld.idx.msk [tilespmem:v21+s4+$0x0], $0xffff;
	[tilespmem:s31+$0x0] =	vst v4  }
0x3a0: {  	v4 =	vld.idx.msk [tilespmem:v22+s4+$0x0], $0xffff;
	[tilespmem:s31+$0x30] =	vst v5  }
0x3a1: {  	[tilespmem:s31+$0x70] =	vst v6;
	v5 =	vld.idx.msk [tilespmem:v30+s4+$0x0], $0xffff  }
0x3a2: {  	[tilespmem:s31+$0x10] =	vst v0;
	v0 =	vld.idx.msk [tilespmem:v25+s4+$0x0], $0xffff  }
0x3a3: {  	[tilespmem:s31+$0x20] =	vst v1;
	v1 =	vld.idx.msk [tilespmem:v26+s4+$0x0], $0xffff  }
0x3a4: {  	[tilespmem:s31+$0x40] =	vst v2;
	v2 =	vld.idx.msk [tilespmem:v27+s4+$0x0], $0xffff  }
0x3a5: {  	[tilespmem:s31+$0x50] =	vst v3;
	v3 =	vld.idx.msk [tilespmem:v28+s4+$0x0], $0xffff  }
0x3a6: {  	s29 =	sshll.u32 s28, $0x1;
	s5 =	simm.s32 $0x18D00;
	s0 =	simm.s32 $0x0;
	[tilespmem:s31+$0x60] =	vst v4;
	v4 =	vld.idx.msk [tilespmem:v29+s4+$0x0], $0xffff  }
.LBB2_21:
0x3a7: {  	v6 =	vld [tilespmem:s5+$0x170];
	s0 =	sadd.s32 $0x200, s0;
	[tilespmem:s31+$0x110] =	vst v0  }
0x3a8: {  	v0 =	vld [tilespmem:s5+$0xFFFFFE10];
	p6 =	slt.u32 s0, $0xE00;
	[tilespmem:s31+$0x120] =	vst v1  }
0x3a9: {  	v1 =	vld [tilespmem:s5+$0xFFFFFE20];
	[tilespmem:s31+$0x130] =	vst v2  }
0x3aa: {  	v2 =	vld [tilespmem:s5+$0xFFFFFE30];
	[tilespmem:s31+$0x140] =	vst v3  }
0x3ab: {  	v3 =	vld [tilespmem:s5+$0xFFFFFE40];
	[tilespmem:s31+$0x150] =	vst v4  }
0x3ac: {  	v4 =	vld [tilespmem:s5+$0xFFFFFE50];
	[tilespmem:s31+$0x160] =	vst v5  }
0x3ad: {  	v5 =	vld [tilespmem:s5+$0xFFFFFE60]  }
0x3ae: {  	v7 =	vld [tilespmem:s5+$0xFFFFFE70]  }
0x3af: {  	v6 =	vld.idx.msk [tilespmem:v6+s4+$0x0], $0xffff  }
0x3b0: {  	v8 =	vld [tilespmem:s5+$0xFFFFFF00]  }
0x3b1: {  	v9 =	vld [tilespmem:s5+$0xFFFFFF10]  }
0x3b2: {  	v10 =	vld [tilespmem:s5+$0xFFFFFF20]  }
0x3b3: {  	v11 =	vld [tilespmem:s5+$0xFFFFFF30]  }
0x3b4: {  	s31 =	sadd.s32 $0x400, s31;
	v12 =	vld [tilespmem:s5+$0xFFFFFF40]  }
0x3b5: {  	v13 =	vld [tilespmem:s5+$0xFFFFFF50];
	[tilespmem:s31+$0x170] =	vst v6  }
0x3b6: {  	v6 =	vld [tilespmem:s5+$0xFFFFFF60]  }
0x3b7: {  	v14 =	vld [tilespmem:s5+$0xFFFFFF70]  }
0x3b8: {  	v15 =	vld [tilespmem:s5+$0x0]  }
0x3b9: {  	v16 =	vld [tilespmem:s5+$0x10]  }
0x3ba: {  	v17 =	vld [tilespmem:s5+$0x20]  }
0x3bb: {  	v18 =	vld [tilespmem:s5+$0x30]  }
0x3bc: {  	v19 =	vld [tilespmem:s5+$0x40]  }
0x3bd: {  	v20 =	vld [tilespmem:s5+$0x50]  }
0x3be: {  	v21 =	vld [tilespmem:s5+$0x60]  }
0x3bf: {  	v22 =	vld [tilespmem:s5+$0x70]  }
0x3c0: {  	v23 =	vld [tilespmem:s5+$0x100]  }
0x3c1: {  	v24 =	vld [tilespmem:s5+$0x110]  }
0x3c2: {  	v25 =	vld [tilespmem:s5+$0x120]  }
0x3c3: {  	v26 =	vld [tilespmem:s5+$0x130]  }
0x3c4: {  	v27 =	vld [tilespmem:s5+$0x140]  }
0x3c5: {  	v28 =	vld [tilespmem:s5+$0x150]  }
0x3c6: {  	v29 =	vld [tilespmem:s5+$0x160]  }
0x3c7: {  	v30 =	vld [tilespmem:s5+$0xFFFFFE00]  }
0x3c8: {  	v0 =	vld.idx.msk [tilespmem:v0+s4+$0x0], $0xffff  }
0x3c9: {  	v1 =	vld.idx.msk [tilespmem:v1+s4+$0x0], $0xffff  }
0x3ca: {  	v2 =	vld.idx.msk [tilespmem:v2+s4+$0x0], $0xffff  }
0x3cb: {  	v3 =	vld.idx.msk [tilespmem:v3+s4+$0x0], $0xffff  }
0x3cc: {  	v4 =	vld.idx.msk [tilespmem:v4+s4+$0x0], $0xffff  }
0x3cd: {  	v5 =	vld.idx.msk [tilespmem:v5+s4+$0x0], $0xffff  }
0x3ce: {  	[tilespmem:s31+$0xFFFFFE10] =	vst v0;
	v0 =	vld.idx.msk [tilespmem:v7+s4+$0x0], $0xffff  }
0x3cf: {  	v7 =	vld.idx.msk [tilespmem:v30+s4+$0x0], $0xffff;
	[tilespmem:s31+$0xFFFFFE20] =	vst v1  }
0x3d0: {  	[tilespmem:s31+$0xFFFFFE30] =	vst v2;
	v1 =	vld.idx.msk [tilespmem:v8+s4+$0x0], $0xffff  }
0x3d1: {  	[tilespmem:s31+$0xFFFFFE40] =	vst v3;
	v2 =	vld.idx.msk [tilespmem:v9+s4+$0x0], $0xffff  }
0x3d2: {  	[tilespmem:s31+$0xFFFFFE50] =	vst v4;
	v3 =	vld.idx.msk [tilespmem:v10+s4+$0x0], $0xffff  }
0x3d3: {  	[tilespmem:s31+$0xFFFFFE60] =	vst v5;
	v4 =	vld.idx.msk [tilespmem:v11+s4+$0x0], $0xffff  }
0x3d4: {  	[tilespmem:s31+$0xFFFFFE70] =	vst v0;
	v0 =	vld.idx.msk [tilespmem:v12+s4+$0x0], $0xffff  }
0x3d5: {  	[tilespmem:s31+$0xFFFFFE00] =	vst v7;
	v5 =	vld.idx.msk [tilespmem:v13+s4+$0x0], $0xffff  }
0x3d6: {  	[tilespmem:s31+$0xFFFFFF00] =	vst v1;
	v1 =	vld.idx.msk [tilespmem:v6+s4+$0x0], $0xffff  }
0x3d7: {  	[tilespmem:s31+$0xFFFFFF10] =	vst v2;
	v2 =	vld.idx.msk [tilespmem:v14+s4+$0x0], $0xffff  }
0x3d8: {  	[tilespmem:s31+$0xFFFFFF20] =	vst v3;
	v3 =	vld.idx.msk [tilespmem:v15+s4+$0x0], $0xffff  }
0x3d9: {  	[tilespmem:s31+$0xFFFFFF30] =	vst v4;
	v4 =	vld.idx.msk [tilespmem:v16+s4+$0x0], $0xffff  }
0x3da: {  	[tilespmem:s31+$0xFFFFFF40] =	vst v0;
	v0 =	vld.idx.msk [tilespmem:v17+s4+$0x0], $0xffff  }
0x3db: {  	[tilespmem:s31+$0xFFFFFF50] =	vst v5;
	v5 =	vld.idx.msk [tilespmem:v18+s4+$0x0], $0xffff  }
0x3dc: {  	[tilespmem:s31+$0xFFFFFF60] =	vst v1;
	v1 =	vld.idx.msk [tilespmem:v19+s4+$0x0], $0xffff  }
0x3dd: {  	[tilespmem:s31+$0xFFFFFF70] =	vst v2;
	v2 =	vld.idx.msk [tilespmem:v20+s4+$0x0], $0xffff  }
0x3de: {  	[tilespmem:s31+$0x0] =	vst v3;
	v3 =	vld.idx.msk [tilespmem:v21+s4+$0x0], $0xffff  }
0x3df: {  	[tilespmem:s31+$0x10] =	vst v4;
	v4 =	vld.idx.msk [tilespmem:v22+s4+$0x0], $0xffff  }
0x3e0: {  	[tilespmem:s31+$0x20] =	vst v0;
	v6 =	vld.idx.msk [tilespmem:v23+s4+$0x0], $0xffff  }
0x3e1: {  	[tilespmem:s31+$0x30] =	vst v5;
	v0 =	vld.idx.msk [tilespmem:v24+s4+$0x0], $0xffff  }
.Ltmp13:
0x3e2: {  	[tilespmem:s31+$0x40] =	vst v1;
	v1 =	vld.idx.msk [tilespmem:v25+s4+$0x0], $0xffff;
	(pc) =	sbr.rel @p6 .LBB2_21-.Ltmp13, $4  }
0x3e3: {  	[tilespmem:s31+$0x50] =	vst v2;
	v2 =	vld.idx.msk [tilespmem:v26+s4+$0x0], $0xffff  }
0x3e4: {  	[tilespmem:s31+$0x60] =	vst v3;
	v3 =	vld.idx.msk [tilespmem:v27+s4+$0x0], $0xffff  }
0x3e5: {  	[tilespmem:s31+$0x70] =	vst v4;
	v4 =	vld.idx.msk [tilespmem:v28+s4+$0x0], $0xffff  }
0x3e6: {  	s5 =	sadd.s32 $0x400, s5;
	[tilespmem:s31+$0x100] =	vst v6;
	v5 =	vld.idx.msk [tilespmem:v29+s4+$0x0], $0xffff  }
0x3e7: {  	[tilespmem:s31+$0x110] =	vst v0  }
0x3e8: {  	[tilespmem:s31+$0x120] =	vst v1  }
0x3e9: {  	[tilespmem:s31+$0x130] =	vst v2  }
0x3ea: {  	s0 =	sshll.u32 s28, $0x13;
	s1 =	rddreg [dreg:$0x10]  }
0x3eb: {  	s0 =	sadd.s32 s1, s0  }
0x3ec: {  	[tilespmem:s31+$0x140] =	vst v3;
	s30 =	sshrl.u32 s0, $0x3  }
0x3ed: {  	s5 =	simm.s32 $0x1A700;
	[tilespmem:s31+$0x150] =	vst v4;
	s0 =	sadd.s32 s2, s30  }
0x3ee: {  	s1 =	simm.s32 $0x1A800;
	[tilespmem:s31+$0x160] =	vst v5;
	s31 =	simm.s32 $0x80;
	s11 =	sadd.s32 $0x0, s0  }
.LBB2_23:
0x3ef: {  	[hbm4b:s11+s4] =	stream.linear.scatter [tilespmem:s5], [sflag:$0x3], $0x80, $0x38;
	[tilespmem:$0x1FF00] =	vst v63  }
0x3f0: {  	s11 =	smov.u32 s31;
	s5 =	smov.u32 s1;
	p6 =	sne.s32 s31, $0xF80  }
.Ltmp14:
0x3f1: {  	s31 =	sadd.s32 $0x80, s31;
	(pc) =	sbr.rel @p6 .LBB2_23-.Ltmp14, $2  }
0x3f2: {  	_ =	sdelay $0x2  }
0x3f3: {  	s1 =	sadd.s32 $0x100, s1;
	s11 =	sadd.s32 s11, s0  }
0x3f4: {  	p6 =	sne.s32 s28, $0x18  }
.Ltmp15:
0x3f5: {  	_ = 	snop;
	(pc) =	sbr.rel @p6 .LBB2_26-.Ltmp15, $2  }
0x3f6: {  	_ =	sdelay $0x2  }
0x3f7: {  	[hbm4b:s11+s4] =	stream.linear.scatter [tilespmem:s5], [sflag:$0x3], $0x80, $0x38;
	[tilespmem:$0x1FF00] =	vst v63  }
.Ltmp16:
0x3f8: {  	(pc) =	sbr.rel .LBB2_27-.Ltmp16, $4  }
0x3f9: {  	_ = 	snop  }
0x3fa: {  	_ =	swait.ge [sflag:s19], $0x1000  }
0x3fb: {  	[sflag:s19] =	ssyncset.done $0x0  }
0x3fc: {  	[sflag:s19] =	ssyncadd.s32 $0xFFFFF000  }
.LBB2_26:
0x3fd: {  	s0 =	sadd.s32 $0x2, s29  }
0x3fe: {  	s1 =	sshll.u32 s0, $0xC  }
0x3ff: {  	s0 =	sshll.u32 s0, $0x7;
	s1 =	sand.u32 $0x78000, s1  }
0x400: {  	s0 =	sand.u32 $0x300, s0;
	s1 =	sadd.s32 s1, s3  }
0x401: {  	s11 =	simm.s32 $0x18700;
	s0 =	sadd.s32 s0, s1  }
0x402: {  	[tilespmem:s11], [sflag:$0x1] =	stream.linear.gather [spmem:s0], $0x80, $0x38;
	[tilespmem:$0x1FF00] =	vst v63  }
0x403: {  	s5 =	simm.s32 $0x18800;
	s31 =	sadd.s32 $0x400, s0  }
0x404: {  	[tilespmem:s5], [sflag:$0x1] =	stream.linear.gather [spmem:s31], $0x80, $0x38;
	[tilespmem:$0x1FF00] =	vst v63  }
0x405: {  	s11 =	sadd.s32 $0x800, s0;
	s31 =	simm.s32 $0x18900  }
0x406: {  	[tilespmem:s31], [sflag:$0x1] =	stream.linear.gather [spmem:s11], $0x80, $0x38;
	[tilespmem:$0x1FF00] =	vst v63  }
0x407: {  	s11 =	sadd.s32 $0xC00, s0;
	s31 =	simm.s32 $0x18A00  }
0x408: {  	[tilespmem:s31], [sflag:$0x1] =	stream.linear.gather [spmem:s11], $0x80, $0x38;
	[tilespmem:$0x1FF00] =	vst v63  }
0x409: {  	s11 =	sadd.s32 $0x1000, s0;
	s31 =	simm.s32 $0x18B00  }
0x40a: {  	[tilespmem:s31], [sflag:$0x1] =	stream.linear.gather [spmem:s11], $0x80, $0x38;
	[tilespmem:$0x1FF00] =	vst v63  }
0x40b: {  	s11 =	sadd.s32 $0x1400, s0;
	s31 =	simm.s32 $0x18C00  }
0x40c: {  	[tilespmem:s31], [sflag:$0x1] =	stream.linear.gather [spmem:s11], $0x80, $0x38;
	[tilespmem:$0x1FF00] =	vst v63  }
0x40d: {  	s11 =	sadd.s32 $0x1800, s0;
	s31 =	simm.s32 $0x18D00  }
0x40e: {  	[tilespmem:s31], [sflag:$0x1] =	stream.linear.gather [spmem:s11], $0x80, $0x38;
	[tilespmem:$0x1FF00] =	vst v63  }
0x40f: {  	s11 =	sadd.s32 $0x1C00, s0;
	s31 =	simm.s32 $0x18E00  }
0x410: {  	[tilespmem:s31], [sflag:$0x1] =	stream.linear.gather [spmem:s11], $0x80, $0x38;
	[tilespmem:$0x1FF00] =	vst v63  }
0x411: {  	s11 =	sadd.s32 $0x2000, s0;
	s31 =	simm.s32 $0x18F00  }
0x412: {  	[tilespmem:s31], [sflag:$0x1] =	stream.linear.gather [spmem:s11], $0x80, $0x38;
	[tilespmem:$0x1FF00] =	vst v63  }
0x413: {  	s11 =	sadd.s32 $0x2400, s0;
	s31 =	simm.s32 $0x19000  }
0x414: {  	[tilespmem:s31], [sflag:$0x1] =	stream.linear.gather [spmem:s11], $0x80, $0x38;
	[tilespmem:$0x1FF00] =	vst v63  }
0x415: {  	s11 =	sadd.s32 $0x2800, s0;
	s31 =	simm.s32 $0x19100  }
0x416: {  	[tilespmem:s31], [sflag:$0x1] =	stream.linear.gather [spmem:s11], $0x80, $0x38;
	[tilespmem:$0x1FF00] =	vst v63  }
0x417: {  	s11 =	sadd.s32 $0x2C00, s0;
	s31 =	simm.s32 $0x19200  }
0x418: {  	[tilespmem:s31], [sflag:$0x1] =	stream.linear.gather [spmem:s11], $0x80, $0x38;
	[tilespmem:$0x1FF00] =	vst v63  }
0x419: {  	s11 =	sadd.s32 $0x3000, s0;
	s31 =	simm.s32 $0x19300  }
0x41a: {  	[tilespmem:s31], [sflag:$0x1] =	stream.linear.gather [spmem:s11], $0x80, $0x38;
	[tilespmem:$0x1FF00] =	vst v63  }
0x41b: {  	s11 =	sadd.s32 $0x3400, s0;
	s31 =	simm.s32 $0x19400  }
0x41c: {  	[tilespmem:s31], [sflag:$0x1] =	stream.linear.gather [spmem:s11], $0x80, $0x38;
	[tilespmem:$0x1FF00] =	vst v63  }
0x41d: {  	s11 =	sadd.s32 $0x3800, s0;
	s31 =	simm.s32 $0x19500  }
0x41e: {  	[tilespmem:s31], [sflag:$0x1] =	stream.linear.gather [spmem:s11], $0x80, $0x38;
	[tilespmem:$0x1FF00] =	vst v63  }
0x41f: {  	s11 =	sadd.s32 $0x3C00, s0;
	s31 =	simm.s32 $0x19600  }
0x420: {  	[tilespmem:s31], [sflag:$0x1] =	stream.linear.gather [spmem:s11], $0x80, $0x38;
	[tilespmem:$0x1FF00] =	vst v63  }
0x421: {  	s11 =	sadd.s32 $0x4000, s0;
	s31 =	simm.s32 $0x19700  }
0x422: {  	[tilespmem:s31], [sflag:$0x1] =	stream.linear.gather [spmem:s11], $0x80, $0x38;
	[tilespmem:$0x1FF00] =	vst v63  }
0x423: {  	s11 =	sadd.s32 $0x4400, s0;
	s31 =	simm.s32 $0x19800  }
0x424: {  	[tilespmem:s31], [sflag:$0x1] =	stream.linear.gather [spmem:s11], $0x80, $0x38;
	[tilespmem:$0x1FF00] =	vst v63  }
0x425: {  	s11 =	sadd.s32 $0x4800, s0;
	s31 =	simm.s32 $0x19900  }
0x426: {  	[tilespmem:s31], [sflag:$0x1] =	stream.linear.gather [spmem:s11], $0x80, $0x38;
	[tilespmem:$0x1FF00] =	vst v63  }
0x427: {  	s11 =	sadd.s32 $0x4C00, s0;
	s31 =	simm.s32 $0x19A00  }
0x428: {  	[tilespmem:s31], [sflag:$0x1] =	stream.linear.gather [spmem:s11], $0x80, $0x38;
	[tilespmem:$0x1FF00] =	vst v63  }
0x429: {  	s11 =	sadd.s32 $0x5000, s0;
	s31 =	simm.s32 $0x19B00  }
0x42a: {  	[tilespmem:s31], [sflag:$0x1] =	stream.linear.gather [spmem:s11], $0x80, $0x38;
	[tilespmem:$0x1FF00] =	vst v63  }
0x42b: {  	s11 =	sadd.s32 $0x5400, s0;
	s31 =	simm.s32 $0x19C00  }
0x42c: {  	[tilespmem:s31], [sflag:$0x1] =	stream.linear.gather [spmem:s11], $0x80, $0x38;
	[tilespmem:$0x1FF00] =	vst v63  }
0x42d: {  	s11 =	sadd.s32 $0x5800, s0;
	s31 =	simm.s32 $0x19D00  }
0x42e: {  	[tilespmem:s31], [sflag:$0x1] =	stream.linear.gather [spmem:s11], $0x80, $0x38;
	[tilespmem:$0x1FF00] =	vst v63  }
0x42f: {  	s11 =	sadd.s32 $0x5C00, s0;
	s31 =	simm.s32 $0x19E00  }
0x430: {  	[tilespmem:s31], [sflag:$0x1] =	stream.linear.gather [spmem:s11], $0x80, $0x38;
	[tilespmem:$0x1FF00] =	vst v63  }
0x431: {  	s11 =	sadd.s32 $0x6000, s0;
	s31 =	simm.s32 $0x19F00  }
0x432: {  	[tilespmem:s31], [sflag:$0x1] =	stream.linear.gather [spmem:s11], $0x80, $0x38;
	[tilespmem:$0x1FF00] =	vst v63  }
0x433: {  	s11 =	sadd.s32 $0x6400, s0;
	s31 =	simm.s32 $0x1A000  }
0x434: {  	[tilespmem:s31], [sflag:$0x1] =	stream.linear.gather [spmem:s11], $0x80, $0x38;
	[tilespmem:$0x1FF00] =	vst v63  }
0x435: {  	s11 =	sadd.s32 $0x6800, s0;
	s31 =	simm.s32 $0x1A100  }
0x436: {  	[tilespmem:s31], [sflag:$0x1] =	stream.linear.gather [spmem:s11], $0x80, $0x38;
	[tilespmem:$0x1FF00] =	vst v63  }
0x437: {  	s11 =	sadd.s32 $0x6C00, s0;
	s31 =	simm.s32 $0x1A200  }
0x438: {  	[tilespmem:s31], [sflag:$0x1] =	stream.linear.gather [spmem:s11], $0x80, $0x38;
	[tilespmem:$0x1FF00] =	vst v63  }
0x439: {  	s11 =	sadd.s32 $0x7000, s0;
	s31 =	simm.s32 $0x1A300  }
0x43a: {  	[tilespmem:s31], [sflag:$0x1] =	stream.linear.gather [spmem:s11], $0x80, $0x38;
	[tilespmem:$0x1FF00] =	vst v63  }
0x43b: {  	s11 =	sadd.s32 $0x7400, s0;
	s31 =	simm.s32 $0x1A400  }
0x43c: {  	[tilespmem:s31], [sflag:$0x1] =	stream.linear.gather [spmem:s11], $0x80, $0x38;
	[tilespmem:$0x1FF00] =	vst v63  }
0x43d: {  	s5 =	sadd.s32 $0x7800, s0;
	s11 =	simm.s32 $0x1A500  }
0x43e: {  	[tilespmem:s11], [sflag:$0x1] =	stream.linear.gather [spmem:s5], $0x80, $0x38;
	[tilespmem:$0x1FF00] =	vst v63  }
.Ltmp17:
0x43f: {  	s0 =	sadd.s32 $0x7C00, s0;
	s31 =	simm.s32 $0x1A600;
	(pc) =	sbr.rel @p5 .LBB2_28-.Ltmp17, $4  }
0x440: {  	[tilespmem:s31], [sflag:$0x1] =	stream.linear.gather [spmem:s0], $0x80, $0x38;
	[tilespmem:$0x1FF00] =	vst v63  }
0x441: {  	_ =	swait.ge [sflag:s19], $0x1000  }
0x442: {  	[sflag:s19] =	ssyncset.done $0x0  }
0x443: {  	[sflag:s19] =	ssyncadd.s32 $0xFFFFF000  }
.LBB2_27:
0x444: {  	_ =	swait.ge [sflag:s26], $0x1000  }
0x445: {  	[sflag:s26] =	ssyncset.done $0x0  }
0x446: {  	[sflag:s26] =	ssyncadd.s32 $0xFFFFF000  }
.LBB2_28:
0x447: {  	s0 =	simm.s32 $0x18980  }
0x448: {  	v0 =	vld [tilespmem:s0+$0x170]  }
0x449: {  	v1 =	vld [tilespmem:s0+$0xFFFFFE10]  }
0x44a: {  	v2 =	vld [tilespmem:s0+$0xFFFFFE20]  }
0x44b: {  	v3 =	vld [tilespmem:s0+$0xFFFFFE30]  }
0x44c: {  	v4 =	vld [tilespmem:s0+$0xFFFFFE40]  }
0x44d: {  	v5 =	vld [tilespmem:s0+$0xFFFFFE50]  }
0x44e: {  	v6 =	vld [tilespmem:s0+$0xFFFFFE60]  }
0x44f: {  	v7 =	vld [tilespmem:s0+$0xFFFFFE70]  }
0x450: {  	v8 =	vld [tilespmem:s0+$0xFFFFFF00]  }
0x451: {  	v9 =	vld [tilespmem:s0+$0xFFFFFF10]  }
0x452: {  	v10 =	vld [tilespmem:s0+$0xFFFFFF20]  }
0x453: {  	v11 =	vld [tilespmem:s0+$0xFFFFFF30]  }
0x454: {  	v12 =	vld [tilespmem:s0+$0xFFFFFF40]  }
0x455: {  	v13 =	vld [tilespmem:s0+$0xFFFFFF50]  }
0x456: {  	v14 =	vld [tilespmem:s0+$0xFFFFFF60]  }
0x457: {  	v15 =	vld [tilespmem:s0+$0xFFFFFF70]  }
0x458: {  	v16 =	vld [tilespmem:s0+$0x0]  }
0x459: {  	v17 =	vld [tilespmem:s0+$0x10]  }
0x45a: {  	v18 =	vld [tilespmem:s0+$0x20]  }
0x45b: {  	v19 =	vld [tilespmem:s0+$0x30]  }
0x45c: {  	v20 =	vld [tilespmem:s0+$0x40]  }
0x45d: {  	v21 =	vld [tilespmem:s0+$0x50]  }
0x45e: {  	v22 =	vld [tilespmem:s0+$0x60]  }
0x45f: {  	v23 =	vld [tilespmem:s0+$0x70]  }
0x460: {  	v24 =	vld [tilespmem:s0+$0x100]  }
0x461: {  	v25 =	vld [tilespmem:s0+$0x110]  }
0x462: {  	v26 =	vld [tilespmem:s0+$0x120]  }
0x463: {  	v27 =	vld [tilespmem:s0+$0x130]  }
0x464: {  	v28 =	vld [tilespmem:s0+$0x140]  }
0x465: {  	v29 =	vld [tilespmem:s0+$0x150]  }
0x466: {  	v30 =	vld [tilespmem:s0+$0x160]  }
0x467: {  	v31 =	vld [tilespmem:s0+$0xFFFFFE00]  }
0x468: {  	v0 =	vld.idx.msk [tilespmem:v0+s4+$0x0], $0xffff  }
0x469: {  	v1 =	vld.idx.msk [tilespmem:v1+s4+$0x0], $0xffff  }
0x46a: {  	v2 =	vld.idx.msk [tilespmem:v2+s4+$0x0], $0xffff  }
0x46b: {  	v3 =	vld.idx.msk [tilespmem:v3+s4+$0x0], $0xffff  }
0x46c: {  	v4 =	vld.idx.msk [tilespmem:v4+s4+$0x0], $0xffff  }
0x46d: {  	s31 =	simm.s32 $0x1A980;
	v5 =	vld.idx.msk [tilespmem:v5+s4+$0x0], $0xffff  }
0x46e: {  	[tilespmem:s31+$0x170] =	vst v0;
	v0 =	vld.idx.msk [tilespmem:v6+s4+$0x0], $0xffff  }
0x46f: {  	[tilespmem:s31+$0xFFFFFE10] =	vst v1;
	v1 =	vld.idx.msk [tilespmem:v7+s4+$0x0], $0xffff  }
0x470: {  	v6 =	vld.idx.msk [tilespmem:v31+s4+$0x0], $0xffff;
	[tilespmem:s31+$0xFFFFFE20] =	vst v2  }
0x471: {  	[tilespmem:s31+$0xFFFFFE30] =	vst v3;
	v2 =	vld.idx.msk [tilespmem:v8+s4+$0x0], $0xffff  }
0x472: {  	[tilespmem:s31+$0xFFFFFE40] =	vst v4;
	v3 =	vld.idx.msk [tilespmem:v9+s4+$0x0], $0xffff  }
0x473: {  	[tilespmem:s31+$0xFFFFFE50] =	vst v5;
	v4 =	vld.idx.msk [tilespmem:v10+s4+$0x0], $0xffff  }
0x474: {  	v5 =	vld.idx.msk [tilespmem:v13+s4+$0x0], $0xffff;
	[tilespmem:s31+$0xFFFFFE60] =	vst v0  }
0x475: {  	v7 =	vld.idx.msk [tilespmem:v24+s4+$0x0], $0xffff;
	[tilespmem:s31+$0xFFFFFE70] =	vst v1  }
0x476: {  	v0 =	vld.idx.msk [tilespmem:v11+s4+$0x0], $0xffff;
	[tilespmem:s31+$0xFFFFFE00] =	vst v6  }
0x477: {  	v1 =	vld.idx.msk [tilespmem:v12+s4+$0x0], $0xffff;
	[tilespmem:s31+$0xFFFFFF00] =	vst v2  }
0x478: {  	v2 =	vld.idx.msk [tilespmem:v14+s4+$0x0], $0xffff;
	[tilespmem:s31+$0xFFFFFF10] =	vst v3  }
0x479: {  	v3 =	vld.idx.msk [tilespmem:v15+s4+$0x0], $0xffff;
	[tilespmem:s31+$0xFFFFFF20] =	vst v4  }
0x47a: {  	v4 =	vld.idx.msk [tilespmem:v16+s4+$0x0], $0xffff;
	[tilespmem:s31+$0xFFFFFF50] =	vst v5  }
0x47b: {  	v5 =	vld.idx.msk [tilespmem:v19+s4+$0x0], $0xffff;
	[tilespmem:s31+$0x100] =	vst v7  }
0x47c: {  	v6 =	vld.idx.msk [tilespmem:v23+s4+$0x0], $0xffff;
	[tilespmem:s31+$0xFFFFFF30] =	vst v0  }
0x47d: {  	v0 =	vld.idx.msk [tilespmem:v17+s4+$0x0], $0xffff;
	[tilespmem:s31+$0xFFFFFF40] =	vst v1  }
0x47e: {  	v1 =	vld.idx.msk [tilespmem:v18+s4+$0x0], $0xffff;
	[tilespmem:s31+$0xFFFFFF60] =	vst v2  }
0x47f: {  	v2 =	vld.idx.msk [tilespmem:v20+s4+$0x0], $0xffff;
	[tilespmem:s31+$0xFFFFFF70] =	vst v3  }
0x480: {  	v3 =	vld.idx.msk [tilespmem:v21+s4+$0x0], $0xffff;
	[tilespmem:s31+$0x0] =	vst v4  }
0x481: {  	v4 =	vld.idx.msk [tilespmem:v22+s4+$0x0], $0xffff;
	[tilespmem:s31+$0x30] =	vst v5  }
0x482: {  	[tilespmem:s31+$0x70] =	vst v6;
	v5 =	vld.idx.msk [tilespmem:v30+s4+$0x0], $0xffff  }
0x483: {  	[tilespmem:s31+$0x10] =	vst v0;
	v0 =	vld.idx.msk [tilespmem:v25+s4+$0x0], $0xffff  }
0x484: {  	[tilespmem:s31+$0x20] =	vst v1;
	v1 =	vld.idx.msk [tilespmem:v26+s4+$0x0], $0xffff  }
0x485: {  	[tilespmem:s31+$0x40] =	vst v2;
	v2 =	vld.idx.msk [tilespmem:v27+s4+$0x0], $0xffff  }
0x486: {  	[tilespmem:s31+$0x50] =	vst v3;
	v3 =	vld.idx.msk [tilespmem:v28+s4+$0x0], $0xffff  }
0x487: {  	s5 =	simm.s32 $0x18D80;
	s0 =	simm.s32 $0x0;
	[tilespmem:s31+$0x60] =	vst v4;
	v4 =	vld.idx.msk [tilespmem:v29+s4+$0x0], $0xffff  }
.LBB2_29:
0x488: {  	v6 =	vld [tilespmem:s5+$0x170];
	s0 =	sadd.s32 $0x200, s0;
	[tilespmem:s31+$0x110] =	vst v0  }
0x489: {  	v0 =	vld [tilespmem:s5+$0xFFFFFE10];
	p5 =	slt.u32 s0, $0xE00;
	[tilespmem:s31+$0x120] =	vst v1  }
0x48a: {  	v1 =	vld [tilespmem:s5+$0xFFFFFE20];
	[tilespmem:s31+$0x130] =	vst v2  }
0x48b: {  	v2 =	vld [tilespmem:s5+$0xFFFFFE30];
	[tilespmem:s31+$0x140] =	vst v3  }
0x48c: {  	v3 =	vld [tilespmem:s5+$0xFFFFFE40];
	[tilespmem:s31+$0x150] =	vst v4  }
0x48d: {  	v4 =	vld [tilespmem:s5+$0xFFFFFE50];
	[tilespmem:s31+$0x160] =	vst v5  }
0x48e: {  	v5 =	vld [tilespmem:s5+$0xFFFFFE60]  }
0x48f: {  	v7 =	vld [tilespmem:s5+$0xFFFFFE70]  }
0x490: {  	v6 =	vld.idx.msk [tilespmem:v6+s4+$0x0], $0xffff  }
0x491: {  	v8 =	vld [tilespmem:s5+$0xFFFFFF00]  }
0x492: {  	v9 =	vld [tilespmem:s5+$0xFFFFFF10]  }
0x493: {  	v10 =	vld [tilespmem:s5+$0xFFFFFF20]  }
0x494: {  	v11 =	vld [tilespmem:s5+$0xFFFFFF30]  }
0x495: {  	s31 =	sadd.s32 $0x400, s31;
	v12 =	vld [tilespmem:s5+$0xFFFFFF40]  }
0x496: {  	v13 =	vld [tilespmem:s5+$0xFFFFFF50];
	[tilespmem:s31+$0x170] =	vst v6  }
0x497: {  	v6 =	vld [tilespmem:s5+$0xFFFFFF60]  }
0x498: {  	v14 =	vld [tilespmem:s5+$0xFFFFFF70]  }
0x499: {  	v15 =	vld [tilespmem:s5+$0x0]  }
0x49a: {  	v16 =	vld [tilespmem:s5+$0x10]  }
0x49b: {  	v17 =	vld [tilespmem:s5+$0x20]  }
0x49c: {  	v18 =	vld [tilespmem:s5+$0x30]  }
0x49d: {  	v19 =	vld [tilespmem:s5+$0x40]  }
0x49e: {  	v20 =	vld [tilespmem:s5+$0x50]  }
0x49f: {  	v21 =	vld [tilespmem:s5+$0x60]  }
0x4a0: {  	v22 =	vld [tilespmem:s5+$0x70]  }
0x4a1: {  	v23 =	vld [tilespmem:s5+$0x100]  }
0x4a2: {  	v24 =	vld [tilespmem:s5+$0x110]  }
0x4a3: {  	v25 =	vld [tilespmem:s5+$0x120]  }
0x4a4: {  	v26 =	vld [tilespmem:s5+$0x130]  }
0x4a5: {  	v27 =	vld [tilespmem:s5+$0x140]  }
0x4a6: {  	v28 =	vld [tilespmem:s5+$0x150]  }
0x4a7: {  	v29 =	vld [tilespmem:s5+$0x160]  }
0x4a8: {  	v30 =	vld [tilespmem:s5+$0xFFFFFE00]  }
0x4a9: {  	v0 =	vld.idx.msk [tilespmem:v0+s4+$0x0], $0xffff  }
0x4aa: {  	v1 =	vld.idx.msk [tilespmem:v1+s4+$0x0], $0xffff  }
0x4ab: {  	v2 =	vld.idx.msk [tilespmem:v2+s4+$0x0], $0xffff  }
0x4ac: {  	v3 =	vld.idx.msk [tilespmem:v3+s4+$0x0], $0xffff  }
0x4ad: {  	v4 =	vld.idx.msk [tilespmem:v4+s4+$0x0], $0xffff  }
0x4ae: {  	v5 =	vld.idx.msk [tilespmem:v5+s4+$0x0], $0xffff  }
0x4af: {  	[tilespmem:s31+$0xFFFFFE10] =	vst v0;
	v0 =	vld.idx.msk [tilespmem:v7+s4+$0x0], $0xffff  }
0x4b0: {  	v7 =	vld.idx.msk [tilespmem:v30+s4+$0x0], $0xffff;
	[tilespmem:s31+$0xFFFFFE20] =	vst v1  }
0x4b1: {  	[tilespmem:s31+$0xFFFFFE30] =	vst v2;
	v1 =	vld.idx.msk [tilespmem:v8+s4+$0x0], $0xffff  }
0x4b2: {  	[tilespmem:s31+$0xFFFFFE40] =	vst v3;
	v2 =	vld.idx.msk [tilespmem:v9+s4+$0x0], $0xffff  }
0x4b3: {  	[tilespmem:s31+$0xFFFFFE50] =	vst v4;
	v3 =	vld.idx.msk [tilespmem:v10+s4+$0x0], $0xffff  }
0x4b4: {  	[tilespmem:s31+$0xFFFFFE60] =	vst v5;
	v4 =	vld.idx.msk [tilespmem:v11+s4+$0x0], $0xffff  }
0x4b5: {  	[tilespmem:s31+$0xFFFFFE70] =	vst v0;
	v0 =	vld.idx.msk [tilespmem:v12+s4+$0x0], $0xffff  }
0x4b6: {  	[tilespmem:s31+$0xFFFFFE00] =	vst v7;
	v5 =	vld.idx.msk [tilespmem:v13+s4+$0x0], $0xffff  }
0x4b7: {  	[tilespmem:s31+$0xFFFFFF00] =	vst v1;
	v1 =	vld.idx.msk [tilespmem:v6+s4+$0x0], $0xffff  }
0x4b8: {  	[tilespmem:s31+$0xFFFFFF10] =	vst v2;
	v2 =	vld.idx.msk [tilespmem:v14+s4+$0x0], $0xffff  }
0x4b9: {  	[tilespmem:s31+$0xFFFFFF20] =	vst v3;
	v3 =	vld.idx.msk [tilespmem:v15+s4+$0x0], $0xffff  }
0x4ba: {  	[tilespmem:s31+$0xFFFFFF30] =	vst v4;
	v4 =	vld.idx.msk [tilespmem:v16+s4+$0x0], $0xffff  }
0x4bb: {  	[tilespmem:s31+$0xFFFFFF40] =	vst v0;
	v0 =	vld.idx.msk [tilespmem:v17+s4+$0x0], $0xffff  }
0x4bc: {  	[tilespmem:s31+$0xFFFFFF50] =	vst v5;
	v5 =	vld.idx.msk [tilespmem:v18+s4+$0x0], $0xffff  }
0x4bd: {  	[tilespmem:s31+$0xFFFFFF60] =	vst v1;
	v1 =	vld.idx.msk [tilespmem:v19+s4+$0x0], $0xffff  }
0x4be: {  	[tilespmem:s31+$0xFFFFFF70] =	vst v2;
	v2 =	vld.idx.msk [tilespmem:v20+s4+$0x0], $0xffff  }
0x4bf: {  	[tilespmem:s31+$0x0] =	vst v3;
	v3 =	vld.idx.msk [tilespmem:v21+s4+$0x0], $0xffff  }
0x4c0: {  	[tilespmem:s31+$0x10] =	vst v4;
	v4 =	vld.idx.msk [tilespmem:v22+s4+$0x0], $0xffff  }
0x4c1: {  	[tilespmem:s31+$0x20] =	vst v0;
	v6 =	vld.idx.msk [tilespmem:v23+s4+$0x0], $0xffff  }
0x4c2: {  	[tilespmem:s31+$0x30] =	vst v5;
	v0 =	vld.idx.msk [tilespmem:v24+s4+$0x0], $0xffff  }
.Ltmp18:
0x4c3: {  	[tilespmem:s31+$0x40] =	vst v1;
	v1 =	vld.idx.msk [tilespmem:v25+s4+$0x0], $0xffff;
	(pc) =	sbr.rel @p5 .LBB2_29-.Ltmp18, $4  }
0x4c4: {  	[tilespmem:s31+$0x50] =	vst v2;
	v2 =	vld.idx.msk [tilespmem:v26+s4+$0x0], $0xffff  }
0x4c5: {  	[tilespmem:s31+$0x60] =	vst v3;
	v3 =	vld.idx.msk [tilespmem:v27+s4+$0x0], $0xffff  }
0x4c6: {  	[tilespmem:s31+$0x70] =	vst v4;
	v4 =	vld.idx.msk [tilespmem:v28+s4+$0x0], $0xffff  }
0x4c7: {  	s5 =	sadd.s32 $0x400, s5;
	[tilespmem:s31+$0x100] =	vst v6;
	v5 =	vld.idx.msk [tilespmem:v29+s4+$0x0], $0xffff  }
0x4c8: {  	[tilespmem:s31+$0x110] =	vst v0  }
0x4c9: {  	[tilespmem:s31+$0x120] =	vst v1  }
0x4ca: {  	[tilespmem:s31+$0x130] =	vst v2  }
0x4cb: {  	s0 =	sor.u32 $0x8000, s30;
	[tilespmem:s31+$0x140] =	vst v3  }
0x4cc: {  	s5 =	simm.s32 $0x1A780;
	s0 =	sadd.s32 s2, s0;
	[tilespmem:s31+$0x150] =	vst v4  }
0x4cd: {  	s30 =	simm.s32 $0x80;
	s1 =	simm.s32 $0x1A880;
	s11 =	sadd.s32 $0x0, s0;
	[tilespmem:s31+$0x160] =	vst v5  }
.LBB2_31:
0x4ce: {  	[hbm4b:s11+s4] =	stream.linear.scatter [tilespmem:s5], [sflag:$0x4], $0x80, $0x38;
	[tilespmem:$0x1FF00] =	vst v63  }
0x4cf: {  	s11 =	smov.u32 s30;
	s5 =	smov.u32 s1;
	p5 =	sne.s32 s30, $0xF80  }
.Ltmp19:
0x4d0: {  	s30 =	sadd.s32 $0x80, s30;
	(pc) =	sbr.rel @p5 .LBB2_31-.Ltmp19, $2  }
0x4d1: {  	_ =	sdelay $0x2  }
0x4d2: {  	s1 =	sadd.s32 $0x100, s1;
	s11 =	sadd.s32 s11, s0  }
0x4d3: {  	p5 =	seq.s32 s28, $0x18  }
.Ltmp20:
0x4d4: {  	_ = 	snop;
	(pc) =	sbr.rel @p5 .LBB2_34-.Ltmp20, $2  }
0x4d5: {  	_ =	sdelay $0x2  }
0x4d6: {  	[hbm4b:s11+s4] =	stream.linear.scatter [tilespmem:s5], [sflag:$0x4], $0x80, $0x38;
	[tilespmem:$0x1FF00] =	vst v63  }
0x4d7: {  	s0 =	sadd.s32 $0x3, s29  }
0x4d8: {  	s1 =	sshll.u32 s0, $0xC  }
0x4d9: {  	s0 =	sshll.u32 s0, $0x7;
	s1 =	sand.u32 $0x78000, s1  }
0x4da: {  	s0 =	sand.u32 $0x380, s0;
	s1 =	sadd.s32 s1, s3  }
0x4db: {  	s11 =	simm.s32 $0x18780;
	s0 =	sadd.s32 s0, s1  }
0x4dc: {  	[tilespmem:s11], [sflag:$0x2] =	stream.linear.gather [spmem:s0], $0x80, $0x38;
	[tilespmem:$0x1FF00] =	vst v63  }
0x4dd: {  	s5 =	simm.s32 $0x18880;
	s29 =	sadd.s32 $0x400, s0  }
0x4de: {  	[tilespmem:s5], [sflag:$0x2] =	stream.linear.gather [spmem:s29], $0x80, $0x38;
	[tilespmem:$0x1FF00] =	vst v63  }
0x4df: {  	s31 =	simm.s32 $0x18980;
	s30 =	sadd.s32 $0x800, s0  }
0x4e0: {  	[tilespmem:s31], [sflag:$0x2] =	stream.linear.gather [spmem:s30], $0x80, $0x38;
	[tilespmem:$0x1FF00] =	vst v63  }
0x4e1: {  	s11 =	sadd.s32 $0xC00, s0;
	s29 =	simm.s32 $0x18A80  }
0x4e2: {  	[tilespmem:s29], [sflag:$0x2] =	stream.linear.gather [spmem:s11], $0x80, $0x38;
	[tilespmem:$0x1FF00] =	vst v63  }
0x4e3: {  	s30 =	sadd.s32 $0x1000, s0;
	s31 =	simm.s32 $0x18B80  }
0x4e4: {  	[tilespmem:s31], [sflag:$0x2] =	stream.linear.gather [spmem:s30], $0x80, $0x38;
	[tilespmem:$0x1FF00] =	vst v63  }
0x4e5: {  	s11 =	sadd.s32 $0x1400, s0;
	s29 =	simm.s32 $0x18C80  }
0x4e6: {  	[tilespmem:s29], [sflag:$0x2] =	stream.linear.gather [spmem:s11], $0x80, $0x38;
	[tilespmem:$0x1FF00] =	vst v63  }
0x4e7: {  	s30 =	sadd.s32 $0x1800, s0;
	s31 =	simm.s32 $0x18D80  }
0x4e8: {  	[tilespmem:s31], [sflag:$0x2] =	stream.linear.gather [spmem:s30], $0x80, $0x38;
	[tilespmem:$0x1FF00] =	vst v63  }
0x4e9: {  	s11 =	sadd.s32 $0x1C00, s0;
	s29 =	simm.s32 $0x18E80  }
0x4ea: {  	[tilespmem:s29], [sflag:$0x2] =	stream.linear.gather [spmem:s11], $0x80, $0x38;
	[tilespmem:$0x1FF00] =	vst v63  }
0x4eb: {  	s30 =	sadd.s32 $0x2000, s0;
	s31 =	simm.s32 $0x18F80  }
0x4ec: {  	[tilespmem:s31], [sflag:$0x2] =	stream.linear.gather [spmem:s30], $0x80, $0x38;
	[tilespmem:$0x1FF00] =	vst v63  }
0x4ed: {  	s11 =	sadd.s32 $0x2400, s0;
	s29 =	simm.s32 $0x19080  }
0x4ee: {  	[tilespmem:s29], [sflag:$0x2] =	stream.linear.gather [spmem:s11], $0x80, $0x38;
	[tilespmem:$0x1FF00] =	vst v63  }
0x4ef: {  	s30 =	sadd.s32 $0x2800, s0;
	s31 =	simm.s32 $0x19180  }
0x4f0: {  	[tilespmem:s31], [sflag:$0x2] =	stream.linear.gather [spmem:s30], $0x80, $0x38;
	[tilespmem:$0x1FF00] =	vst v63  }
0x4f1: {  	s11 =	sadd.s32 $0x2C00, s0;
	s29 =	simm.s32 $0x19280  }
0x4f2: {  	[tilespmem:s29], [sflag:$0x2] =	stream.linear.gather [spmem:s11], $0x80, $0x38;
	[tilespmem:$0x1FF00] =	vst v63  }
0x4f3: {  	s30 =	sadd.s32 $0x3000, s0;
	s31 =	simm.s32 $0x19380  }
0x4f4: {  	[tilespmem:s31], [sflag:$0x2] =	stream.linear.gather [spmem:s30], $0x80, $0x38;
	[tilespmem:$0x1FF00] =	vst v63  }
0x4f5: {  	s5 =	sadd.s32 $0x3400, s0;
	s11 =	simm.s32 $0x19480  }
0x4f6: {  	[tilespmem:s11], [sflag:$0x2] =	stream.linear.gather [spmem:s5], $0x80, $0x38;
	[tilespmem:$0x1FF00] =	vst v63  }
0x4f7: {  	s29 =	sadd.s32 $0x3800, s0;
	s30 =	simm.s32 $0x19580  }
0x4f8: {  	[tilespmem:s30], [sflag:$0x2] =	stream.linear.gather [spmem:s29], $0x80, $0x38;
	[tilespmem:$0x1FF00] =	vst v63  }
0x4f9: {  	s31 =	sadd.s32 $0x3C00, s0  }
0x4fa: {  	[tilespmem:s12], [sflag:$0x2] =	stream.linear.gather [spmem:s31], $0x80, $0x38;
	[tilespmem:$0x1FF00] =	vst v63  }
0x4fb: {  	s5 =	sadd.s32 $0x4000, s0  }
0x4fc: {  	[tilespmem:s20], [sflag:$0x2] =	stream.linear.gather [spmem:s5], $0x80, $0x38;
	[tilespmem:$0x1FF00] =	vst v63  }
0x4fd: {  	s11 =	sadd.s32 $0x4400, s0  }
0x4fe: {  	[tilespmem:s21], [sflag:$0x2] =	stream.linear.gather [spmem:s11], $0x80, $0x38;
	[tilespmem:$0x1FF00] =	vst v63  }
0x4ff: {  	s29 =	sadd.s32 $0x4800, s0  }
0x500: {  	[tilespmem:s7], [sflag:$0x2] =	stream.linear.gather [spmem:s29], $0x80, $0x38;
	[tilespmem:$0x1FF00] =	vst v63  }
0x501: {  	s30 =	sadd.s32 $0x4C00, s0  }
0x502: {  	[tilespmem:s8], [sflag:$0x2] =	stream.linear.gather [spmem:s30], $0x80, $0x38;
	[tilespmem:$0x1FF00] =	vst v63  }
0x503: {  	s31 =	sadd.s32 $0x5000, s0  }
0x504: {  	[tilespmem:s9], [sflag:$0x2] =	stream.linear.gather [spmem:s31], $0x80, $0x38;
	[tilespmem:$0x1FF00] =	vst v63  }
0x505: {  	s5 =	sadd.s32 $0x5400, s0  }
0x506: {  	[tilespmem:s22], [sflag:$0x2] =	stream.linear.gather [spmem:s5], $0x80, $0x38;
	[tilespmem:$0x1FF00] =	vst v63  }
0x507: {  	s11 =	sadd.s32 $0x5800, s0  }
0x508: {  	[tilespmem:s24], [sflag:$0x2] =	stream.linear.gather [spmem:s11], $0x80, $0x38;
	[tilespmem:$0x1FF00] =	vst v63  }
0x509: {  	s29 =	sadd.s32 $0x5C00, s0  }
0x50a: {  	[tilespmem:s25], [sflag:$0x2] =	stream.linear.gather [spmem:s29], $0x80, $0x38;
	[tilespmem:$0x1FF00] =	vst v63  }
0x50b: {  	s30 =	sadd.s32 $0x6000, s0  }
0x50c: {  	[tilespmem:s13], [sflag:$0x2] =	stream.linear.gather [spmem:s30], $0x80, $0x38;
	[tilespmem:$0x1FF00] =	vst v63  }
0x50d: {  	s31 =	sadd.s32 $0x6400, s0  }
0x50e: {  	[tilespmem:s10], [sflag:$0x2] =	stream.linear.gather [spmem:s31], $0x80, $0x38;
	[tilespmem:$0x1FF00] =	vst v63  }
0x50f: {  	s5 =	sadd.s32 $0x6800, s0  }
0x510: {  	[tilespmem:s15], [sflag:$0x2] =	stream.linear.gather [spmem:s5], $0x80, $0x38;
	[tilespmem:$0x1FF00] =	vst v63  }
0x511: {  	s11 =	sadd.s32 $0x6C00, s0  }
0x512: {  	[tilespmem:s17], [sflag:$0x2] =	stream.linear.gather [spmem:s11], $0x80, $0x38;
	[tilespmem:$0x1FF00] =	vst v63  }
0x513: {  	s29 =	sadd.s32 $0x7000, s0  }
0x514: {  	[tilespmem:s16], [sflag:$0x2] =	stream.linear.gather [spmem:s29], $0x80, $0x38;
	[tilespmem:$0x1FF00] =	vst v63  }
0x515: {  	s30 =	sadd.s32 $0x7400, s0  }
0x516: {  	[tilespmem:s18], [sflag:$0x2] =	stream.linear.gather [spmem:s30], $0x80, $0x38;
	[tilespmem:$0x1FF00] =	vst v63  }
.Ltmp21:
0x517: {  	_ = 	snop;
	(pc) =	sbr.rel .LBB2_20-.Ltmp21, $4  }
0x518: {  	s31 =	sadd.s32 $0x7800, s0  }
0x519: {  	[tilespmem:s6], [sflag:$0x2] =	stream.linear.gather [spmem:s31], $0x80, $0x38;
	[tilespmem:$0x1FF00] =	vst v63  }
0x51a: {  	s28 =	sadd.s32 $0x1, s28;
	s0 =	sadd.s32 $0x7C00, s0  }
0x51b: {  	[tilespmem:s23], [sflag:$0x2] =	stream.linear.gather [spmem:s0], $0x80, $0x38;
	[tilespmem:$0x1FF00] =	vst v63  }
.LBB2_35:
0x51c: {  	_ =	sfence.sel $0x180000  }
0x51d: {  	[bflag:$0x0] =	sbarrier.arrive $0xFFFF  }
0x51e: {  	_ =	strace $0x90000047  }
0x51f: {  	s0 =	stileid.u32;
	[bflag:$0x2] =	sbarrier.arrive $0xFFFF  }
0x520: {  	p0 =	sne.s32 s0, $0x0;
	s0 =	rddreg [dreg:$0x4]  }
0x521: {  	s0 =	sadd.s32 @!p0 $0x100000, s0  }
0x522: {  	[sflag:s0] =	ssyncadd.tile.s32 @!p0 $0x1;
	_ =	shalt  }
.Lfunc_end2:
_tile_overlayer_lowered:
.L_overlay_start_2:
0x523: {  	(tag) =	ssettag $0x2  }
0x524: {  	s0 =	rddreg [dreg:$0x0];
	s2 =	stileid.u32  }
0x525: {  	s1 =	rddreg [dreg:$0x1];
	p0 =	sne.s32 s2, $0x0  }
0x526: {  	s3 =	rddreg [dreg:$0x2];
	[bflag:$0x3] =	sbarrier.arrive $0xFFFF;
	s2 =	simm.s32 @!p0 $0x1C05  }
0x527: {  	[timem:s3], [sflag:s2] =	dma.local @!p0 [hbm:s0], s1  }
0x528: {  	s0 =	simm.s32 @!p0 $0x5  }
0x529: {  	_ =	swait.ge @!p0 [sflag:s0], s1  }
0x52a: {  	s1 =	ssub.s32 @!p0 $0x0, s1;
	[sflag:s0] =	ssyncset.done @!p0 $0x0  }
0x52b: {  	[sflag:s0] =	ssyncadd.s32 @!p0 s1  }
0x52c: {  	[bflag:$0x3] =	sbarrier.arrive $0xFFFF  }
0x52d: {  	_ =	shalt  }

</sc_bundles>
